<compile_context>
chip_gen: v7x
topology: tpu7x:2x2x1
jax: 0.10.2.dev20260603
libtpu: 0.0.44.dev20260713+nightly
codegen_flags: <defaults>
</compile_context>

<pallas_src>
import functools

import jax
import jax.numpy as jnp
from jax import lax
from jax.experimental import pallas as pl
from jax.experimental.pallas import tpu as pltpu
from jax.experimental.pallas import tpu_sc as plsc

N_NODES = 10000
D = 128
NC = 2
NS = 16
NW = NC * NS
CHUNK = 128
N_PAD = 10240
RPT = N_PAD // NS
DEGW = 128

def _mesh():
    return plsc.VectorSubcoreMesh(core_axis_name="c", subcore_axis_name="s",
                                  num_cores=NC, num_subcores=NS)


_FIRE = 8
_C0_FRAC = 0.75


def _deg_hist(dst3, zeros8, ones8, epw):
    epc = epw // CHUNK

    @functools.partial(
        pl.kernel,
        mesh=_mesh(),
        out_type=jax.ShapeDtypeStruct((NC, N_PAD, DEGW), jnp.float32),
        scratch_types=[
            pltpu.VMEM((epc, CHUNK), jnp.int32),
            pltpu.VMEM((CHUNK, DEGW), jnp.float32),
            pltpu.VMEM_SHARED((N_PAD, DEGW), jnp.float32),
            pltpu.SemaphoreType.DMA,
        ],
    )
    def k(dst_hbm, zeros_hbm, ones_hbm, out_hbm, idx_v, ones_v, acc_sh, sem):
        cid = lax.axis_index("c")
        sid = lax.axis_index("s")
        wid = cid * NS + sid
        pltpu.sync_copy(zeros_hbm.at[pl.ds(sid * RPT, RPT)],
                        acc_sh.at[pl.ds(sid * RPT, RPT)])
        pltpu.sync_copy(ones_hbm, ones_v)
        pltpu.sync_copy(dst_hbm.at[wid], idx_v)
        plsc.subcore_barrier()

        @pl.loop(0, epc, step=_FIRE)
        def body(g):
            for b in range(_FIRE):
                pltpu.async_copy(ones_v, acc_sh.at[idx_v.at[g + b]], sem,
                                 add=True)
            for b in range(_FIRE):
                pltpu.make_async_copy(ones_v, acc_sh.at[idx_v.at[g + b]],
                                      sem).wait()

        plsc.subcore_barrier()
        pltpu.sync_copy(acc_sh.at[pl.ds(sid * RPT, RPT)],
                        out_hbm.at[cid, pl.ds(sid * RPT, RPT)])

    return k(dst3, zeros8, ones8)


def _aggregate(y, sd3, zeros128, k0, k1):
    halfmax = max(k0, k1) // 2

    @functools.partial(
        pl.kernel,
        mesh=_mesh(),
        out_type=jax.ShapeDtypeStruct((NC, N_PAD, D), jnp.float32),
        scratch_types=[
            pltpu.VMEM((halfmax, 2, CHUNK), jnp.int32),
            pltpu.VMEM((CHUNK, D), jnp.float32),
            pltpu.VMEM((CHUNK, D), jnp.float32),
            pltpu.VMEM_SHARED((N_PAD, D), jnp.float32),
            pltpu.SemaphoreType.DMA,
            pltpu.SemaphoreType.DMA,
        ],
    )
    def k(y_hbm, sd_hbm, zeros_hbm, out_hbm,
          idx_v, rows0_v, rows1_v, acc_sh, gsem0, gsem1):
        cid = lax.axis_index("c")
        sid = lax.axis_index("s")
        pltpu.sync_copy(zeros_hbm.at[pl.ds(sid * RPT, RPT)],
                        acc_sh.at[pl.ds(sid * RPT, RPT)])
        plsc.subcore_barrier()

        rows = (rows0_v, rows1_v)
        gsems = (gsem0, gsem1)

        def fire(m, b):
            pltpu.async_copy(y_hbm.at[idx_v.at[m, 0]], rows[b], gsems[b])

        def wait(b):
            pltpu.make_async_copy(y_hbm.at[pl.ds(0, CHUNK)], rows[b],
                                  gsems[b]).wait()

        def scatter(m, b):
            pltpu.sync_copy(rows[b], acc_sh.at[idx_v.at[m, 1]], add=True)

        def run(kc, base):
            half = kc // 2
            for h in range(2):
                pltpu.sync_copy(sd_hbm.at[pl.ds(base + h * half, half)],
                                idx_v.at[pl.ds(0, half)])
                fire(0, 0)

                @pl.loop(0, half, step=2)
                def body(g):
                    fire(g + 1, 1)
                    wait(0)
                    scatter(g, 0)

                    @pl.when(g + 2 < half)
                    def _():
                        fire(g + 2, 0)

                    wait(1)
                    scatter(g + 1, 1)

        @pl.when(cid == 0)
        def _():
            run(k0, sid * k0)

        @pl.when(cid == 1)
        def _():
            run(k1, NS * k0 + sid * k1)

        plsc.subcore_barrier()
        pltpu.sync_copy(acc_sh.at[pl.ds(sid * RPT, RPT)],
                        out_hbm.at[cid, pl.ds(sid * RPT, RPT)])

    return k(y, sd3, zeros128)


_BR = 1024


def _dis_of(degp_ref):
    deg = degp_ref[0, :, 0] + degp_ref[1, :, 0] + 1.0
    return lax.rsqrt(deg)


def _tc1a_body(x_ref, w_ref, xw_ref):
    xw_ref[...] = jnp.dot(x_ref[...], w_ref[...],
                          preferred_element_type=jnp.float32)


def _tc1b_body(xw_ref, degp_ref, y_ref):
    dis = _dis_of(degp_ref)
    y_ref[...] = xw_ref[...] * dis[:, None]


def _tc2_body(s_ref, y1_ref, degp_ref, b_ref, w_ref, y2_ref):
    dis = _dis_of(degp_ref)
    agg = (s_ref[0] + s_ref[1] + y1_ref[...]) * dis[:, None] + b_ref[...]
    h = jnp.maximum(agg, 0.0)
    y2_ref[...] = jnp.dot(h, w_ref[...],
                          preferred_element_type=jnp.float32) * dis[:, None]


def _tc3_body(s_ref, y2_ref, degp_ref, b_ref, out_ref):
    dis = _dis_of(degp_ref)
    out_ref[...] = (s_ref[0] + s_ref[1] + y2_ref[...]) * dis[:, None] + b_ref[...]


def _row_specs():
    s_spec = pl.BlockSpec((2, _BR, D), lambda i: (0, i, 0))
    r_spec = pl.BlockSpec((_BR, D), lambda i: (i, 0))
    degp_spec = pl.BlockSpec((2, _BR, DEGW), lambda i: (0, i, 0))
    b_spec = pl.BlockSpec((1, D), lambda i: (0, 0))
    w_spec = pl.BlockSpec((D, D), lambda i: (0, 0))
    return s_spec, r_spec, degp_spec, b_spec, w_spec


def kernel(x, edge_index, W1, b1, W2, b2):
    n, d_in = x.shape
    e = edge_index.shape[1]
    grid = (N_PAD // _BR,)

    ei = edge_index.astype(jnp.int32)
    unit = NW * CHUNK * 2 * _FIRE
    epw = ((e + unit - 1) // unit) * CHUNK * 2 * _FIRE
    epc = epw // CHUNK
    e_pad = epw * NW
    pad = e_pad - e
    src_pad = jnp.concatenate([ei[0], jnp.full((pad,), n, jnp.int32)])
    dst_pad = jnp.concatenate([ei[1], jnp.full((pad,), n, jnp.int32)])
    dst3 = dst_pad.reshape(NW, epc, CHUNK)
    sd3 = jnp.stack(
        [src_pad.reshape(-1, CHUNK), dst_pad.reshape(-1, CHUNK)], axis=1)
    tot = e_pad // (NS * CHUNK)
    k0 = max(2, (int(tot * _C0_FRAC) // 2) * 2)
    k1 = tot - k0
    x_pad = jnp.pad(x, ((0, N_PAD - n), (0, 0)))
    zeros8 = jnp.zeros((N_PAD, DEGW), jnp.float32)
    ones8 = jnp.ones((CHUNK, DEGW), jnp.float32)
    zeros128 = jnp.zeros((N_PAD, D), jnp.float32)
    b1r = b1.reshape(1, D)
    b2r = b2.reshape(1, D)

    degp = _deg_hist(dst3, zeros8, ones8, epw)

    s_spec, r_spec, degp_spec, b_spec, w_spec = _row_specs()

    xw1 = pl.pallas_call(
        _tc1a_body,
        grid=grid,
        in_specs=[r_spec, w_spec],
        out_specs=r_spec,
        out_shape=jax.ShapeDtypeStruct((N_PAD, D), jnp.float32),
    )(x_pad, W1)

    y1 = pl.pallas_call(
        _tc1b_body,
        grid=grid,
        in_specs=[r_spec, degp_spec],
        out_specs=r_spec,
        out_shape=jax.ShapeDtypeStruct((N_PAD, D), jnp.float32),
    )(xw1, degp)

    s1 = _aggregate(y1, sd3, zeros128, k0, k1)

    y2 = pl.pallas_call(
        _tc2_body,
        grid=grid,
        in_specs=[s_spec, r_spec, degp_spec, b_spec, w_spec],
        out_specs=r_spec,
        out_shape=jax.ShapeDtypeStruct((N_PAD, D), jnp.float32),
    )(s1, y1, degp, b1r, W2)

    s2 = _aggregate(y2, sd3, zeros128, k0, k1)

    out = pl.pallas_call(
        _tc3_body,
        grid=grid,
        in_specs=[s_spec, r_spec, degp_spec, b_spec],
        out_specs=r_spec,
        out_shape=jax.ShapeDtypeStruct((N_PAD, D), jnp.float32),
    )(s2, y2, degp, b2r)

    return out[:n]

# --- scband reference (transcript-rebuilt; emitter-appended) ---
"""Pipeline reference for scband-gcn-90177133346981 (READ-ONLY COPY).

The authoritative reference and input builder live on the scoring server;
editing this copy changes nothing except your own understanding.
"""

import jax, jax.numpy as jnp
import numpy as np

N_NODES = 10000
N_EDGES = 320000
D_IN = 128
D_HID = 128
D_OUT = 128


def gcn_conv(x, edge_index, W, b, num_nodes):
    # PyG GCNConv with normalize=True, add_self_loops=True
    src = edge_index[0]
    dst = edge_index[1]
    loop = jnp.arange(num_nodes, dtype=edge_index.dtype)
    src = jnp.concatenate([src, loop])
    dst = jnp.concatenate([dst, loop])
    # symmetric normalization: deg computed on dst with unit edge weights
    deg = jnp.zeros((num_nodes,), dtype=x.dtype).at[dst].add(1.0)
    deg_inv_sqrt = jnp.where(deg > 0, deg ** -0.5, 0.0)
    norm = deg_inv_sqrt[src] * deg_inv_sqrt[dst]
    xw = x @ W
    msg = jnp.take(xw, src, axis=0) * norm[:, None]
    out = jax.ops.segment_sum(msg, dst, num_segments=num_nodes)
    return out + b


def setup_inputs(seed: int = 0) -> dict:
    key = jax.random.key(seed)
    k1, k2, k3, k4, k5, k6 = jax.random.split(key, 6)
    x = jax.random.normal(k1, (N_NODES, D_IN), dtype=jnp.float32)
    edge_index = jax.random.randint(k2, (2, N_EDGES), 0, N_NODES, dtype=jnp.int64)
    # glorot-style init for GCNConv weights, zeros for bias (PyG default)
    W1 = jax.random.normal(k3, (D_IN, D_HID), dtype=jnp.float32) * (1.0 / np.sqrt(D_IN))
    b1 = jnp.zeros((D_HID,), dtype=jnp.float32)
    W2 = jax.random.normal(k4, (D_HID, D_OUT), dtype=jnp.float32) * (1.0 / np.sqrt(D_HID))
    b2 = jnp.zeros((D_OUT,), dtype=jnp.float32)
    return {"x": x, "edge_index": edge_index, "W1": W1, "b1": b1, "W2": W2, "b2": b2}


def reference(x, edge_index, W1, b1, W2, b2):
    # eval mode: F.dropout(p=0.8, training=False) is identity
    h = gcn_conv(x, edge_index, W1, b1, N_NODES)
    h = jax.nn.relu(h)
    out = gcn_conv(h, edge_index, W2, b2, N_NODES)
    return out

if __name__ == "__main__":
    import jax
    _d = setup_inputs()
    print(jax.jit(kernel)(*tuple(_d.values())))

</pallas_src>

<mosaic_0001>
#map = affine_map<(d0, d1) -> (0, 0)>
#map1 = affine_map<(d0, d1) -> (0, 0, 0)>
module attributes {stable_mosaic.version = 14 : i64} {
  func.func @k(%arg0: i32, %arg1: i32, %arg2: memref<10240x128xf32, #tpu.memory_space<hbm>>, %arg3: memref<2560x2x128xi32, #tpu.memory_space<hbm>>, %arg4: memref<10240x128xf32, #tpu.memory_space<hbm>>, %arg5: memref<2x10240x128xf32, #tpu.memory_space<hbm>>, %arg6: memref<60x2x128xi32, #tpu.memory_space<vmem>>, %arg7: memref<128x128xf32, #tpu.memory_space<vmem>>, %arg8: memref<128x128xf32, #tpu.memory_space<vmem>>, %arg9: memref<10240x128xf32, #tpu.memory_space<vmem_shared>>, %arg10: memref<!tpu.dma_semaphore, #tpu.memory_space<semaphore_mem>>, %arg11: memref<!tpu.dma_semaphore, #tpu.memory_space<semaphore_mem>>) attributes {dimension_semantics = [#tpu.dimension_semantics<core_parallel>, #tpu.dimension_semantics<subcore_parallel>], iteration_bounds = array<i64: 2, 16>, scalar_prefetch = 0 : i64, scratch_operands = 6 : i64, tpu.core_type = #tpu.core_type<sc_vector_subcore>, window_params = [{transform_indices = #map}, {transform_indices = #map1}, {transform_indices = #map}, {transform_indices = #map1}]} {
    %mul3A = arith.constant 640 : i32
    %mul3A_0 = arith.muli %arg1, %mul3A : i32
    %mul3A_1 = arith.constant 640 : i32
    %mul3A_2 = arith.muli %arg1, %mul3A_1 : i32
    "tpu.region"() ({
      %run_scoped3A = tpu.sem_alloc : memref<!tpu.dma_semaphore, #tpu.memory_space<semaphore_mem>>
      %dma_start3A = arith.constant 0 : i32
      %dma_start3A_15 = tpu.memref_slice %arg9[%mul3A_2, %dma_start3A] : memref<10240x128xf32, #tpu.memory_space<vmem_shared>> -> memref<640x128xf32, #tpu.memory_space<vmem_shared>>
      %dma_start3A_16 = arith.constant 0 : i32
      %dma_start3A_17 = tpu.memref_slice %arg4[%mul3A_0, %dma_start3A_16] : memref<10240x128xf32, #tpu.memory_space<hbm>> -> memref<640x128xf32, #tpu.memory_space<hbm>>
      tpu.enqueue_dma source(%dma_start3A_17 : memref<640x128xf32, #tpu.memory_space<hbm>>) target(%dma_start3A_15 : memref<640x128xf32, #tpu.memory_space<vmem_shared>>) target_semaphore(%run_scoped3A : memref<!tpu.dma_semaphore, #tpu.memory_space<semaphore_mem>>)
      %dma_wait3A = arith.constant 0 : i32
      %dma_wait3A_18 = tpu.memref_slice %arg9[%mul3A_2, %dma_wait3A] : memref<10240x128xf32, #tpu.memory_space<vmem_shared>> -> memref<640x128xf32, #tpu.memory_space<vmem_shared>>
      %dma_wait3A_19 = arith.constant 0 : i32
      %dma_wait3A_20 = tpu.memref_slice %arg4[%mul3A_0, %dma_wait3A_19] : memref<10240x128xf32, #tpu.memory_space<hbm>> -> memref<640x128xf32, #tpu.memory_space<hbm>>
      tpu.wait_dma2 semaphore(%run_scoped3A : memref<!tpu.dma_semaphore, #tpu.memory_space<semaphore_mem>>) src(%dma_wait3A_20 : memref<640x128xf32, #tpu.memory_space<hbm>>) dst(%dma_wait3A_18 : memref<640x128xf32, #tpu.memory_space<vmem_shared>>)
      tpu.yield
    }) : () -> ()
    %barrier3A = arith.constant 0 : index
    tpu.barrier barrier_id(%barrier3A)
    %eq3A = arith.constant 0 : i32
    %eq3A_3 = arith.cmpi eq, %arg0, %eq3A : i32
    %convert_element_type3A = arith.extui %eq3A_3 : i1 to i32
    %cond3A = arith.constant 0 : i32
    %cond3A_4 = arith.cmpi ne, %convert_element_type3A, %cond3A : i32
    scf.if %cond3A_4 {
      %mul3A_15 = arith.constant 120 : i32
      %mul3A_16 = arith.muli %arg1, %mul3A_15 : i32
      %add3A = arith.constant 0 : i32
      %add3A_17 = arith.addi %mul3A_16, %add3A : i32
      "tpu.region"() ({
        %run_scoped3A = tpu.sem_alloc : memref<!tpu.dma_semaphore, #tpu.memory_space<semaphore_mem>>
        %dma_start3A_44 = arith.constant 0 : i32
        %dma_start3A_45 = arith.constant 0 : i32
        %dma_start3A_46 = arith.constant 0 : i32
        %dma_start3A_47 = tpu.memref_slice %arg6[%dma_start3A_44, %dma_start3A_45, %dma_start3A_46] : memref<60x2x128xi32, #tpu.memory_space<vmem>> -> memref<60x2x128xi32, #tpu.memory_space<vmem>>
        %dma_start3A_48 = arith.constant 0 : i32
        %dma_start3A_49 = arith.constant 0 : i32
        %dma_start3A_50 = tpu.memref_slice %arg3[%add3A_17, %dma_start3A_48, %dma_start3A_49] : memref<2560x2x128xi32, #tpu.memory_space<hbm>> -> memref<60x2x128xi32, #tpu.memory_space<hbm>>
        %dma_start3A_51 = arith.constant 0 : i32
        %dma_start3A_52 = arith.constant 0 : i32
        %dma_start3A_53 = arith.constant 0 : i32
        %dma_start3A_54 = tpu.memref_slice %arg6[%dma_start3A_51, %dma_start3A_52, %dma_start3A_53] : memref<60x2x128xi32, #tpu.memory_space<vmem>> -> memref<60x2x128xi32, #tpu.memory_space<vmem>>
        %dma_start3A_55 = arith.constant 0 : i32
        %dma_start3A_56 = arith.constant 0 : i32
        %dma_start3A_57 = tpu.memref_slice %arg3[%add3A_17, %dma_start3A_55, %dma_start3A_56] : memref<2560x2x128xi32, #tpu.memory_space<hbm>> -> memref<60x2x128xi32, #tpu.memory_space<hbm>>
        tpu.enqueue_dma source(%dma_start3A_57 : memref<60x2x128xi32, #tpu.memory_space<hbm>>) target(%dma_start3A_54 : memref<60x2x128xi32, #tpu.memory_space<vmem>>) target_semaphore(%run_scoped3A : memref<!tpu.dma_semaphore, #tpu.memory_space<semaphore_mem>>)
        %dma_wait3A = arith.constant 0 : i32
        %dma_wait3A_58 = arith.constant 0 : i32
        %dma_wait3A_59 = arith.constant 0 : i32
        %dma_wait3A_60 = tpu.memref_slice %arg6[%dma_wait3A, %dma_wait3A_58, %dma_wait3A_59] : memref<60x2x128xi32, #tpu.memory_space<vmem>> -> memref<60x2x128xi32, #tpu.memory_space<vmem>>
        %dma_wait3A_61 = arith.constant 0 : i32
        %dma_wait3A_62 = arith.constant 0 : i32
        %dma_wait3A_63 = tpu.memref_slice %arg3[%add3A_17, %dma_wait3A_61, %dma_wait3A_62] : memref<2560x2x128xi32, #tpu.memory_space<hbm>> -> memref<60x2x128xi32, #tpu.memory_space<hbm>>
        %dma_wait3A_64 = arith.constant 0 : i32
        %dma_wait3A_65 = arith.constant 0 : i32
        %dma_wait3A_66 = arith.constant 0 : i32
        %dma_wait3A_67 = tpu.memref_slice %arg6[%dma_wait3A_64, %dma_wait3A_65, %dma_wait3A_66] : memref<60x2x128xi32, #tpu.memory_space<vmem>> -> memref<60x2x128xi32, #tpu.memory_space<vmem>>
        %dma_wait3A_68 = arith.constant 0 : i32
        %dma_wait3A_69 = arith.constant 0 : i32
        %dma_wait3A_70 = tpu.memref_slice %arg3[%add3A_17, %dma_wait3A_68, %dma_wait3A_69] : memref<2560x2x128xi32, #tpu.memory_space<hbm>> -> memref<60x2x128xi32, #tpu.memory_space<hbm>>
        tpu.wait_dma2 semaphore(%run_scoped3A : memref<!tpu.dma_semaphore, #tpu.memory_space<semaphore_mem>>) src(%dma_wait3A_70 : memref<60x2x128xi32, #tpu.memory_space<hbm>>) dst(%dma_wait3A_67 : memref<60x2x128xi32, #tpu.memory_space<vmem>>)
        tpu.yield
      }) : () -> ()
      %dma_start3A = arith.constant 0 : i32
      %dma_start3A_18 = arith.constant 0 : i32
      %dma_start3A_19 = arith.constant 0 : i32
      %dma_start3A_20 = tpu.memref_slice %arg6[%dma_start3A, %dma_start3A_18, %dma_start3A_19] : memref<60x2x128xi32, #tpu.memory_space<vmem>> -> memref<1x1x128xi32, #tpu.memory_space<vmem>>
      %dma_start3A_21 = tpu.memref_squeeze %dma_start3A_20 : memref<1x1x128xi32, #tpu.memory_space<vmem>> -> memref<128xi32, #tpu.memory_space<vmem>>
      %dma_start3A_22 = arith.constant 0 : i32
      %dma_start3A_23 = arith.constant 0 : i32
      %dma_start3A_24 = tpu.memref_slice %arg2[%dma_start3A_22, %dma_start3A_23] : memref<10240x128xf32, #tpu.memory_space<hbm>> -> memref<10240x128xf32, #tpu.memory_space<hbm>>
      tpu.enqueue_indirect_dma source(%dma_start3A_24 : memref<10240x128xf32, #tpu.memory_space<hbm>>) target(%arg7 : memref<128x128xf32, #tpu.memory_space<vmem>>) offsets(%dma_start3A_21 : memref<128xi32, #tpu.memory_space<vmem>>) semaphore(%arg10 : memref<!tpu.dma_semaphore, #tpu.memory_space<semaphore_mem>>)
      %scan3A = arith.constant 0 : i32
      %scan3A_25 = arith.constant 30 : i32
      %scan3A_26 = arith.addi %scan3A, %scan3A_25 : i32
      %scan3A_27 = arith.constant 1 : i32
      scf.for %scan3A_44 = %scan3A to %scan3A_26 step %scan3A_27  : i32 {
        %mul3A_45 = arith.constant 2 : i32
        %mul3A_46 = arith.muli %scan3A_44, %mul3A_45 : i32
        %add3A_47 = arith.constant 0 : i32
        %add3A_48 = arith.addi %add3A_47, %mul3A_46 : i32
        %add3A_49 = arith.constant 1 : i32
        %add3A_50 = arith.addi %add3A_48, %add3A_49 : i32
        %dma_start3A_51 = arith.constant 0 : i32
        %dma_start3A_52 = arith.constant 0 : i32
        %dma_start3A_53 = tpu.memref_slice %arg6[%add3A_50, %dma_start3A_51, %dma_start3A_52] : memref<60x2x128xi32, #tpu.memory_space<vmem>> -> memref<1x1x128xi32, #tpu.memory_space<vmem>>
        %dma_start3A_54 = tpu.memref_squeeze %dma_start3A_53 : memref<1x1x128xi32, #tpu.memory_space<vmem>> -> memref<128xi32, #tpu.memory_space<vmem>>
        %dma_start3A_55 = arith.constant 0 : i32
        %dma_start3A_56 = arith.constant 0 : i32
        %dma_start3A_57 = tpu.memref_slice %arg2[%dma_start3A_55, %dma_start3A_56] : memref<10240x128xf32, #tpu.memory_space<hbm>> -> memref<10240x128xf32, #tpu.memory_space<hbm>>
        tpu.enqueue_indirect_dma source(%dma_start3A_57 : memref<10240x128xf32, #tpu.memory_space<hbm>>) target(%arg8 : memref<128x128xf32, #tpu.memory_space<vmem>>) offsets(%dma_start3A_54 : memref<128xi32, #tpu.memory_space<vmem>>) semaphore(%arg11 : memref<!tpu.dma_semaphore, #tpu.memory_space<semaphore_mem>>)
        %dma_wait3A = arith.constant 0 : i32
        %dma_wait3A_58 = arith.constant 0 : i32
        %dma_wait3A_59 = tpu.memref_slice %arg2[%dma_wait3A, %dma_wait3A_58] : memref<10240x128xf32, #tpu.memory_space<hbm>> -> memref<128x128xf32, #tpu.memory_space<hbm>>
        %dma_wait3A_60 = arith.constant 0 : i32
        %dma_wait3A_61 = arith.constant 0 : i32
        %dma_wait3A_62 = tpu.memref_slice %arg2[%dma_wait3A_60, %dma_wait3A_61] : memref<10240x128xf32, #tpu.memory_space<hbm>> -> memref<128x128xf32, #tpu.memory_space<hbm>>
        tpu.wait_dma2 semaphore(%arg10 : memref<!tpu.dma_semaphore, #tpu.memory_space<semaphore_mem>>) src(%dma_wait3A_62 : memref<128x128xf32, #tpu.memory_space<hbm>>) dst(%arg7 : memref<128x128xf32, #tpu.memory_space<vmem>>)
        %run_scoped3A = arith.constant 1 : i32
        "tpu.region"() ({
          %run_scoped3A_78 = tpu.sem_alloc : memref<!tpu.dma_semaphore, #tpu.memory_space<semaphore_mem>>
          %dma_start3A_79 = arith.constant 0 : i32
          %dma_start3A_80 = tpu.memref_slice %arg6[%add3A_48, %run_scoped3A, %dma_start3A_79] : memref<60x2x128xi32, #tpu.memory_space<vmem>> -> memref<1x1x128xi32, #tpu.memory_space<vmem>>
          %dma_start3A_81 = tpu.memref_squeeze %dma_start3A_80 : memref<1x1x128xi32, #tpu.memory_space<vmem>> -> memref<128xi32, #tpu.memory_space<vmem>>
          %dma_start3A_82 = arith.constant 0 : i32
          %dma_start3A_83 = arith.constant 0 : i32
          %dma_start3A_84 = tpu.memref_slice %arg9[%dma_start3A_82, %dma_start3A_83] : memref<10240x128xf32, #tpu.memory_space<vmem_shared>> -> memref<10240x128xf32, #tpu.memory_space<vmem_shared>>
          tpu.enqueue_indirect_dma source(%arg7 : memref<128x128xf32, #tpu.memory_space<vmem>>) target(%dma_start3A_84 : memref<10240x128xf32, #tpu.memory_space<vmem_shared>>) offsets(%dma_start3A_81 : memref<128xi32, #tpu.memory_space<vmem>>) semaphore(%run_scoped3A_78 : memref<!tpu.dma_semaphore, #tpu.memory_space<semaphore_mem>>) {add = true}
          %dma_wait3A_85 = arith.constant 0 : i32
          %dma_wait3A_86 = tpu.memref_slice %arg6[%add3A_48, %run_scoped3A, %dma_wait3A_85] : memref<60x2x128xi32, #tpu.memory_space<vmem>> -> memref<1x1x128xi32, #tpu.memory_space<vmem>>
          %dma_wait3A_87 = tpu.memref_squeeze %dma_wait3A_86 : memref<1x1x128xi32, #tpu.memory_space<vmem>> -> memref<128xi32, #tpu.memory_space<vmem>>
          %dma_wait3A_88 = arith.constant 0 : i32
          %dma_wait3A_89 = arith.constant 0 : i32
          %dma_wait3A_90 = tpu.memref_slice %arg9[%dma_wait3A_88, %dma_wait3A_89] : memref<10240x128xf32, #tpu.memory_space<vmem_shared>> -> memref<10240x128xf32, #tpu.memory_space<vmem_shared>>
          tpu.wait_indirect_dma semaphore(%run_scoped3A_78 : memref<!tpu.dma_semaphore, #tpu.memory_space<semaphore_mem>>) src(%arg7 : memref<128x128xf32, #tpu.memory_space<vmem>>) dst(%dma_wait3A_90 : memref<10240x128xf32, #tpu.memory_space<vmem_shared>>)
          tpu.yield
        }) : () -> ()
        %add3A_63 = arith.constant 2 : i32
        %add3A_64 = arith.addi %add3A_48, %add3A_63 : i32
        %lt3A = arith.constant 60 : i32
        %lt3A_65 = arith.cmpi slt, %add3A_64, %lt3A : i32
        %convert_element_type3A_66 = arith.extui %lt3A_65 : i1 to i32
        %cond3A_67 = arith.constant 0 : i32
        %cond3A_68 = arith.cmpi ne, %convert_element_type3A_66, %cond3A_67 : i32
        scf.if %cond3A_68 {
          %add3A_78 = arith.constant 2 : i32
          %add3A_79 = arith.addi %add3A_48, %add3A_78 : i32
          %dma_start3A_80 = arith.constant 0 : i32
          %dma_start3A_81 = arith.constant 0 : i32
          %dma_start3A_82 = tpu.memref_slice %arg6[%add3A_79, %dma_start3A_80, %dma_start3A_81] : memref<60x2x128xi32, #tpu.memory_space<vmem>> -> memref<1x1x128xi32, #tpu.memory_space<vmem>>
          %dma_start3A_83 = tpu.memref_squeeze %dma_start3A_82 : memref<1x1x128xi32, #tpu.memory_space<vmem>> -> memref<128xi32, #tpu.memory_space<vmem>>
          %dma_start3A_84 = arith.constant 0 : i32
          %dma_start3A_85 = arith.constant 0 : i32
          %dma_start3A_86 = tpu.memref_slice %arg2[%dma_start3A_84, %dma_start3A_85] : memref<10240x128xf32, #tpu.memory_space<hbm>> -> memref<10240x128xf32, #tpu.memory_space<hbm>>
          tpu.enqueue_indirect_dma source(%dma_start3A_86 : memref<10240x128xf32, #tpu.memory_space<hbm>>) target(%arg7 : memref<128x128xf32, #tpu.memory_space<vmem>>) offsets(%dma_start3A_83 : memref<128xi32, #tpu.memory_space<vmem>>) semaphore(%arg10 : memref<!tpu.dma_semaphore, #tpu.memory_space<semaphore_mem>>)
        } else {
        }
        %dma_wait3A_69 = arith.constant 0 : i32
        %dma_wait3A_70 = arith.constant 0 : i32
        %dma_wait3A_71 = tpu.memref_slice %arg2[%dma_wait3A_69, %dma_wait3A_70] : memref<10240x128xf32, #tpu.memory_space<hbm>> -> memref<128x128xf32, #tpu.memory_space<hbm>>
        %dma_wait3A_72 = arith.constant 0 : i32
        %dma_wait3A_73 = arith.constant 0 : i32
        %dma_wait3A_74 = tpu.memref_slice %arg2[%dma_wait3A_72, %dma_wait3A_73] : memref<10240x128xf32, #tpu.memory_space<hbm>> -> memref<128x128xf32, #tpu.memory_space<hbm>>
        tpu.wait_dma2 semaphore(%arg11 : memref<!tpu.dma_semaphore, #tpu.memory_space<semaphore_mem>>) src(%dma_wait3A_74 : memref<128x128xf32, #tpu.memory_space<hbm>>) dst(%arg8 : memref<128x128xf32, #tpu.memory_space<vmem>>)
        %add3A_75 = arith.constant 1 : i32
        %add3A_76 = arith.addi %add3A_48, %add3A_75 : i32
        %run_scoped3A_77 = arith.constant 1 : i32
        "tpu.region"() ({
          %run_scoped3A_78 = tpu.sem_alloc : memref<!tpu.dma_semaphore, #tpu.memory_space<semaphore_mem>>
          %dma_start3A_79 = arith.constant 0 : i32
          %dma_start3A_80 = tpu.memref_slice %arg6[%add3A_76, %run_scoped3A_77, %dma_start3A_79] : memref<60x2x128xi32, #tpu.memory_space<vmem>> -> memref<1x1x128xi32, #tpu.memory_space<vmem>>
          %dma_start3A_81 = tpu.memref_squeeze %dma_start3A_80 : memref<1x1x128xi32, #tpu.memory_space<vmem>> -> memref<128xi32, #tpu.memory_space<vmem>>
          %dma_start3A_82 = arith.constant 0 : i32
          %dma_start3A_83 = arith.constant 0 : i32
          %dma_start3A_84 = tpu.memref_slice %arg9[%dma_start3A_82, %dma_start3A_83] : memref<10240x128xf32, #tpu.memory_space<vmem_shared>> -> memref<10240x128xf32, #tpu.memory_space<vmem_shared>>
          tpu.enqueue_indirect_dma source(%arg8 : memref<128x128xf32, #tpu.memory_space<vmem>>) target(%dma_start3A_84 : memref<10240x128xf32, #tpu.memory_space<vmem_shared>>) offsets(%dma_start3A_81 : memref<128xi32, #tpu.memory_space<vmem>>) semaphore(%run_scoped3A_78 : memref<!tpu.dma_semaphore, #tpu.memory_space<semaphore_mem>>) {add = true}
          %dma_wait3A_85 = arith.constant 0 : i32
          %dma_wait3A_86 = tpu.memref_slice %arg6[%add3A_76, %run_scoped3A_77, %dma_wait3A_85] : memref<60x2x128xi32, #tpu.memory_space<vmem>> -> memref<1x1x128xi32, #tpu.memory_space<vmem>>
          %dma_wait3A_87 = tpu.memref_squeeze %dma_wait3A_86 : memref<1x1x128xi32, #tpu.memory_space<vmem>> -> memref<128xi32, #tpu.memory_space<vmem>>
          %dma_wait3A_88 = arith.constant 0 : i32
          %dma_wait3A_89 = arith.constant 0 : i32
          %dma_wait3A_90 = tpu.memref_slice %arg9[%dma_wait3A_88, %dma_wait3A_89] : memref<10240x128xf32, #tpu.memory_space<vmem_shared>> -> memref<10240x128xf32, #tpu.memory_space<vmem_shared>>
          tpu.wait_indirect_dma semaphore(%run_scoped3A_78 : memref<!tpu.dma_semaphore, #tpu.memory_space<semaphore_mem>>) src(%arg8 : memref<128x128xf32, #tpu.memory_space<vmem>>) dst(%dma_wait3A_90 : memref<10240x128xf32, #tpu.memory_space<vmem_shared>>)
          tpu.yield
        }) : () -> ()
      }
      %scan3A_28 = arith.constant 30 : i32
      %add3A_29 = arith.constant 60 : i32
      %add3A_30 = arith.addi %mul3A_16, %add3A_29 : i32
      "tpu.region"() ({
        %run_scoped3A = tpu.sem_alloc : memref<!tpu.dma_semaphore, #tpu.memory_space<semaphore_mem>>
        %dma_start3A_44 = arith.constant 0 : i32
        %dma_start3A_45 = arith.constant 0 : i32
        %dma_start3A_46 = arith.constant 0 : i32
        %dma_start3A_47 = tpu.memref_slice %arg6[%dma_start3A_44, %dma_start3A_45, %dma_start3A_46] : memref<60x2x128xi32, #tpu.memory_space<vmem>> -> memref<60x2x128xi32, #tpu.memory_space<vmem>>
        %dma_start3A_48 = arith.constant 0 : i32
        %dma_start3A_49 = arith.constant 0 : i32
        %dma_start3A_50 = tpu.memref_slice %arg3[%add3A_30, %dma_start3A_48, %dma_start3A_49] : memref<2560x2x128xi32, #tpu.memory_space<hbm>> -> memref<60x2x128xi32, #tpu.memory_space<hbm>>
        %dma_start3A_51 = arith.constant 0 : i32
        %dma_start3A_52 = arith.constant 0 : i32
        %dma_start3A_53 = arith.constant 0 : i32
        %dma_start3A_54 = tpu.memref_slice %arg6[%dma_start3A_51, %dma_start3A_52, %dma_start3A_53] : memref<60x2x128xi32, #tpu.memory_space<vmem>> -> memref<60x2x128xi32, #tpu.memory_space<vmem>>
        %dma_start3A_55 = arith.constant 0 : i32
        %dma_start3A_56 = arith.constant 0 : i32
        %dma_start3A_57 = tpu.memref_slice %arg3[%add3A_30, %dma_start3A_55, %dma_start3A_56] : memref<2560x2x128xi32, #tpu.memory_space<hbm>> -> memref<60x2x128xi32, #tpu.memory_space<hbm>>
        tpu.enqueue_dma source(%dma_start3A_57 : memref<60x2x128xi32, #tpu.memory_space<hbm>>) target(%dma_start3A_54 : memref<60x2x128xi32, #tpu.memory_space<vmem>>) target_semaphore(%run_scoped3A : memref<!tpu.dma_semaphore, #tpu.memory_space<semaphore_mem>>)
        %dma_wait3A = arith.constant 0 : i32
        %dma_wait3A_58 = arith.constant 0 : i32
        %dma_wait3A_59 = arith.constant 0 : i32
        %dma_wait3A_60 = tpu.memref_slice %arg6[%dma_wait3A, %dma_wait3A_58, %dma_wait3A_59] : memref<60x2x128xi32, #tpu.memory_space<vmem>> -> memref<60x2x128xi32, #tpu.memory_space<vmem>>
        %dma_wait3A_61 = arith.constant 0 : i32
        %dma_wait3A_62 = arith.constant 0 : i32
        %dma_wait3A_63 = tpu.memref_slice %arg3[%add3A_30, %dma_wait3A_61, %dma_wait3A_62] : memref<2560x2x128xi32, #tpu.memory_space<hbm>> -> memref<60x2x128xi32, #tpu.memory_space<hbm>>
        %dma_wait3A_64 = arith.constant 0 : i32
        %dma_wait3A_65 = arith.constant 0 : i32
        %dma_wait3A_66 = arith.constant 0 : i32
        %dma_wait3A_67 = tpu.memref_slice %arg6[%dma_wait3A_64, %dma_wait3A_65, %dma_wait3A_66] : memref<60x2x128xi32, #tpu.memory_space<vmem>> -> memref<60x2x128xi32, #tpu.memory_space<vmem>>
        %dma_wait3A_68 = arith.constant 0 : i32
        %dma_wait3A_69 = arith.constant 0 : i32
        %dma_wait3A_70 = tpu.memref_slice %arg3[%add3A_30, %dma_wait3A_68, %dma_wait3A_69] : memref<2560x2x128xi32, #tpu.memory_space<hbm>> -> memref<60x2x128xi32, #tpu.memory_space<hbm>>
        tpu.wait_dma2 semaphore(%run_scoped3A : memref<!tpu.dma_semaphore, #tpu.memory_space<semaphore_mem>>) src(%dma_wait3A_70 : memref<60x2x128xi32, #tpu.memory_space<hbm>>) dst(%dma_wait3A_67 : memref<60x2x128xi32, #tpu.memory_space<vmem>>)
        tpu.yield
      }) : () -> ()
      %dma_start3A_31 = arith.constant 0 : i32
      %dma_start3A_32 = arith.constant 0 : i32
      %dma_start3A_33 = arith.constant 0 : i32
      %dma_start3A_34 = tpu.memref_slice %arg6[%dma_start3A_31, %dma_start3A_32, %dma_start3A_33] : memref<60x2x128xi32, #tpu.memory_space<vmem>> -> memref<1x1x128xi32, #tpu.memory_space<vmem>>
      %dma_start3A_35 = tpu.memref_squeeze %dma_start3A_34 : memref<1x1x128xi32, #tpu.memory_space<vmem>> -> memref<128xi32, #tpu.memory_space<vmem>>
      %dma_start3A_36 = arith.constant 0 : i32
      %dma_start3A_37 = arith.constant 0 : i32
      %dma_start3A_38 = tpu.memref_slice %arg2[%dma_start3A_36, %dma_start3A_37] : memref<10240x128xf32, #tpu.memory_space<hbm>> -> memref<10240x128xf32, #tpu.memory_space<hbm>>
      tpu.enqueue_indirect_dma source(%dma_start3A_38 : memref<10240x128xf32, #tpu.memory_space<hbm>>) target(%arg7 : memref<128x128xf32, #tpu.memory_space<vmem>>) offsets(%dma_start3A_35 : memref<128xi32, #tpu.memory_space<vmem>>) semaphore(%arg10 : memref<!tpu.dma_semaphore, #tpu.memory_space<semaphore_mem>>)
      %scan3A_39 = arith.constant 0 : i32
      %scan3A_40 = arith.constant 30 : i32
      %scan3A_41 = arith.addi %scan3A_39, %scan3A_40 : i32
      %scan3A_42 = arith.constant 1 : i32
      scf.for %scan3A_44 = %scan3A_39 to %scan3A_41 step %scan3A_42  : i32 {
        %mul3A_45 = arith.constant 2 : i32
        %mul3A_46 = arith.muli %scan3A_44, %mul3A_45 : i32
        %add3A_47 = arith.constant 0 : i32
        %add3A_48 = arith.addi %add3A_47, %mul3A_46 : i32
        %add3A_49 = arith.constant 1 : i32
        %add3A_50 = arith.addi %add3A_48, %add3A_49 : i32
        %dma_start3A_51 = arith.constant 0 : i32
        %dma_start3A_52 = arith.constant 0 : i32
        %dma_start3A_53 = tpu.memref_slice %arg6[%add3A_50, %dma_start3A_51, %dma_start3A_52] : memref<60x2x128xi32, #tpu.memory_space<vmem>> -> memref<1x1x128xi32, #tpu.memory_space<vmem>>
        %dma_start3A_54 = tpu.memref_squeeze %dma_start3A_53 : memref<1x1x128xi32, #tpu.memory_space<vmem>> -> memref<128xi32, #tpu.memory_space<vmem>>
        %dma_start3A_55 = arith.constant 0 : i32
        %dma_start3A_56 = arith.constant 0 : i32
        %dma_start3A_57 = tpu.memref_slice %arg2[%dma_start3A_55, %dma_start3A_56] : memref<10240x128xf32, #tpu.memory_space<hbm>> -> memref<10240x128xf32, #tpu.memory_space<hbm>>
        tpu.enqueue_indirect_dma source(%dma_start3A_57 : memref<10240x128xf32, #tpu.memory_space<hbm>>) target(%arg8 : memref<128x128xf32, #tpu.memory_space<vmem>>) offsets(%dma_start3A_54 : memref<128xi32, #tpu.memory_space<vmem>>) semaphore(%arg11 : memref<!tpu.dma_semaphore, #tpu.memory_space<semaphore_mem>>)
        %dma_wait3A = arith.constant 0 : i32
        %dma_wait3A_58 = arith.constant 0 : i32
        %dma_wait3A_59 = tpu.memref_slice %arg2[%dma_wait3A, %dma_wait3A_58] : memref<10240x128xf32, #tpu.memory_space<hbm>> -> memref<128x128xf32, #tpu.memory_space<hbm>>
        %dma_wait3A_60 = arith.constant 0 : i32
        %dma_wait3A_61 = arith.constant 0 : i32
        %dma_wait3A_62 = tpu.memref_slice %arg2[%dma_wait3A_60, %dma_wait3A_61] : memref<10240x128xf32, #tpu.memory_space<hbm>> -> memref<128x128xf32, #tpu.memory_space<hbm>>
        tpu.wait_dma2 semaphore(%arg10 : memref<!tpu.dma_semaphore, #tpu.memory_space<semaphore_mem>>) src(%dma_wait3A_62 : memref<128x128xf32, #tpu.memory_space<hbm>>) dst(%arg7 : memref<128x128xf32, #tpu.memory_space<vmem>>)
        %run_scoped3A = arith.constant 1 : i32
        "tpu.region"() ({
          %run_scoped3A_78 = tpu.sem_alloc : memref<!tpu.dma_semaphore, #tpu.memory_space<semaphore_mem>>
          %dma_start3A_79 = arith.constant 0 : i32
          %dma_start3A_80 = tpu.memref_slice %arg6[%add3A_48, %run_scoped3A, %dma_start3A_79] : memref<60x2x128xi32, #tpu.memory_space<vmem>> -> memref<1x1x128xi32, #tpu.memory_space<vmem>>
          %dma_start3A_81 = tpu.memref_squeeze %dma_start3A_80 : memref<1x1x128xi32, #tpu.memory_space<vmem>> -> memref<128xi32, #tpu.memory_space<vmem>>
          %dma_start3A_82 = arith.constant 0 : i32
          %dma_start3A_83 = arith.constant 0 : i32
          %dma_start3A_84 = tpu.memref_slice %arg9[%dma_start3A_82, %dma_start3A_83] : memref<10240x128xf32, #tpu.memory_space<vmem_shared>> -> memref<10240x128xf32, #tpu.memory_space<vmem_shared>>
          tpu.enqueue_indirect_dma source(%arg7 : memref<128x128xf32, #tpu.memory_space<vmem>>) target(%dma_start3A_84 : memref<10240x128xf32, #tpu.memory_space<vmem_shared>>) offsets(%dma_start3A_81 : memref<128xi32, #tpu.memory_space<vmem>>) semaphore(%run_scoped3A_78 : memref<!tpu.dma_semaphore, #tpu.memory_space<semaphore_mem>>) {add = true}
          %dma_wait3A_85 = arith.constant 0 : i32
          %dma_wait3A_86 = tpu.memref_slice %arg6[%add3A_48, %run_scoped3A, %dma_wait3A_85] : memref<60x2x128xi32, #tpu.memory_space<vmem>> -> memref<1x1x128xi32, #tpu.memory_space<vmem>>
          %dma_wait3A_87 = tpu.memref_squeeze %dma_wait3A_86 : memref<1x1x128xi32, #tpu.memory_space<vmem>> -> memref<128xi32, #tpu.memory_space<vmem>>
          %dma_wait3A_88 = arith.constant 0 : i32
          %dma_wait3A_89 = arith.constant 0 : i32
          %dma_wait3A_90 = tpu.memref_slice %arg9[%dma_wait3A_88, %dma_wait3A_89] : memref<10240x128xf32, #tpu.memory_space<vmem_shared>> -> memref<10240x128xf32, #tpu.memory_space<vmem_shared>>
          tpu.wait_indirect_dma semaphore(%run_scoped3A_78 : memref<!tpu.dma_semaphore, #tpu.memory_space<semaphore_mem>>) src(%arg7 : memref<128x128xf32, #tpu.memory_space<vmem>>) dst(%dma_wait3A_90 : memref<10240x128xf32, #tpu.memory_space<vmem_shared>>)
          tpu.yield
        }) : () -> ()
        %add3A_63 = arith.constant 2 : i32
        %add3A_64 = arith.addi %add3A_48, %add3A_63 : i32
        %lt3A = arith.constant 60 : i32
        %lt3A_65 = arith.cmpi slt, %add3A_64, %lt3A : i32
        %convert_element_type3A_66 = arith.extui %lt3A_65 : i1 to i32
        %cond3A_67 = arith.constant 0 : i32
        %cond3A_68 = arith.cmpi ne, %convert_element_type3A_66, %cond3A_67 : i32
        scf.if %cond3A_68 {
          %add3A_78 = arith.constant 2 : i32
          %add3A_79 = arith.addi %add3A_48, %add3A_78 : i32
          %dma_start3A_80 = arith.constant 0 : i32
          %dma_start3A_81 = arith.constant 0 : i32
          %dma_start3A_82 = tpu.memref_slice %arg6[%add3A_79, %dma_start3A_80, %dma_start3A_81] : memref<60x2x128xi32, #tpu.memory_space<vmem>> -> memref<1x1x128xi32, #tpu.memory_space<vmem>>
          %dma_start3A_83 = tpu.memref_squeeze %dma_start3A_82 : memref<1x1x128xi32, #tpu.memory_space<vmem>> -> memref<128xi32, #tpu.memory_space<vmem>>
          %dma_start3A_84 = arith.constant 0 : i32
          %dma_start3A_85 = arith.constant 0 : i32
          %dma_start3A_86 = tpu.memref_slice %arg2[%dma_start3A_84, %dma_start3A_85] : memref<10240x128xf32, #tpu.memory_space<hbm>> -> memref<10240x128xf32, #tpu.memory_space<hbm>>
          tpu.enqueue_indirect_dma source(%dma_start3A_86 : memref<10240x128xf32, #tpu.memory_space<hbm>>) target(%arg7 : memref<128x128xf32, #tpu.memory_space<vmem>>) offsets(%dma_start3A_83 : memref<128xi32, #tpu.memory_space<vmem>>) semaphore(%arg10 : memref<!tpu.dma_semaphore, #tpu.memory_space<semaphore_mem>>)
        } else {
        }
        %dma_wait3A_69 = arith.constant 0 : i32
        %dma_wait3A_70 = arith.constant 0 : i32
        %dma_wait3A_71 = tpu.memref_slice %arg2[%dma_wait3A_69, %dma_wait3A_70] : memref<10240x128xf32, #tpu.memory_space<hbm>> -> memref<128x128xf32, #tpu.memory_space<hbm>>
        %dma_wait3A_72 = arith.constant 0 : i32
        %dma_wait3A_73 = arith.constant 0 : i32
        %dma_wait3A_74 = tpu.memref_slice %arg2[%dma_wait3A_72, %dma_wait3A_73] : memref<10240x128xf32, #tpu.memory_space<hbm>> -> memref<128x128xf32, #tpu.memory_space<hbm>>
        tpu.wait_dma2 semaphore(%arg11 : memref<!tpu.dma_semaphore, #tpu.memory_space<semaphore_mem>>) src(%dma_wait3A_74 : memref<128x128xf32, #tpu.memory_space<hbm>>) dst(%arg8 : memref<128x128xf32, #tpu.memory_space<vmem>>)
        %add3A_75 = arith.constant 1 : i32
        %add3A_76 = arith.addi %add3A_48, %add3A_75 : i32
        %run_scoped3A_77 = arith.constant 1 : i32
        "tpu.region"() ({
          %run_scoped3A_78 = tpu.sem_alloc : memref<!tpu.dma_semaphore, #tpu.memory_space<semaphore_mem>>
          %dma_start3A_79 = arith.constant 0 : i32
          %dma_start3A_80 = tpu.memref_slice %arg6[%add3A_76, %run_scoped3A_77, %dma_start3A_79] : memref<60x2x128xi32, #tpu.memory_space<vmem>> -> memref<1x1x128xi32, #tpu.memory_space<vmem>>
          %dma_start3A_81 = tpu.memref_squeeze %dma_start3A_80 : memref<1x1x128xi32, #tpu.memory_space<vmem>> -> memref<128xi32, #tpu.memory_space<vmem>>
          %dma_start3A_82 = arith.constant 0 : i32
          %dma_start3A_83 = arith.constant 0 : i32
          %dma_start3A_84 = tpu.memref_slice %arg9[%dma_start3A_82, %dma_start3A_83] : memref<10240x128xf32, #tpu.memory_space<vmem_shared>> -> memref<10240x128xf32, #tpu.memory_space<vmem_shared>>
          tpu.enqueue_indirect_dma source(%arg8 : memref<128x128xf32, #tpu.memory_space<vmem>>) target(%dma_start3A_84 : memref<10240x128xf32, #tpu.memory_space<vmem_shared>>) offsets(%dma_start3A_81 : memref<128xi32, #tpu.memory_space<vmem>>) semaphore(%run_scoped3A_78 : memref<!tpu.dma_semaphore, #tpu.memory_space<semaphore_mem>>) {add = true}
          %dma_wait3A_85 = arith.constant 0 : i32
          %dma_wait3A_86 = tpu.memref_slice %arg6[%add3A_76, %run_scoped3A_77, %dma_wait3A_85] : memref<60x2x128xi32, #tpu.memory_space<vmem>> -> memref<1x1x128xi32, #tpu.memory_space<vmem>>
          %dma_wait3A_87 = tpu.memref_squeeze %dma_wait3A_86 : memref<1x1x128xi32, #tpu.memory_space<vmem>> -> memref<128xi32, #tpu.memory_space<vmem>>
          %dma_wait3A_88 = arith.constant 0 : i32
          %dma_wait3A_89 = arith.constant 0 : i32
          %dma_wait3A_90 = tpu.memref_slice %arg9[%dma_wait3A_88, %dma_wait3A_89] : memref<10240x128xf32, #tpu.memory_space<vmem_shared>> -> memref<10240x128xf32, #tpu.memory_space<vmem_shared>>
          tpu.wait_indirect_dma semaphore(%run_scoped3A_78 : memref<!tpu.dma_semaphore, #tpu.memory_space<semaphore_mem>>) src(%arg8 : memref<128x128xf32, #tpu.memory_space<vmem>>) dst(%dma_wait3A_90 : memref<10240x128xf32, #tpu.memory_space<vmem_shared>>)
          tpu.yield
        }) : () -> ()
      }
      %scan3A_43 = arith.constant 30 : i32
    } else {
    }
    %eq3A_5 = arith.constant 1 : i32
    %eq3A_6 = arith.cmpi eq, %arg0, %eq3A_5 : i32
    %convert_element_type3A_7 = arith.extui %eq3A_6 : i1 to i32
    %cond3A_8 = arith.constant 0 : i32
    %cond3A_9 = arith.cmpi ne, %convert_element_type3A_7, %cond3A_8 : i32
    scf.if %cond3A_9 {
      %mul3A_15 = arith.constant 40 : i32
      %mul3A_16 = arith.muli %arg1, %mul3A_15 : i32
      %add3A = arith.constant 1920 : i32
      %add3A_17 = arith.addi %add3A, %mul3A_16 : i32
      %add3A_18 = arith.constant 0 : i32
      %add3A_19 = arith.addi %add3A_17, %add3A_18 : i32
      "tpu.region"() ({
        %run_scoped3A = tpu.sem_alloc : memref<!tpu.dma_semaphore, #tpu.memory_space<semaphore_mem>>
        %dma_start3A_46 = arith.constant 0 : i32
        %dma_start3A_47 = arith.constant 0 : i32
        %dma_start3A_48 = arith.constant 0 : i32
        %dma_start3A_49 = tpu.memref_slice %arg6[%dma_start3A_46, %dma_start3A_47, %dma_start3A_48] : memref<60x2x128xi32, #tpu.memory_space<vmem>> -> memref<20x2x128xi32, #tpu.memory_space<vmem>>
        %dma_start3A_50 = arith.constant 0 : i32
        %dma_start3A_51 = arith.constant 0 : i32
        %dma_start3A_52 = tpu.memref_slice %arg3[%add3A_19, %dma_start3A_50, %dma_start3A_51] : memref<2560x2x128xi32, #tpu.memory_space<hbm>> -> memref<20x2x128xi32, #tpu.memory_space<hbm>>
        %dma_start3A_53 = arith.constant 0 : i32
        %dma_start3A_54 = arith.constant 0 : i32
        %dma_start3A_55 = arith.constant 0 : i32
        %dma_start3A_56 = tpu.memref_slice %arg6[%dma_start3A_53, %dma_start3A_54, %dma_start3A_55] : memref<60x2x128xi32, #tpu.memory_space<vmem>> -> memref<20x2x128xi32, #tpu.memory_space<vmem>>
        %dma_start3A_57 = arith.constant 0 : i32
        %dma_start3A_58 = arith.constant 0 : i32
        %dma_start3A_59 = tpu.memref_slice %arg3[%add3A_19, %dma_start3A_57, %dma_start3A_58] : memref<2560x2x128xi32, #tpu.memory_space<hbm>> -> memref<20x2x128xi32, #tpu.memory_space<hbm>>
        tpu.enqueue_dma source(%dma_start3A_59 : memref<20x2x128xi32, #tpu.memory_space<hbm>>) target(%dma_start3A_56 : memref<20x2x128xi32, #tpu.memory_space<vmem>>) target_semaphore(%run_scoped3A : memref<!tpu.dma_semaphore, #tpu.memory_space<semaphore_mem>>)
        %dma_wait3A = arith.constant 0 : i32
        %dma_wait3A_60 = arith.constant 0 : i32
        %dma_wait3A_61 = arith.constant 0 : i32
        %dma_wait3A_62 = tpu.memref_slice %arg6[%dma_wait3A, %dma_wait3A_60, %dma_wait3A_61] : memref<60x2x128xi32, #tpu.memory_space<vmem>> -> memref<20x2x128xi32, #tpu.memory_space<vmem>>
        %dma_wait3A_63 = arith.constant 0 : i32
        %dma_wait3A_64 = arith.constant 0 : i32
        %dma_wait3A_65 = tpu.memref_slice %arg3[%add3A_19, %dma_wait3A_63, %dma_wait3A_64] : memref<2560x2x128xi32, #tpu.memory_space<hbm>> -> memref<20x2x128xi32, #tpu.memory_space<hbm>>
        %dma_wait3A_66 = arith.constant 0 : i32
        %dma_wait3A_67 = arith.constant 0 : i32
        %dma_wait3A_68 = arith.constant 0 : i32
        %dma_wait3A_69 = tpu.memref_slice %arg6[%dma_wait3A_66, %dma_wait3A_67, %dma_wait3A_68] : memref<60x2x128xi32, #tpu.memory_space<vmem>> -> memref<20x2x128xi32, #tpu.memory_space<vmem>>
        %dma_wait3A_70 = arith.constant 0 : i32
        %dma_wait3A_71 = arith.constant 0 : i32
        %dma_wait3A_72 = tpu.memref_slice %arg3[%add3A_19, %dma_wait3A_70, %dma_wait3A_71] : memref<2560x2x128xi32, #tpu.memory_space<hbm>> -> memref<20x2x128xi32, #tpu.memory_space<hbm>>
        tpu.wait_dma2 semaphore(%run_scoped3A : memref<!tpu.dma_semaphore, #tpu.memory_space<semaphore_mem>>) src(%dma_wait3A_72 : memref<20x2x128xi32, #tpu.memory_space<hbm>>) dst(%dma_wait3A_69 : memref<20x2x128xi32, #tpu.memory_space<vmem>>)
        tpu.yield
      }) : () -> ()
      %dma_start3A = arith.constant 0 : i32
      %dma_start3A_20 = arith.constant 0 : i32
      %dma_start3A_21 = arith.constant 0 : i32
      %dma_start3A_22 = tpu.memref_slice %arg6[%dma_start3A, %dma_start3A_20, %dma_start3A_21] : memref<60x2x128xi32, #tpu.memory_space<vmem>> -> memref<1x1x128xi32, #tpu.memory_space<vmem>>
      %dma_start3A_23 = tpu.memref_squeeze %dma_start3A_22 : memref<1x1x128xi32, #tpu.memory_space<vmem>> -> memref<128xi32, #tpu.memory_space<vmem>>
      %dma_start3A_24 = arith.constant 0 : i32
      %dma_start3A_25 = arith.constant 0 : i32
      %dma_start3A_26 = tpu.memref_slice %arg2[%dma_start3A_24, %dma_start3A_25] : memref<10240x128xf32, #tpu.memory_space<hbm>> -> memref<10240x128xf32, #tpu.memory_space<hbm>>
      tpu.enqueue_indirect_dma source(%dma_start3A_26 : memref<10240x128xf32, #tpu.memory_space<hbm>>) target(%arg7 : memref<128x128xf32, #tpu.memory_space<vmem>>) offsets(%dma_start3A_23 : memref<128xi32, #tpu.memory_space<vmem>>) semaphore(%arg10 : memref<!tpu.dma_semaphore, #tpu.memory_space<semaphore_mem>>)
      %scan3A = arith.constant 0 : i32
      %scan3A_27 = arith.constant 10 : i32
      %scan3A_28 = arith.addi %scan3A, %scan3A_27 : i32
      %scan3A_29 = arith.constant 1 : i32
      scf.for %scan3A_46 = %scan3A to %scan3A_28 step %scan3A_29  : i32 {
        %mul3A_47 = arith.constant 2 : i32
        %mul3A_48 = arith.muli %scan3A_46, %mul3A_47 : i32
        %add3A_49 = arith.constant 0 : i32
        %add3A_50 = arith.addi %add3A_49, %mul3A_48 : i32
        %add3A_51 = arith.constant 1 : i32
        %add3A_52 = arith.addi %add3A_50, %add3A_51 : i32
        %dma_start3A_53 = arith.constant 0 : i32
        %dma_start3A_54 = arith.constant 0 : i32
        %dma_start3A_55 = tpu.memref_slice %arg6[%add3A_52, %dma_start3A_53, %dma_start3A_54] : memref<60x2x128xi32, #tpu.memory_space<vmem>> -> memref<1x1x128xi32, #tpu.memory_space<vmem>>
        %dma_start3A_56 = tpu.memref_squeeze %dma_start3A_55 : memref<1x1x128xi32, #tpu.memory_space<vmem>> -> memref<128xi32, #tpu.memory_space<vmem>>
        %dma_start3A_57 = arith.constant 0 : i32
        %dma_start3A_58 = arith.constant 0 : i32
        %dma_start3A_59 = tpu.memref_slice %arg2[%dma_start3A_57, %dma_start3A_58] : memref<10240x128xf32, #tpu.memory_space<hbm>> -> memref<10240x128xf32, #tpu.memory_space<hbm>>
        tpu.enqueue_indirect_dma source(%dma_start3A_59 : memref<10240x128xf32, #tpu.memory_space<hbm>>) target(%arg8 : memref<128x128xf32, #tpu.memory_space<vmem>>) offsets(%dma_start3A_56 : memref<128xi32, #tpu.memory_space<vmem>>) semaphore(%arg11 : memref<!tpu.dma_semaphore, #tpu.memory_space<semaphore_mem>>)
        %dma_wait3A = arith.constant 0 : i32
        %dma_wait3A_60 = arith.constant 0 : i32
        %dma_wait3A_61 = tpu.memref_slice %arg2[%dma_wait3A, %dma_wait3A_60] : memref<10240x128xf32, #tpu.memory_space<hbm>> -> memref<128x128xf32, #tpu.memory_space<hbm>>
        %dma_wait3A_62 = arith.constant 0 : i32
        %dma_wait3A_63 = arith.constant 0 : i32
        %dma_wait3A_64 = tpu.memref_slice %arg2[%dma_wait3A_62, %dma_wait3A_63] : memref<10240x128xf32, #tpu.memory_space<hbm>> -> memref<128x128xf32, #tpu.memory_space<hbm>>
        tpu.wait_dma2 semaphore(%arg10 : memref<!tpu.dma_semaphore, #tpu.memory_space<semaphore_mem>>) src(%dma_wait3A_64 : memref<128x128xf32, #tpu.memory_space<hbm>>) dst(%arg7 : memref<128x128xf32, #tpu.memory_space<vmem>>)
        %run_scoped3A = arith.constant 1 : i32
        "tpu.region"() ({
          %run_scoped3A_80 = tpu.sem_alloc : memref<!tpu.dma_semaphore, #tpu.memory_space<semaphore_mem>>
          %dma_start3A_81 = arith.constant 0 : i32
          %dma_start3A_82 = tpu.memref_slice %arg6[%add3A_50, %run_scoped3A, %dma_start3A_81] : memref<60x2x128xi32, #tpu.memory_space<vmem>> -> memref<1x1x128xi32, #tpu.memory_space<vmem>>
          %dma_start3A_83 = tpu.memref_squeeze %dma_start3A_82 : memref<1x1x128xi32, #tpu.memory_space<vmem>> -> memref<128xi32, #tpu.memory_space<vmem>>
          %dma_start3A_84 = arith.constant 0 : i32
          %dma_start3A_85 = arith.constant 0 : i32
          %dma_start3A_86 = tpu.memref_slice %arg9[%dma_start3A_84, %dma_start3A_85] : memref<10240x128xf32, #tpu.memory_space<vmem_shared>> -> memref<10240x128xf32, #tpu.memory_space<vmem_shared>>
          tpu.enqueue_indirect_dma source(%arg7 : memref<128x128xf32, #tpu.memory_space<vmem>>) target(%dma_start3A_86 : memref<10240x128xf32, #tpu.memory_space<vmem_shared>>) offsets(%dma_start3A_83 : memref<128xi32, #tpu.memory_space<vmem>>) semaphore(%run_scoped3A_80 : memref<!tpu.dma_semaphore, #tpu.memory_space<semaphore_mem>>) {add = true}
          %dma_wait3A_87 = arith.constant 0 : i32
          %dma_wait3A_88 = tpu.memref_slice %arg6[%add3A_50, %run_scoped3A, %dma_wait3A_87] : memref<60x2x128xi32, #tpu.memory_space<vmem>> -> memref<1x1x128xi32, #tpu.memory_space<vmem>>
          %dma_wait3A_89 = tpu.memref_squeeze %dma_wait3A_88 : memref<1x1x128xi32, #tpu.memory_space<vmem>> -> memref<128xi32, #tpu.memory_space<vmem>>
          %dma_wait3A_90 = arith.constant 0 : i32
          %dma_wait3A_91 = arith.constant 0 : i32
          %dma_wait3A_92 = tpu.memref_slice %arg9[%dma_wait3A_90, %dma_wait3A_91] : memref<10240x128xf32, #tpu.memory_space<vmem_shared>> -> memref<10240x128xf32, #tpu.memory_space<vmem_shared>>
          tpu.wait_indirect_dma semaphore(%run_scoped3A_80 : memref<!tpu.dma_semaphore, #tpu.memory_space<semaphore_mem>>) src(%arg7 : memref<128x128xf32, #tpu.memory_space<vmem>>) dst(%dma_wait3A_92 : memref<10240x128xf32, #tpu.memory_space<vmem_shared>>)
          tpu.yield
        }) : () -> ()
        %add3A_65 = arith.constant 2 : i32
        %add3A_66 = arith.addi %add3A_50, %add3A_65 : i32
        %lt3A = arith.constant 20 : i32
        %lt3A_67 = arith.cmpi slt, %add3A_66, %lt3A : i32
        %convert_element_type3A_68 = arith.extui %lt3A_67 : i1 to i32
        %cond3A_69 = arith.constant 0 : i32
        %cond3A_70 = arith.cmpi ne, %convert_element_type3A_68, %cond3A_69 : i32
        scf.if %cond3A_70 {
          %add3A_80 = arith.constant 2 : i32
          %add3A_81 = arith.addi %add3A_50, %add3A_80 : i32
          %dma_start3A_82 = arith.constant 0 : i32
          %dma_start3A_83 = arith.constant 0 : i32
          %dma_start3A_84 = tpu.memref_slice %arg6[%add3A_81, %dma_start3A_82, %dma_start3A_83] : memref<60x2x128xi32, #tpu.memory_space<vmem>> -> memref<1x1x128xi32, #tpu.memory_space<vmem>>
          %dma_start3A_85 = tpu.memref_squeeze %dma_start3A_84 : memref<1x1x128xi32, #tpu.memory_space<vmem>> -> memref<128xi32, #tpu.memory_space<vmem>>
          %dma_start3A_86 = arith.constant 0 : i32
          %dma_start3A_87 = arith.constant 0 : i32
          %dma_start3A_88 = tpu.memref_slice %arg2[%dma_start3A_86, %dma_start3A_87] : memref<10240x128xf32, #tpu.memory_space<hbm>> -> memref<10240x128xf32, #tpu.memory_space<hbm>>
          tpu.enqueue_indirect_dma source(%dma_start3A_88 : memref<10240x128xf32, #tpu.memory_space<hbm>>) target(%arg7 : memref<128x128xf32, #tpu.memory_space<vmem>>) offsets(%dma_start3A_85 : memref<128xi32, #tpu.memory_space<vmem>>) semaphore(%arg10 : memref<!tpu.dma_semaphore, #tpu.memory_space<semaphore_mem>>)
        } else {
        }
        %dma_wait3A_71 = arith.constant 0 : i32
        %dma_wait3A_72 = arith.constant 0 : i32
        %dma_wait3A_73 = tpu.memref_slice %arg2[%dma_wait3A_71, %dma_wait3A_72] : memref<10240x128xf32, #tpu.memory_space<hbm>> -> memref<128x128xf32, #tpu.memory_space<hbm>>
        %dma_wait3A_74 = arith.constant 0 : i32
        %dma_wait3A_75 = arith.constant 0 : i32
        %dma_wait3A_76 = tpu.memref_slice %arg2[%dma_wait3A_74, %dma_wait3A_75] : memref<10240x128xf32, #tpu.memory_space<hbm>> -> memref<128x128xf32, #tpu.memory_space<hbm>>
        tpu.wait_dma2 semaphore(%arg11 : memref<!tpu.dma_semaphore, #tpu.memory_space<semaphore_mem>>) src(%dma_wait3A_76 : memref<128x128xf32, #tpu.memory_space<hbm>>) dst(%arg8 : memref<128x128xf32, #tpu.memory_space<vmem>>)
        %add3A_77 = arith.constant 1 : i32
        %add3A_78 = arith.addi %add3A_50, %add3A_77 : i32
        %run_scoped3A_79 = arith.constant 1 : i32
        "tpu.region"() ({
          %run_scoped3A_80 = tpu.sem_alloc : memref<!tpu.dma_semaphore, #tpu.memory_space<semaphore_mem>>
          %dma_start3A_81 = arith.constant 0 : i32
          %dma_start3A_82 = tpu.memref_slice %arg6[%add3A_78, %run_scoped3A_79, %dma_start3A_81] : memref<60x2x128xi32, #tpu.memory_space<vmem>> -> memref<1x1x128xi32, #tpu.memory_space<vmem>>
          %dma_start3A_83 = tpu.memref_squeeze %dma_start3A_82 : memref<1x1x128xi32, #tpu.memory_space<vmem>> -> memref<128xi32, #tpu.memory_space<vmem>>
          %dma_start3A_84 = arith.constant 0 : i32
          %dma_start3A_85 = arith.constant 0 : i32
          %dma_start3A_86 = tpu.memref_slice %arg9[%dma_start3A_84, %dma_start3A_85] : memref<10240x128xf32, #tpu.memory_space<vmem_shared>> -> memref<10240x128xf32, #tpu.memory_space<vmem_shared>>
          tpu.enqueue_indirect_dma source(%arg8 : memref<128x128xf32, #tpu.memory_space<vmem>>) target(%dma_start3A_86 : memref<10240x128xf32, #tpu.memory_space<vmem_shared>>) offsets(%dma_start3A_83 : memref<128xi32, #tpu.memory_space<vmem>>) semaphore(%run_scoped3A_80 : memref<!tpu.dma_semaphore, #tpu.memory_space<semaphore_mem>>) {add = true}
          %dma_wait3A_87 = arith.constant 0 : i32
          %dma_wait3A_88 = tpu.memref_slice %arg6[%add3A_78, %run_scoped3A_79, %dma_wait3A_87] : memref<60x2x128xi32, #tpu.memory_space<vmem>> -> memref<1x1x128xi32, #tpu.memory_space<vmem>>
          %dma_wait3A_89 = tpu.memref_squeeze %dma_wait3A_88 : memref<1x1x128xi32, #tpu.memory_space<vmem>> -> memref<128xi32, #tpu.memory_space<vmem>>
          %dma_wait3A_90 = arith.constant 0 : i32
          %dma_wait3A_91 = arith.constant 0 : i32
          %dma_wait3A_92 = tpu.memref_slice %arg9[%dma_wait3A_90, %dma_wait3A_91] : memref<10240x128xf32, #tpu.memory_space<vmem_shared>> -> memref<10240x128xf32, #tpu.memory_space<vmem_shared>>
          tpu.wait_indirect_dma semaphore(%run_scoped3A_80 : memref<!tpu.dma_semaphore, #tpu.memory_space<semaphore_mem>>) src(%arg8 : memref<128x128xf32, #tpu.memory_space<vmem>>) dst(%dma_wait3A_92 : memref<10240x128xf32, #tpu.memory_space<vmem_shared>>)
          tpu.yield
        }) : () -> ()
      }
      %scan3A_30 = arith.constant 10 : i32
      %add3A_31 = arith.constant 20 : i32
      %add3A_32 = arith.addi %add3A_17, %add3A_31 : i32
      "tpu.region"() ({
        %run_scoped3A = tpu.sem_alloc : memref<!tpu.dma_semaphore, #tpu.memory_space<semaphore_mem>>
        %dma_start3A_46 = arith.constant 0 : i32
        %dma_start3A_47 = arith.constant 0 : i32
        %dma_start3A_48 = arith.constant 0 : i32
        %dma_start3A_49 = tpu.memref_slice %arg6[%dma_start3A_46, %dma_start3A_47, %dma_start3A_48] : memref<60x2x128xi32, #tpu.memory_space<vmem>> -> memref<20x2x128xi32, #tpu.memory_space<vmem>>
        %dma_start3A_50 = arith.constant 0 : i32
        %dma_start3A_51 = arith.constant 0 : i32
        %dma_start3A_52 = tpu.memref_slice %arg3[%add3A_32, %dma_start3A_50, %dma_start3A_51] : memref<2560x2x128xi32, #tpu.memory_space<hbm>> -> memref<20x2x128xi32, #tpu.memory_space<hbm>>
        %dma_start3A_53 = arith.constant 0 : i32
        %dma_start3A_54 = arith.constant 0 : i32
        %dma_start3A_55 = arith.constant 0 : i32
        %dma_start3A_56 = tpu.memref_slice %arg6[%dma_start3A_53, %dma_start3A_54, %dma_start3A_55] : memref<60x2x128xi32, #tpu.memory_space<vmem>> -> memref<20x2x128xi32, #tpu.memory_space<vmem>>
        %dma_start3A_57 = arith.constant 0 : i32
        %dma_start3A_58 = arith.constant 0 : i32
        %dma_start3A_59 = tpu.memref_slice %arg3[%add3A_32, %dma_start3A_57, %dma_start3A_58] : memref<2560x2x128xi32, #tpu.memory_space<hbm>> -> memref<20x2x128xi32, #tpu.memory_space<hbm>>
        tpu.enqueue_dma source(%dma_start3A_59 : memref<20x2x128xi32, #tpu.memory_space<hbm>>) target(%dma_start3A_56 : memref<20x2x128xi32, #tpu.memory_space<vmem>>) target_semaphore(%run_scoped3A : memref<!tpu.dma_semaphore, #tpu.memory_space<semaphore_mem>>)
        %dma_wait3A = arith.constant 0 : i32
        %dma_wait3A_60 = arith.constant 0 : i32
        %dma_wait3A_61 = arith.constant 0 : i32
        %dma_wait3A_62 = tpu.memref_slice %arg6[%dma_wait3A, %dma_wait3A_60, %dma_wait3A_61] : memref<60x2x128xi32, #tpu.memory_space<vmem>> -> memref<20x2x128xi32, #tpu.memory_space<vmem>>
        %dma_wait3A_63 = arith.constant 0 : i32
        %dma_wait3A_64 = arith.constant 0 : i32
        %dma_wait3A_65 = tpu.memref_slice %arg3[%add3A_32, %dma_wait3A_63, %dma_wait3A_64] : memref<2560x2x128xi32, #tpu.memory_space<hbm>> -> memref<20x2x128xi32, #tpu.memory_space<hbm>>
        %dma_wait3A_66 = arith.constant 0 : i32
        %dma_wait3A_67 = arith.constant 0 : i32
        %dma_wait3A_68 = arith.constant 0 : i32
        %dma_wait3A_69 = tpu.memref_slice %arg6[%dma_wait3A_66, %dma_wait3A_67, %dma_wait3A_68] : memref<60x2x128xi32, #tpu.memory_space<vmem>> -> memref<20x2x128xi32, #tpu.memory_space<vmem>>
        %dma_wait3A_70 = arith.constant 0 : i32
        %dma_wait3A_71 = arith.constant 0 : i32
        %dma_wait3A_72 = tpu.memref_slice %arg3[%add3A_32, %dma_wait3A_70, %dma_wait3A_71] : memref<2560x2x128xi32, #tpu.memory_space<hbm>> -> memref<20x2x128xi32, #tpu.memory_space<hbm>>
        tpu.wait_dma2 semaphore(%run_scoped3A : memref<!tpu.dma_semaphore, #tpu.memory_space<semaphore_mem>>) src(%dma_wait3A_72 : memref<20x2x128xi32, #tpu.memory_space<hbm>>) dst(%dma_wait3A_69 : memref<20x2x128xi32, #tpu.memory_space<vmem>>)
        tpu.yield
      }) : () -> ()
      %dma_start3A_33 = arith.constant 0 : i32
      %dma_start3A_34 = arith.constant 0 : i32
      %dma_start3A_35 = arith.constant 0 : i32
      %dma_start3A_36 = tpu.memref_slice %arg6[%dma_start3A_33, %dma_start3A_34, %dma_start3A_35] : memref<60x2x128xi32, #tpu.memory_space<vmem>> -> memref<1x1x128xi32, #tpu.memory_space<vmem>>
      %dma_start3A_37 = tpu.memref_squeeze %dma_start3A_36 : memref<1x1x128xi32, #tpu.memory_space<vmem>> -> memref<128xi32, #tpu.memory_space<vmem>>
      %dma_start3A_38 = arith.constant 0 : i32
      %dma_start3A_39 = arith.constant 0 : i32
      %dma_start3A_40 = tpu.memref_slice %arg2[%dma_start3A_38, %dma_start3A_39] : memref<10240x128xf32, #tpu.memory_space<hbm>> -> memref<10240x128xf32, #tpu.memory_space<hbm>>
      tpu.enqueue_indirect_dma source(%dma_start3A_40 : memref<10240x128xf32, #tpu.memory_space<hbm>>) target(%arg7 : memref<128x128xf32, #tpu.memory_space<vmem>>) offsets(%dma_start3A_37 : memref<128xi32, #tpu.memory_space<vmem>>) semaphore(%arg10 : memref<!tpu.dma_semaphore, #tpu.memory_space<semaphore_mem>>)
      %scan3A_41 = arith.constant 0 : i32
      %scan3A_42 = arith.constant 10 : i32
      %scan3A_43 = arith.addi %scan3A_41, %scan3A_42 : i32
      %scan3A_44 = arith.constant 1 : i32
      scf.for %scan3A_46 = %scan3A_41 to %scan3A_43 step %scan3A_44  : i32 {
        %mul3A_47 = arith.constant 2 : i32
        %mul3A_48 = arith.muli %scan3A_46, %mul3A_47 : i32
        %add3A_49 = arith.constant 0 : i32
        %add3A_50 = arith.addi %add3A_49, %mul3A_48 : i32
        %add3A_51 = arith.constant 1 : i32
        %add3A_52 = arith.addi %add3A_50, %add3A_51 : i32
        %dma_start3A_53 = arith.constant 0 : i32
        %dma_start3A_54 = arith.constant 0 : i32
        %dma_start3A_55 = tpu.memref_slice %arg6[%add3A_52, %dma_start3A_53, %dma_start3A_54] : memref<60x2x128xi32, #tpu.memory_space<vmem>> -> memref<1x1x128xi32, #tpu.memory_space<vmem>>
        %dma_start3A_56 = tpu.memref_squeeze %dma_start3A_55 : memref<1x1x128xi32, #tpu.memory_space<vmem>> -> memref<128xi32, #tpu.memory_space<vmem>>
        %dma_start3A_57 = arith.constant 0 : i32
        %dma_start3A_58 = arith.constant 0 : i32
        %dma_start3A_59 = tpu.memref_slice %arg2[%dma_start3A_57, %dma_start3A_58] : memref<10240x128xf32, #tpu.memory_space<hbm>> -> memref<10240x128xf32, #tpu.memory_space<hbm>>
        tpu.enqueue_indirect_dma source(%dma_start3A_59 : memref<10240x128xf32, #tpu.memory_space<hbm>>) target(%arg8 : memref<128x128xf32, #tpu.memory_space<vmem>>) offsets(%dma_start3A_56 : memref<128xi32, #tpu.memory_space<vmem>>) semaphore(%arg11 : memref<!tpu.dma_semaphore, #tpu.memory_space<semaphore_mem>>)
        %dma_wait3A = arith.constant 0 : i32
        %dma_wait3A_60 = arith.constant 0 : i32
        %dma_wait3A_61 = tpu.memref_slice %arg2[%dma_wait3A, %dma_wait3A_60] : memref<10240x128xf32, #tpu.memory_space<hbm>> -> memref<128x128xf32, #tpu.memory_space<hbm>>
        %dma_wait3A_62 = arith.constant 0 : i32
        %dma_wait3A_63 = arith.constant 0 : i32
        %dma_wait3A_64 = tpu.memref_slice %arg2[%dma_wait3A_62, %dma_wait3A_63] : memref<10240x128xf32, #tpu.memory_space<hbm>> -> memref<128x128xf32, #tpu.memory_space<hbm>>
        tpu.wait_dma2 semaphore(%arg10 : memref<!tpu.dma_semaphore, #tpu.memory_space<semaphore_mem>>) src(%dma_wait3A_64 : memref<128x128xf32, #tpu.memory_space<hbm>>) dst(%arg7 : memref<128x128xf32, #tpu.memory_space<vmem>>)
        %run_scoped3A = arith.constant 1 : i32
        "tpu.region"() ({
          %run_scoped3A_80 = tpu.sem_alloc : memref<!tpu.dma_semaphore, #tpu.memory_space<semaphore_mem>>
          %dma_start3A_81 = arith.constant 0 : i32
          %dma_start3A_82 = tpu.memref_slice %arg6[%add3A_50, %run_scoped3A, %dma_start3A_81] : memref<60x2x128xi32, #tpu.memory_space<vmem>> -> memref<1x1x128xi32, #tpu.memory_space<vmem>>
          %dma_start3A_83 = tpu.memref_squeeze %dma_start3A_82 : memref<1x1x128xi32, #tpu.memory_space<vmem>> -> memref<128xi32, #tpu.memory_space<vmem>>
          %dma_start3A_84 = arith.constant 0 : i32
          %dma_start3A_85 = arith.constant 0 : i32
          %dma_start3A_86 = tpu.memref_slice %arg9[%dma_start3A_84, %dma_start3A_85] : memref<10240x128xf32, #tpu.memory_space<vmem_shared>> -> memref<10240x128xf32, #tpu.memory_space<vmem_shared>>
          tpu.enqueue_indirect_dma source(%arg7 : memref<128x128xf32, #tpu.memory_space<vmem>>) target(%dma_start3A_86 : memref<10240x128xf32, #tpu.memory_space<vmem_shared>>) offsets(%dma_start3A_83 : memref<128xi32, #tpu.memory_space<vmem>>) semaphore(%run_scoped3A_80 : memref<!tpu.dma_semaphore, #tpu.memory_space<semaphore_mem>>) {add = true}
          %dma_wait3A_87 = arith.constant 0 : i32
          %dma_wait3A_88 = tpu.memref_slice %arg6[%add3A_50, %run_scoped3A, %dma_wait3A_87] : memref<60x2x128xi32, #tpu.memory_space<vmem>> -> memref<1x1x128xi32, #tpu.memory_space<vmem>>
          %dma_wait3A_89 = tpu.memref_squeeze %dma_wait3A_88 : memref<1x1x128xi32, #tpu.memory_space<vmem>> -> memref<128xi32, #tpu.memory_space<vmem>>
          %dma_wait3A_90 = arith.constant 0 : i32
          %dma_wait3A_91 = arith.constant 0 : i32
          %dma_wait3A_92 = tpu.memref_slice %arg9[%dma_wait3A_90, %dma_wait3A_91] : memref<10240x128xf32, #tpu.memory_space<vmem_shared>> -> memref<10240x128xf32, #tpu.memory_space<vmem_shared>>
          tpu.wait_indirect_dma semaphore(%run_scoped3A_80 : memref<!tpu.dma_semaphore, #tpu.memory_space<semaphore_mem>>) src(%arg7 : memref<128x128xf32, #tpu.memory_space<vmem>>) dst(%dma_wait3A_92 : memref<10240x128xf32, #tpu.memory_space<vmem_shared>>)
          tpu.yield
        }) : () -> ()
        %add3A_65 = arith.constant 2 : i32
        %add3A_66 = arith.addi %add3A_50, %add3A_65 : i32
        %lt3A = arith.constant 20 : i32
        %lt3A_67 = arith.cmpi slt, %add3A_66, %lt3A : i32
        %convert_element_type3A_68 = arith.extui %lt3A_67 : i1 to i32
        %cond3A_69 = arith.constant 0 : i32
        %cond3A_70 = arith.cmpi ne, %convert_element_type3A_68, %cond3A_69 : i32
        scf.if %cond3A_70 {
          %add3A_80 = arith.constant 2 : i32
          %add3A_81 = arith.addi %add3A_50, %add3A_80 : i32
          %dma_start3A_82 = arith.constant 0 : i32
          %dma_start3A_83 = arith.constant 0 : i32
          %dma_start3A_84 = tpu.memref_slice %arg6[%add3A_81, %dma_start3A_82, %dma_start3A_83] : memref<60x2x128xi32, #tpu.memory_space<vmem>> -> memref<1x1x128xi32, #tpu.memory_space<vmem>>
          %dma_start3A_85 = tpu.memref_squeeze %dma_start3A_84 : memref<1x1x128xi32, #tpu.memory_space<vmem>> -> memref<128xi32, #tpu.memory_space<vmem>>
          %dma_start3A_86 = arith.constant 0 : i32
          %dma_start3A_87 = arith.constant 0 : i32
          %dma_start3A_88 = tpu.memref_slice %arg2[%dma_start3A_86, %dma_start3A_87] : memref<10240x128xf32, #tpu.memory_space<hbm>> -> memref<10240x128xf32, #tpu.memory_space<hbm>>
          tpu.enqueue_indirect_dma source(%dma_start3A_88 : memref<10240x128xf32, #tpu.memory_space<hbm>>) target(%arg7 : memref<128x128xf32, #tpu.memory_space<vmem>>) offsets(%dma_start3A_85 : memref<128xi32, #tpu.memory_space<vmem>>) semaphore(%arg10 : memref<!tpu.dma_semaphore, #tpu.memory_space<semaphore_mem>>)
        } else {
        }
        %dma_wait3A_71 = arith.constant 0 : i32
        %dma_wait3A_72 = arith.constant 0 : i32
        %dma_wait3A_73 = tpu.memref_slice %arg2[%dma_wait3A_71, %dma_wait3A_72] : memref<10240x128xf32, #tpu.memory_space<hbm>> -> memref<128x128xf32, #tpu.memory_space<hbm>>
        %dma_wait3A_74 = arith.constant 0 : i32
        %dma_wait3A_75 = arith.constant 0 : i32
        %dma_wait3A_76 = tpu.memref_slice %arg2[%dma_wait3A_74, %dma_wait3A_75] : memref<10240x128xf32, #tpu.memory_space<hbm>> -> memref<128x128xf32, #tpu.memory_space<hbm>>
        tpu.wait_dma2 semaphore(%arg11 : memref<!tpu.dma_semaphore, #tpu.memory_space<semaphore_mem>>) src(%dma_wait3A_76 : memref<128x128xf32, #tpu.memory_space<hbm>>) dst(%arg8 : memref<128x128xf32, #tpu.memory_space<vmem>>)
        %add3A_77 = arith.constant 1 : i32
        %add3A_78 = arith.addi %add3A_50, %add3A_77 : i32
        %run_scoped3A_79 = arith.constant 1 : i32
        "tpu.region"() ({
          %run_scoped3A_80 = tpu.sem_alloc : memref<!tpu.dma_semaphore, #tpu.memory_space<semaphore_mem>>
          %dma_start3A_81 = arith.constant 0 : i32
          %dma_start3A_82 = tpu.memref_slice %arg6[%add3A_78, %run_scoped3A_79, %dma_start3A_81] : memref<60x2x128xi32, #tpu.memory_space<vmem>> -> memref<1x1x128xi32, #tpu.memory_space<vmem>>
          %dma_start3A_83 = tpu.memref_squeeze %dma_start3A_82 : memref<1x1x128xi32, #tpu.memory_space<vmem>> -> memref<128xi32, #tpu.memory_space<vmem>>
          %dma_start3A_84 = arith.constant 0 : i32
          %dma_start3A_85 = arith.constant 0 : i32
          %dma_start3A_86 = tpu.memref_slice %arg9[%dma_start3A_84, %dma_start3A_85] : memref<10240x128xf32, #tpu.memory_space<vmem_shared>> -> memref<10240x128xf32, #tpu.memory_space<vmem_shared>>
          tpu.enqueue_indirect_dma source(%arg8 : memref<128x128xf32, #tpu.memory_space<vmem>>) target(%dma_start3A_86 : memref<10240x128xf32, #tpu.memory_space<vmem_shared>>) offsets(%dma_start3A_83 : memref<128xi32, #tpu.memory_space<vmem>>) semaphore(%run_scoped3A_80 : memref<!tpu.dma_semaphore, #tpu.memory_space<semaphore_mem>>) {add = true}
          %dma_wait3A_87 = arith.constant 0 : i32
          %dma_wait3A_88 = tpu.memref_slice %arg6[%add3A_78, %run_scoped3A_79, %dma_wait3A_87] : memref<60x2x128xi32, #tpu.memory_space<vmem>> -> memref<1x1x128xi32, #tpu.memory_space<vmem>>
          %dma_wait3A_89 = tpu.memref_squeeze %dma_wait3A_88 : memref<1x1x128xi32, #tpu.memory_space<vmem>> -> memref<128xi32, #tpu.memory_space<vmem>>
          %dma_wait3A_90 = arith.constant 0 : i32
          %dma_wait3A_91 = arith.constant 0 : i32
          %dma_wait3A_92 = tpu.memref_slice %arg9[%dma_wait3A_90, %dma_wait3A_91] : memref<10240x128xf32, #tpu.memory_space<vmem_shared>> -> memref<10240x128xf32, #tpu.memory_space<vmem_shared>>
          tpu.wait_indirect_dma semaphore(%run_scoped3A_80 : memref<!tpu.dma_semaphore, #tpu.memory_space<semaphore_mem>>) src(%arg8 : memref<128x128xf32, #tpu.memory_space<vmem>>) dst(%dma_wait3A_92 : memref<10240x128xf32, #tpu.memory_space<vmem_shared>>)
          tpu.yield
        }) : () -> ()
      }
      %scan3A_45 = arith.constant 10 : i32
    } else {
    }
    %barrier3A_10 = arith.constant 0 : index
    tpu.barrier barrier_id(%barrier3A_10)
    %mul3A_11 = arith.constant 640 : i32
    %mul3A_12 = arith.muli %arg1, %mul3A_11 : i32
    %mul3A_13 = arith.constant 640 : i32
    %mul3A_14 = arith.muli %arg1, %mul3A_13 : i32
    "tpu.region"() ({
      %run_scoped3A = tpu.sem_alloc : memref<!tpu.dma_semaphore, #tpu.memory_space<semaphore_mem>>
      %dma_start3A = arith.constant 0 : i32
      %dma_start3A_15 = tpu.memref_slice %arg5[%arg0, %mul3A_14, %dma_start3A] : memref<2x10240x128xf32, #tpu.memory_space<hbm>> -> memref<1x640x128xf32, #tpu.memory_space<hbm>>
      %dma_start3A_16 = tpu.memref_squeeze %dma_start3A_15 : memref<1x640x128xf32, #tpu.memory_space<hbm>> -> memref<640x128xf32, #tpu.memory_space<hbm>>
      %dma_start3A_17 = arith.constant 0 : i32
      %dma_start3A_18 = tpu.memref_slice %arg9[%mul3A_12, %dma_start3A_17] : memref<10240x128xf32, #tpu.memory_space<vmem_shared>> -> memref<640x128xf32, #tpu.memory_space<vmem_shared>>
      tpu.enqueue_dma source(%dma_start3A_18 : memref<640x128xf32, #tpu.memory_space<vmem_shared>>) target(%dma_start3A_16 : memref<640x128xf32, #tpu.memory_space<hbm>>) target_semaphore(%run_scoped3A : memref<!tpu.dma_semaphore, #tpu.memory_space<semaphore_mem>>)
      %dma_wait3A = arith.constant 0 : i32
      %dma_wait3A_19 = tpu.memref_slice %arg5[%arg0, %mul3A_14, %dma_wait3A] : memref<2x10240x128xf32, #tpu.memory_space<hbm>> -> memref<1x640x128xf32, #tpu.memory_space<hbm>>
      %dma_wait3A_20 = tpu.memref_squeeze %dma_wait3A_19 : memref<1x640x128xf32, #tpu.memory_space<hbm>> -> memref<640x128xf32, #tpu.memory_space<hbm>>
      %dma_wait3A_21 = arith.constant 0 : i32
      %dma_wait3A_22 = tpu.memref_slice %arg9[%mul3A_12, %dma_wait3A_21] : memref<10240x128xf32, #tpu.memory_space<vmem_shared>> -> memref<640x128xf32, #tpu.memory_space<vmem_shared>>
      tpu.wait_dma2 semaphore(%run_scoped3A : memref<!tpu.dma_semaphore, #tpu.memory_space<semaphore_mem>>) src(%dma_wait3A_22 : memref<640x128xf32, #tpu.memory_space<vmem_shared>>) dst(%dma_wait3A_20 : memref<640x128xf32, #tpu.memory_space<hbm>>)
      tpu.yield
    }) : () -> ()
    return
  }
}

#map = affine_map<(d0, d1) -> (0, 0)>
#map1 = affine_map<(d0, d1) -> (0, 0, 0)>
module attributes {stable_mosaic.version = 14 : i64} {
  func.func @k(%arg0: i32, %arg1: i32, %arg2: memref<10240x128xf32, #tpu.memory_space<hbm>>, %arg3: memref<2560x2x128xi32, #tpu.memory_space<hbm>>, %arg4: memref<10240x128xf32, #tpu.memory_space<hbm>>, %arg5: memref<2x10240x128xf32, #tpu.memory_space<hbm>>, %arg6: memref<60x2x128xi32, #tpu.memory_space<vmem>>, %arg7: memref<128x128xf32, #tpu.memory_space<vmem>>, %arg8: memref<128x128xf32, #tpu.memory_space<vmem>>, %arg9: memref<10240x128xf32, #tpu.memory_space<vmem_shared>>, %arg10: memref<!tpu.dma_semaphore, #tpu.memory_space<semaphore_mem>>, %arg11: memref<!tpu.dma_semaphore, #tpu.memory_space<semaphore_mem>>) attributes {dimension_semantics = [#tpu.dimension_semantics<core_parallel>, #tpu.dimension_semantics<subcore_parallel>], iteration_bounds = array<i64: 2, 16>, scalar_prefetch = 0 : i64, scratch_operands = 6 : i64, tpu.core_type = #tpu.core_type<sc_vector_subcore>, window_params = [{transform_indices = #map}, {transform_indices = #map1}, {transform_indices = #map}, {transform_indices = #map1}]} {
    %mul3A = arith.constant 640 : i32
    %mul3A_0 = arith.muli %arg1, %mul3A : i32
    %mul3A_1 = arith.constant 640 : i32
    %mul3A_2 = arith.muli %arg1, %mul3A_1 : i32
    "tpu.region"() ({
      %run_scoped3A = tpu.sem_alloc : memref<!tpu.dma_semaphore, #tpu.memory_space<semaphore_mem>>
      %dma_start3A = arith.constant 0 : i32
      %dma_start3A_15 = tpu.memref_slice %arg9[%mul3A_2, %dma_start3A] : memref<10240x128xf32, #tpu.memory_space<vmem_shared>> -> memref<640x128xf32, #tpu.memory_space<vmem_shared>>
      %dma_start3A_16 = arith.constant 0 : i32
      %dma_start3A_17 = tpu.memref_slice %arg4[%mul3A_0, %dma_start3A_16] : memref<10240x128xf32, #tpu.memory_space<hbm>> -> memref<640x128xf32, #tpu.memory_space<hbm>>
      tpu.enqueue_dma source(%dma_start3A_17 : memref<640x128xf32, #tpu.memory_space<hbm>>) target(%dma_start3A_15 : memref<640x128xf32, #tpu.memory_space<vmem_shared>>) target_semaphore(%run_scoped3A : memref<!tpu.dma_semaphore, #tpu.memory_space<semaphore_mem>>)
      %dma_wait3A = arith.constant 0 : i32
      %dma_wait3A_18 = tpu.memref_slice %arg9[%mul3A_2, %dma_wait3A] : memref<10240x128xf32, #tpu.memory_space<vmem_shared>> -> memref<640x128xf32, #tpu.memory_space<vmem_shared>>
      %dma_wait3A_19 = arith.constant 0 : i32
      %dma_wait3A_20 = tpu.memref_slice %arg4[%mul3A_0, %dma_wait3A_19] : memref<10240x128xf32, #tpu.memory_space<hbm>> -> memref<640x128xf32, #tpu.memory_space<hbm>>
      tpu.wait_dma2 semaphore(%run_scoped3A : memref<!tpu.dma_semaphore, #tpu.memory_space<semaphore_mem>>) src(%dma_wait3A_20 : memref<640x128xf32, #tpu.memory_space<hbm>>) dst(%dma_wait3A_18 : memref<640x128xf32, #tpu.memory_space<vmem_shared>>)
      tpu.yield
    }) : () -> ()
    %barrier3A = arith.constant 0 : index
    tpu.barrier barrier_id(%barrier3A)
    %eq3A = arith.constant 0 : i32
    %eq3A_3 = arith.cmpi eq, %arg0, %eq3A : i32
    %convert_element_type3A = arith.extui %eq3A_3 : i1 to i32
    %cond3A = arith.constant 0 : i32
    %cond3A_4 = arith.cmpi ne, %convert_element_type3A, %cond3A : i32
    scf.if %cond3A_4 {
      %mul3A_15 = arith.constant 120 : i32
      %mul3A_16 = arith.muli %arg1, %mul3A_15 : i32
      %add3A = arith.constant 0 : i32
      %add3A_17 = arith.addi %mul3A_16, %add3A : i32
      "tpu.region"() ({
        %run_scoped3A = tpu.sem_alloc : memref<!tpu.dma_semaphore, #tpu.memory_space<semaphore_mem>>
        %dma_start3A_44 = arith.constant 0 : i32
        %dma_start3A_45 = arith.constant 0 : i32
        %dma_start3A_46 = arith.constant 0 : i32
        %dma_start3A_47 = tpu.memref_slice %arg6[%dma_start3A_44, %dma_start3A_45, %dma_start3A_46] : memref<60x2x128xi32, #tpu.memory_space<vmem>> -> memref<60x2x128xi32, #tpu.memory_space<vmem>>
        %dma_start3A_48 = arith.constant 0 : i32
        %dma_start3A_49 = arith.constant 0 : i32
        %dma_start3A_50 = tpu.memref_slice %arg3[%add3A_17, %dma_start3A_48, %dma_start3A_49] : memref<2560x2x128xi32, #tpu.memory_space<hbm>> -> memref<60x2x128xi32, #tpu.memory_space<hbm>>
        %dma_start3A_51 = arith.constant 0 : i32
        %dma_start3A_52 = arith.constant 0 : i32
        %dma_start3A_53 = arith.constant 0 : i32
        %dma_start3A_54 = tpu.memref_slice %arg6[%dma_start3A_51, %dma_start3A_52, %dma_start3A_53] : memref<60x2x128xi32, #tpu.memory_space<vmem>> -> memref<60x2x128xi32, #tpu.memory_space<vmem>>
        %dma_start3A_55 = arith.constant 0 : i32
        %dma_start3A_56 = arith.constant 0 : i32
        %dma_start3A_57 = tpu.memref_slice %arg3[%add3A_17, %dma_start3A_55, %dma_start3A_56] : memref<2560x2x128xi32, #tpu.memory_space<hbm>> -> memref<60x2x128xi32, #tpu.memory_space<hbm>>
        tpu.enqueue_dma source(%dma_start3A_57 : memref<60x2x128xi32, #tpu.memory_space<hbm>>) target(%dma_start3A_54 : memref<60x2x128xi32, #tpu.memory_space<vmem>>) target_semaphore(%run_scoped3A : memref<!tpu.dma_semaphore, #tpu.memory_space<semaphore_mem>>)
        %dma_wait3A = arith.constant 0 : i32
        %dma_wait3A_58 = arith.constant 0 : i32
        %dma_wait3A_59 = arith.constant 0 : i32
        %dma_wait3A_60 = tpu.memref_slice %arg6[%dma_wait3A, %dma_wait3A_58, %dma_wait3A_59] : memref<60x2x128xi32, #tpu.memory_space<vmem>> -> memref<60x2x128xi32, #tpu.memory_space<vmem>>
        %dma_wait3A_61 = arith.constant 0 : i32
        %dma_wait3A_62 = arith.constant 0 : i32
        %dma_wait3A_63 = tpu.memref_slice %arg3[%add3A_17, %dma_wait3A_61, %dma_wait3A_62] : memref<2560x2x128xi32, #tpu.memory_space<hbm>> -> memref<60x2x128xi32, #tpu.memory_space<hbm>>
        %dma_wait3A_64 = arith.constant 0 : i32
        %dma_wait3A_65 = arith.constant 0 : i32
        %dma_wait3A_66 = arith.constant 0 : i32
        %dma_wait3A_67 = tpu.memref_slice %arg6[%dma_wait3A_64, %dma_wait3A_65, %dma_wait3A_66] : memref<60x2x128xi32, #tpu.memory_space<vmem>> -> memref<60x2x128xi32, #tpu.memory_space<vmem>>
        %dma_wait3A_68 = arith.constant 0 : i32
        %dma_wait3A_69 = arith.constant 0 : i32
        %dma_wait3A_70 = tpu.memref_slice %arg3[%add3A_17, %dma_wait3A_68, %dma_wait3A_69] : memref<2560x2x128xi32, #tpu.memory_space<hbm>> -> memref<60x2x128xi32, #tpu.memory_space<hbm>>
        tpu.wait_dma2 semaphore(%run_scoped3A : memref<!tpu.dma_semaphore, #tpu.memory_space<semaphore_mem>>) src(%dma_wait3A_70 : memref<60x2x128xi32, #tpu.memory_space<hbm>>) dst(%dma_wait3A_67 : memref<60x2x128xi32, #tpu.memory_space<vmem>>)
        tpu.yield
      }) : () -> ()
      %dma_start3A = arith.constant 0 : i32
      %dma_start3A_18 = arith.constant 0 : i32
      %dma_start3A_19 = arith.constant 0 : i32
      %dma_start3A_20 = tpu.memref_slice %arg6[%dma_start3A, %dma_start3A_18, %dma_start3A_19] : memref<60x2x128xi32, #tpu.memory_space<vmem>> -> memref<1x1x128xi32, #tpu.memory_space<vmem>>
      %dma_start3A_21 = tpu.memref_squeeze %dma_start3A_20 : memref<1x1x128xi32, #tpu.memory_space<vmem>> -> memref<128xi32, #tpu.memory_space<vmem>>
      %dma_start3A_22 = arith.constant 0 : i32
      %dma_start3A_23 = arith.constant 0 : i32
      %dma_start3A_24 = tpu.memref_slice %arg2[%dma_start3A_22, %dma_start3A_23] : memref<10240x128xf32, #tpu.memory_space<hbm>> -> memref<10240x128xf32, #tpu.memory_space<hbm>>
      tpu.enqueue_indirect_dma source(%dma_start3A_24 : memref<10240x128xf32, #tpu.memory_space<hbm>>) target(%arg7 : memref<128x128xf32, #tpu.memory_space<vmem>>) offsets(%dma_start3A_21 : memref<128xi32, #tpu.memory_space<vmem>>) semaphore(%arg10 : memref<!tpu.dma_semaphore, #tpu.memory_space<semaphore_mem>>)
      %scan3A = arith.constant 0 : i32
      %scan3A_25 = arith.constant 30 : i32
      %scan3A_26 = arith.addi %scan3A, %scan3A_25 : i32
      %scan3A_27 = arith.constant 1 : i32
      scf.for %scan3A_44 = %scan3A to %scan3A_26 step %scan3A_27  : i32 {
        %mul3A_45 = arith.constant 2 : i32
        %mul3A_46 = arith.muli %scan3A_44, %mul3A_45 : i32
        %add3A_47 = arith.constant 0 : i32
        %add3A_48 = arith.addi %add3A_47, %mul3A_46 : i32
        %add3A_49 = arith.constant 1 : i32
        %add3A_50 = arith.addi %add3A_48, %add3A_49 : i32
        %dma_start3A_51 = arith.constant 0 : i32
        %dma_start3A_52 = arith.constant 0 : i32
        %dma_start3A_53 = tpu.memref_slice %arg6[%add3A_50, %dma_start3A_51, %dma_start3A_52] : memref<60x2x128xi32, #tpu.memory_space<vmem>> -> memref<1x1x128xi32, #tpu.memory_space<vmem>>
        %dma_start3A_54 = tpu.memref_squeeze %dma_start3A_53 : memref<1x1x128xi32, #tpu.memory_space<vmem>> -> memref<128xi32, #tpu.memory_space<vmem>>
        %dma_start3A_55 = arith.constant 0 : i32
        %dma_start3A_56 = arith.constant 0 : i32
        %dma_start3A_57 = tpu.memref_slice %arg2[%dma_start3A_55, %dma_start3A_56] : memref<10240x128xf32, #tpu.memory_space<hbm>> -> memref<10240x128xf32, #tpu.memory_space<hbm>>
        tpu.enqueue_indirect_dma source(%dma_start3A_57 : memref<10240x128xf32, #tpu.memory_space<hbm>>) target(%arg8 : memref<128x128xf32, #tpu.memory_space<vmem>>) offsets(%dma_start3A_54 : memref<128xi32, #tpu.memory_space<vmem>>) semaphore(%arg11 : memref<!tpu.dma_semaphore, #tpu.memory_space<semaphore_mem>>)
        %dma_wait3A = arith.constant 0 : i32
        %dma_wait3A_58 = arith.constant 0 : i32
        %dma_wait3A_59 = tpu.memref_slice %arg2[%dma_wait3A, %dma_wait3A_58] : memref<10240x128xf32, #tpu.memory_space<hbm>> -> memref<128x128xf32, #tpu.memory_space<hbm>>
        %dma_wait3A_60 = arith.constant 0 : i32
        %dma_wait3A_61 = arith.constant 0 : i32
        %dma_wait3A_62 = tpu.memref_slice %arg2[%dma_wait3A_60, %dma_wait3A_61] : memref<10240x128xf32, #tpu.memory_space<hbm>> -> memref<128x128xf32, #tpu.memory_space<hbm>>
        tpu.wait_dma2 semaphore(%arg10 : memref<!tpu.dma_semaphore, #tpu.memory_space<semaphore_mem>>) src(%dma_wait3A_62 : memref<128x128xf32, #tpu.memory_space<hbm>>) dst(%arg7 : memref<128x128xf32, #tpu.memory_space<vmem>>)
        %run_scoped3A = arith.constant 1 : i32
        "tpu.region"() ({
          %run_scoped3A_78 = tpu.sem_alloc : memref<!tpu.dma_semaphore, #tpu.memory_space<semaphore_mem>>
          %dma_start3A_79 = arith.constant 0 : i32
          %dma_start3A_80 = tpu.memref_slice %arg6[%add3A_48, %run_scoped3A, %dma_start3A_79] : memref<60x2x128xi32, #tpu.memory_space<vmem>> -> memref<1x1x128xi32, #tpu.memory_space<vmem>>
          %dma_start3A_81 = tpu.memref_squeeze %dma_start3A_80 : memref<1x1x128xi32, #tpu.memory_space<vmem>> -> memref<128xi32, #tpu.memory_space<vmem>>
          %dma_start3A_82 = arith.constant 0 : i32
          %dma_start3A_83 = arith.constant 0 : i32
          %dma_start3A_84 = tpu.memref_slice %arg9[%dma_start3A_82, %dma_start3A_83] : memref<10240x128xf32, #tpu.memory_space<vmem_shared>> -> memref<10240x128xf32, #tpu.memory_space<vmem_shared>>
          tpu.enqueue_indirect_dma source(%arg7 : memref<128x128xf32, #tpu.memory_space<vmem>>) target(%dma_start3A_84 : memref<10240x128xf32, #tpu.memory_space<vmem_shared>>) offsets(%dma_start3A_81 : memref<128xi32, #tpu.memory_space<vmem>>) semaphore(%run_scoped3A_78 : memref<!tpu.dma_semaphore, #tpu.memory_space<semaphore_mem>>) {add = true}
          %dma_wait3A_85 = arith.constant 0 : i32
          %dma_wait3A_86 = tpu.memref_slice %arg6[%add3A_48, %run_scoped3A, %dma_wait3A_85] : memref<60x2x128xi32, #tpu.memory_space<vmem>> -> memref<1x1x128xi32, #tpu.memory_space<vmem>>
          %dma_wait3A_87 = tpu.memref_squeeze %dma_wait3A_86 : memref<1x1x128xi32, #tpu.memory_space<vmem>> -> memref<128xi32, #tpu.memory_space<vmem>>
          %dma_wait3A_88 = arith.constant 0 : i32
          %dma_wait3A_89 = arith.constant 0 : i32
          %dma_wait3A_90 = tpu.memref_slice %arg9[%dma_wait3A_88, %dma_wait3A_89] : memref<10240x128xf32, #tpu.memory_space<vmem_shared>> -> memref<10240x128xf32, #tpu.memory_space<vmem_shared>>
          tpu.wait_indirect_dma semaphore(%run_scoped3A_78 : memref<!tpu.dma_semaphore, #tpu.memory_space<semaphore_mem>>) src(%arg7 : memref<128x128xf32, #tpu.memory_space<vmem>>) dst(%dma_wait3A_90 : memref<10240x128xf32, #tpu.memory_space<vmem_shared>>)
          tpu.yield
        }) : () -> ()
        %add3A_63 = arith.constant 2 : i32
        %add3A_64 = arith.addi %add3A_48, %add3A_63 : i32
        %lt3A = arith.constant 60 : i32
        %lt3A_65 = arith.cmpi slt, %add3A_64, %lt3A : i32
        %convert_element_type3A_66 = arith.extui %lt3A_65 : i1 to i32
        %cond3A_67 = arith.constant 0 : i32
        %cond3A_68 = arith.cmpi ne, %convert_element_type3A_66, %cond3A_67 : i32
        scf.if %cond3A_68 {
          %add3A_78 = arith.constant 2 : i32
          %add3A_79 = arith.addi %add3A_48, %add3A_78 : i32
          %dma_start3A_80 = arith.constant 0 : i32
          %dma_start3A_81 = arith.constant 0 : i32
          %dma_start3A_82 = tpu.memref_slice %arg6[%add3A_79, %dma_start3A_80, %dma_start3A_81] : memref<60x2x128xi32, #tpu.memory_space<vmem>> -> memref<1x1x128xi32, #tpu.memory_space<vmem>>
          %dma_start3A_83 = tpu.memref_squeeze %dma_start3A_82 : memref<1x1x128xi32, #tpu.memory_space<vmem>> -> memref<128xi32, #tpu.memory_space<vmem>>
          %dma_start3A_84 = arith.constant 0 : i32
          %dma_start3A_85 = arith.constant 0 : i32
          %dma_start3A_86 = tpu.memref_slice %arg2[%dma_start3A_84, %dma_start3A_85] : memref<10240x128xf32, #tpu.memory_space<hbm>> -> memref<10240x128xf32, #tpu.memory_space<hbm>>
          tpu.enqueue_indirect_dma source(%dma_start3A_86 : memref<10240x128xf32, #tpu.memory_space<hbm>>) target(%arg7 : memref<128x128xf32, #tpu.memory_space<vmem>>) offsets(%dma_start3A_83 : memref<128xi32, #tpu.memory_space<vmem>>) semaphore(%arg10 : memref<!tpu.dma_semaphore, #tpu.memory_space<semaphore_mem>>)
        } else {
        }
        %dma_wait3A_69 = arith.constant 0 : i32
        %dma_wait3A_70 = arith.constant 0 : i32
        %dma_wait3A_71 = tpu.memref_slice %arg2[%dma_wait3A_69, %dma_wait3A_70] : memref<10240x128xf32, #tpu.memory_space<hbm>> -> memref<128x128xf32, #tpu.memory_space<hbm>>
        %dma_wait3A_72 = arith.constant 0 : i32
        %dma_wait3A_73 = arith.constant 0 : i32
        %dma_wait3A_74 = tpu.memref_slice %arg2[%dma_wait3A_72, %dma_wait3A_73] : memref<10240x128xf32, #tpu.memory_space<hbm>> -> memref<128x128xf32, #tpu.memory_space<hbm>>
        tpu.wait_dma2 semaphore(%arg11 : memref<!tpu.dma_semaphore, #tpu.memory_space<semaphore_mem>>) src(%dma_wait3A_74 : memref<128x128xf32, #tpu.memory_space<hbm>>) dst(%arg8 : memref<128x128xf32, #tpu.memory_space<vmem>>)
        %add3A_75 = arith.constant 1 : i32
        %add3A_76 = arith.addi %add3A_48, %add3A_75 : i32
        %run_scoped3A_77 = arith.constant 1 : i32
        "tpu.region"() ({
          %run_scoped3A_78 = tpu.sem_alloc : memref<!tpu.dma_semaphore, #tpu.memory_space<semaphore_mem>>
          %dma_start3A_79 = arith.constant 0 : i32
          %dma_start3A_80 = tpu.memref_slice %arg6[%add3A_76, %run_scoped3A_77, %dma_start3A_79] : memref<60x2x128xi32, #tpu.memory_space<vmem>> -> memref<1x1x128xi32, #tpu.memory_space<vmem>>
          %dma_start3A_81 = tpu.memref_squeeze %dma_start3A_80 : memref<1x1x128xi32, #tpu.memory_space<vmem>> -> memref<128xi32, #tpu.memory_space<vmem>>
          %dma_start3A_82 = arith.constant 0 : i32
          %dma_start3A_83 = arith.constant 0 : i32
          %dma_start3A_84 = tpu.memref_slice %arg9[%dma_start3A_82, %dma_start3A_83] : memref<10240x128xf32, #tpu.memory_space<vmem_shared>> -> memref<10240x128xf32, #tpu.memory_space<vmem_shared>>
          tpu.enqueue_indirect_dma source(%arg8 : memref<128x128xf32, #tpu.memory_space<vmem>>) target(%dma_start3A_84 : memref<10240x128xf32, #tpu.memory_space<vmem_shared>>) offsets(%dma_start3A_81 : memref<128xi32, #tpu.memory_space<vmem>>) semaphore(%run_scoped3A_78 : memref<!tpu.dma_semaphore, #tpu.memory_space<semaphore_mem>>) {add = true}
          %dma_wait3A_85 = arith.constant 0 : i32
          %dma_wait3A_86 = tpu.memref_slice %arg6[%add3A_76, %run_scoped3A_77, %dma_wait3A_85] : memref<60x2x128xi32, #tpu.memory_space<vmem>> -> memref<1x1x128xi32, #tpu.memory_space<vmem>>
          %dma_wait3A_87 = tpu.memref_squeeze %dma_wait3A_86 : memref<1x1x128xi32, #tpu.memory_space<vmem>> -> memref<128xi32, #tpu.memory_space<vmem>>
          %dma_wait3A_88 = arith.constant 0 : i32
          %dma_wait3A_89 = arith.constant 0 : i32
          %dma_wait3A_90 = tpu.memref_slice %arg9[%dma_wait3A_88, %dma_wait3A_89] : memref<10240x128xf32, #tpu.memory_space<vmem_shared>> -> memref<10240x128xf32, #tpu.memory_space<vmem_shared>>
          tpu.wait_indirect_dma semaphore(%run_scoped3A_78 : memref<!tpu.dma_semaphore, #tpu.memory_space<semaphore_mem>>) src(%arg8 : memref<128x128xf32, #tpu.memory_space<vmem>>) dst(%dma_wait3A_90 : memref<10240x128xf32, #tpu.memory_space<vmem_shared>>)
          tpu.yield
        }) : () -> ()
      }
      %scan3A_28 = arith.constant 30 : i32
      %add3A_29 = arith.constant 60 : i32
      %add3A_30 = arith.addi %mul3A_16, %add3A_29 : i32
      "tpu.region"() ({
        %run_scoped3A = tpu.sem_alloc : memref<!tpu.dma_semaphore, #tpu.memory_space<semaphore_mem>>
        %dma_start3A_44 = arith.constant 0 : i32
        %dma_start3A_45 = arith.constant 0 : i32
        %dma_start3A_46 = arith.constant 0 : i32
        %dma_start3A_47 = tpu.memref_slice %arg6[%dma_start3A_44, %dma_start3A_45, %dma_start3A_46] : memref<60x2x128xi32, #tpu.memory_space<vmem>> -> memref<60x2x128xi32, #tpu.memory_space<vmem>>
        %dma_start3A_48 = arith.constant 0 : i32
        %dma_start3A_49 = arith.constant 0 : i32
        %dma_start3A_50 = tpu.memref_slice %arg3[%add3A_30, %dma_start3A_48, %dma_start3A_49] : memref<2560x2x128xi32, #tpu.memory_space<hbm>> -> memref<60x2x128xi32, #tpu.memory_space<hbm>>
        %dma_start3A_51 = arith.constant 0 : i32
        %dma_start3A_52 = arith.constant 0 : i32
        %dma_start3A_53 = arith.constant 0 : i32
        %dma_start3A_54 = tpu.memref_slice %arg6[%dma_start3A_51, %dma_start3A_52, %dma_start3A_53] : memref<60x2x128xi32, #tpu.memory_space<vmem>> -> memref<60x2x128xi32, #tpu.memory_space<vmem>>
        %dma_start3A_55 = arith.constant 0 : i32
        %dma_start3A_56 = arith.constant 0 : i32
        %dma_start3A_57 = tpu.memref_slice %arg3[%add3A_30, %dma_start3A_55, %dma_start3A_56] : memref<2560x2x128xi32, #tpu.memory_space<hbm>> -> memref<60x2x128xi32, #tpu.memory_space<hbm>>
        tpu.enqueue_dma source(%dma_start3A_57 : memref<60x2x128xi32, #tpu.memory_space<hbm>>) target(%dma_start3A_54 : memref<60x2x128xi32, #tpu.memory_space<vmem>>) target_semaphore(%run_scoped3A : memref<!tpu.dma_semaphore, #tpu.memory_space<semaphore_mem>>)
        %dma_wait3A = arith.constant 0 : i32
        %dma_wait3A_58 = arith.constant 0 : i32
        %dma_wait3A_59 = arith.constant 0 : i32
        %dma_wait3A_60 = tpu.memref_slice %arg6[%dma_wait3A, %dma_wait3A_58, %dma_wait3A_59] : memref<60x2x128xi32, #tpu.memory_space<vmem>> -> memref<60x2x128xi32, #tpu.memory_space<vmem>>
        %dma_wait3A_61 = arith.constant 0 : i32
        %dma_wait3A_62 = arith.constant 0 : i32
        %dma_wait3A_63 = tpu.memref_slice %arg3[%add3A_30, %dma_wait3A_61, %dma_wait3A_62] : memref<2560x2x128xi32, #tpu.memory_space<hbm>> -> memref<60x2x128xi32, #tpu.memory_space<hbm>>
        %dma_wait3A_64 = arith.constant 0 : i32
        %dma_wait3A_65 = arith.constant 0 : i32
        %dma_wait3A_66 = arith.constant 0 : i32
        %dma_wait3A_67 = tpu.memref_slice %arg6[%dma_wait3A_64, %dma_wait3A_65, %dma_wait3A_66] : memref<60x2x128xi32, #tpu.memory_space<vmem>> -> memref<60x2x128xi32, #tpu.memory_space<vmem>>
        %dma_wait3A_68 = arith.constant 0 : i32
        %dma_wait3A_69 = arith.constant 0 : i32
        %dma_wait3A_70 = tpu.memref_slice %arg3[%add3A_30, %dma_wait3A_68, %dma_wait3A_69] : memref<2560x2x128xi32, #tpu.memory_space<hbm>> -> memref<60x2x128xi32, #tpu.memory_space<hbm>>
        tpu.wait_dma2 semaphore(%run_scoped3A : memref<!tpu.dma_semaphore, #tpu.memory_space<semaphore_mem>>) src(%dma_wait3A_70 : memref<60x2x128xi32, #tpu.memory_space<hbm>>) dst(%dma_wait3A_67 : memref<60x2x128xi32, #tpu.memory_space<vmem>>)
        tpu.yield
      }) : () -> ()
      %dma_start3A_31 = arith.constant 0 : i32
      %dma_start3A_32 = arith.constant 0 : i32
      %dma_start3A_33 = arith.constant 0 : i32
      %dma_start3A_34 = tpu.memref_slice %arg6[%dma_start3A_31, %dma_start3A_32, %dma_start3A_33] : memref<60x2x128xi32, #tpu.memory_space<vmem>> -> memref<1x1x128xi32, #tpu.memory_space<vmem>>
      %dma_start3A_35 = tpu.memref_squeeze %dma_start3A_34 : memref<1x1x128xi32, #tpu.memory_space<vmem>> -> memref<128xi32, #tpu.memory_space<vmem>>
      %dma_start3A_36 = arith.constant 0 : i32
      %dma_start3A_37 = arith.constant 0 : i32
      %dma_start3A_38 = tpu.memref_slice %arg2[%dma_start3A_36, %dma_start3A_37] : memref<10240x128xf32, #tpu.memory_space<hbm>> -> memref<10240x128xf32, #tpu.memory_space<hbm>>
      tpu.enqueue_indirect_dma source(%dma_start3A_38 : memref<10240x128xf32, #tpu.memory_space<hbm>>) target(%arg7 : memref<128x128xf32, #tpu.memory_space<vmem>>) offsets(%dma_start3A_35 : memref<128xi32, #tpu.memory_space<vmem>>) semaphore(%arg10 : memref<!tpu.dma_semaphore, #tpu.memory_space<semaphore_mem>>)
      %scan3A_39 = arith.constant 0 : i32
      %scan3A_40 = arith.constant 30 : i32
      %scan3A_41 = arith.addi %scan3A_39, %scan3A_40 : i32
      %scan3A_42 = arith.constant 1 : i32
      scf.for %scan3A_44 = %scan3A_39 to %scan3A_41 step %scan3A_42  : i32 {
        %mul3A_45 = arith.constant 2 : i32
        %mul3A_46 = arith.muli %scan3A_44, %mul3A_45 : i32
        %add3A_47 = arith.constant 0 : i32
        %add3A_48 = arith.addi %add3A_47, %mul3A_46 : i32
        %add3A_49 = arith.constant 1 : i32
        %add3A_50 = arith.addi %add3A_48, %add3A_49 : i32
        %dma_start3A_51 = arith.constant 0 : i32
        %dma_start3A_52 = arith.constant 0 : i32
        %dma_start3A_53 = tpu.memref_slice %arg6[%add3A_50, %dma_start3A_51, %dma_start3A_52] : memref<60x2x128xi32, #tpu.memory_space<vmem>> -> memref<1x1x128xi32, #tpu.memory_space<vmem>>
        %dma_start3A_54 = tpu.memref_squeeze %dma_start3A_53 : memref<1x1x128xi32, #tpu.memory_space<vmem>> -> memref<128xi32, #tpu.memory_space<vmem>>
        %dma_start3A_55 = arith.constant 0 : i32
        %dma_start3A_56 = arith.constant 0 : i32
        %dma_start3A_57 = tpu.memref_slice %arg2[%dma_start3A_55, %dma_start3A_56] : memref<10240x128xf32, #tpu.memory_space<hbm>> -> memref<10240x128xf32, #tpu.memory_space<hbm>>
        tpu.enqueue_indirect_dma source(%dma_start3A_57 : memref<10240x128xf32, #tpu.memory_space<hbm>>) target(%arg8 : memref<128x128xf32, #tpu.memory_space<vmem>>) offsets(%dma_start3A_54 : memref<128xi32, #tpu.memory_space<vmem>>) semaphore(%arg11 : memref<!tpu.dma_semaphore, #tpu.memory_space<semaphore_mem>>)
        %dma_wait3A = arith.constant 0 : i32
        %dma_wait3A_58 = arith.constant 0 : i32
        %dma_wait3A_59 = tpu.memref_slice %arg2[%dma_wait3A, %dma_wait3A_58] : memref<10240x128xf32, #tpu.memory_space<hbm>> -> memref<128x128xf32, #tpu.memory_space<hbm>>
        %dma_wait3A_60 = arith.constant 0 : i32
        %dma_wait3A_61 = arith.constant 0 : i32
        %dma_wait3A_62 = tpu.memref_slice %arg2[%dma_wait3A_60, %dma_wait3A_61] : memref<10240x128xf32, #tpu.memory_space<hbm>> -> memref<128x128xf32, #tpu.memory_space<hbm>>
        tpu.wait_dma2 semaphore(%arg10 : memref<!tpu.dma_semaphore, #tpu.memory_space<semaphore_mem>>) src(%dma_wait3A_62 : memref<128x128xf32, #tpu.memory_space<hbm>>) dst(%arg7 : memref<128x128xf32, #tpu.memory_space<vmem>>)
        %run_scoped3A = arith.constant 1 : i32
        "tpu.region"() ({
          %run_scoped3A_78 = tpu.sem_alloc : memref<!tpu.dma_semaphore, #tpu.memory_space<semaphore_mem>>
          %dma_start3A_79 = arith.constant 0 : i32
          %dma_start3A_80 = tpu.memref_slice %arg6[%add3A_48, %run_scoped3A, %dma_start3A_79] : memref<60x2x128xi32, #tpu.memory_space<vmem>> -> memref<1x1x128xi32, #tpu.memory_space<vmem>>
          %dma_start3A_81 = tpu.memref_squeeze %dma_start3A_80 : memref<1x1x128xi32, #tpu.memory_space<vmem>> -> memref<128xi32, #tpu.memory_space<vmem>>
          %dma_start3A_82 = arith.constant 0 : i32
          %dma_start3A_83 = arith.constant 0 : i32
          %dma_start3A_84 = tpu.memref_slice %arg9[%dma_start3A_82, %dma_start3A_83] : memref<10240x128xf32, #tpu.memory_space<vmem_shared>> -> memref<10240x128xf32, #tpu.memory_space<vmem_shared>>
          tpu.enqueue_indirect_dma source(%arg7 : memref<128x128xf32, #tpu.memory_space<vmem>>) target(%dma_start3A_84 : memref<10240x128xf32, #tpu.memory_space<vmem_shared>>) offsets(%dma_start3A_81 : memref<128xi32, #tpu.memory_space<vmem>>) semaphore(%run_scoped3A_78 : memref<!tpu.dma_semaphore, #tpu.memory_space<semaphore_mem>>) {add = true}
          %dma_wait3A_85 = arith.constant 0 : i32
          %dma_wait3A_86 = tpu.memref_slice %arg6[%add3A_48, %run_scoped3A, %dma_wait3A_85] : memref<60x2x128xi32, #tpu.memory_space<vmem>> -> memref<1x1x128xi32, #tpu.memory_space<vmem>>
          %dma_wait3A_87 = tpu.memref_squeeze %dma_wait3A_86 : memref<1x1x128xi32, #tpu.memory_space<vmem>> -> memref<128xi32, #tpu.memory_space<vmem>>
          %dma_wait3A_88 = arith.constant 0 : i32
          %dma_wait3A_89 = arith.constant 0 : i32
          %dma_wait3A_90 = tpu.memref_slice %arg9[%dma_wait3A_88, %dma_wait3A_89] : memref<10240x128xf32, #tpu.memory_space<vmem_shared>> -> memref<10240x128xf32, #tpu.memory_space<vmem_shared>>
          tpu.wait_indirect_dma semaphore(%run_scoped3A_78 : memref<!tpu.dma_semaphore, #tpu.memory_space<semaphore_mem>>) src(%arg7 : memref<128x128xf32, #tpu.memory_space<vmem>>) dst(%dma_wait3A_90 : memref<10240x128xf32, #tpu.memory_space<vmem_shared>>)
          tpu.yield
        }) : () -> ()
        %add3A_63 = arith.constant 2 : i32
        %add3A_64 = arith.addi %add3A_48, %add3A_63 : i32
        %lt3A = arith.constant 60 : i32
        %lt3A_65 = arith.cmpi slt, %add3A_64, %lt3A : i32
        %convert_element_type3A_66 = arith.extui %lt3A_65 : i1 to i32
        %cond3A_67 = arith.constant 0 : i32
        %cond3A_68 = arith.cmpi ne, %convert_element_type3A_66, %cond3A_67 : i32
        scf.if %cond3A_68 {
          %add3A_78 = arith.constant 2 : i32
          %add3A_79 = arith.addi %add3A_48, %add3A_78 : i32
          %dma_start3A_80 = arith.constant 0 : i32
          %dma_start3A_81 = arith.constant 0 : i32
          %dma_start3A_82 = tpu.memref_slice %arg6[%add3A_79, %dma_start3A_80, %dma_start3A_81] : memref<60x2x128xi32, #tpu.memory_space<vmem>> -> memref<1x1x128xi32, #tpu.memory_space<vmem>>
          %dma_start3A_83 = tpu.memref_squeeze %dma_start3A_82 : memref<1x1x128xi32, #tpu.memory_space<vmem>> -> memref<128xi32, #tpu.memory_space<vmem>>
          %dma_start3A_84 = arith.constant 0 : i32
          %dma_start3A_85 = arith.constant 0 : i32
          %dma_start3A_86 = tpu.memref_slice %arg2[%dma_start3A_84, %dma_start3A_85] : memref<10240x128xf32, #tpu.memory_space<hbm>> -> memref<10240x128xf32, #tpu.memory_space<hbm>>
          tpu.enqueue_indirect_dma source(%dma_start3A_86 : memref<10240x128xf32, #tpu.memory_space<hbm>>) target(%arg7 : memref<128x128xf32, #tpu.memory_space<vmem>>) offsets(%dma_start3A_83 : memref<128xi32, #tpu.memory_space<vmem>>) semaphore(%arg10 : memref<!tpu.dma_semaphore, #tpu.memory_space<semaphore_mem>>)
        } else {
        }
        %dma_wait3A_69 = arith.constant 0 : i32
        %dma_wait3A_70 = arith.constant 0 : i32
        %dma_wait3A_71 = tpu.memref_slice %arg2[%dma_wait3A_69, %dma_wait3A_70] : memref<10240x128xf32, #tpu.memory_space<hbm>> -> memref<128x128xf32, #tpu.memory_space<hbm>>
        %dma_wait3A_72 = arith.constant 0 : i32
        %dma_wait3A_73 = arith.constant 0 : i32
        %dma_wait3A_74 = tpu.memref_slice %arg2[%dma_wait3A_72, %dma_wait3A_73] : memref<10240x128xf32, #tpu.memory_space<hbm>> -> memref<128x128xf32, #tpu.memory_space<hbm>>
        tpu.wait_dma2 semaphore(%arg11 : memref<!tpu.dma_semaphore, #tpu.memory_space<semaphore_mem>>) src(%dma_wait3A_74 : memref<128x128xf32, #tpu.memory_space<hbm>>) dst(%arg8 : memref<128x128xf32, #tpu.memory_space<vmem>>)
        %add3A_75 = arith.constant 1 : i32
        %add3A_76 = arith.addi %add3A_48, %add3A_75 : i32
        %run_scoped3A_77 = arith.constant 1 : i32
        "tpu.region"() ({
          %run_scoped3A_78 = tpu.sem_alloc : memref<!tpu.dma_semaphore, #tpu.memory_space<semaphore_mem>>
          %dma_start3A_79 = arith.constant 0 : i32
          %dma_start3A_80 = tpu.memref_slice %arg6[%add3A_76, %run_scoped3A_77, %dma_start3A_79] : memref<60x2x128xi32, #tpu.memory_space<vmem>> -> memref<1x1x128xi32, #tpu.memory_space<vmem>>
          %dma_start3A_81 = tpu.memref_squeeze %dma_start3A_80 : memref<1x1x128xi32, #tpu.memory_space<vmem>> -> memref<128xi32, #tpu.memory_space<vmem>>
          %dma_start3A_82 = arith.constant 0 : i32
          %dma_start3A_83 = arith.constant 0 : i32
          %dma_start3A_84 = tpu.memref_slice %arg9[%dma_start3A_82, %dma_start3A_83] : memref<10240x128xf32, #tpu.memory_space<vmem_shared>> -> memref<10240x128xf32, #tpu.memory_space<vmem_shared>>
          tpu.enqueue_indirect_dma source(%arg8 : memref<128x128xf32, #tpu.memory_space<vmem>>) target(%dma_start3A_84 : memref<10240x128xf32, #tpu.memory_space<vmem_shared>>) offsets(%dma_start3A_81 : memref<128xi32, #tpu.memory_space<vmem>>) semaphore(%run_scoped3A_78 : memref<!tpu.dma_semaphore, #tpu.memory_space<semaphore_mem>>) {add = true}
          %dma_wait3A_85 = arith.constant 0 : i32
          %dma_wait3A_86 = tpu.memref_slice %arg6[%add3A_76, %run_scoped3A_77, %dma_wait3A_85] : memref<60x2x128xi32, #tpu.memory_space<vmem>> -> memref<1x1x128xi32, #tpu.memory_space<vmem>>
          %dma_wait3A_87 = tpu.memref_squeeze %dma_wait3A_86 : memref<1x1x128xi32, #tpu.memory_space<vmem>> -> memref<128xi32, #tpu.memory_space<vmem>>
          %dma_wait3A_88 = arith.constant 0 : i32
          %dma_wait3A_89 = arith.constant 0 : i32
          %dma_wait3A_90 = tpu.memref_slice %arg9[%dma_wait3A_88, %dma_wait3A_89] : memref<10240x128xf32, #tpu.memory_space<vmem_shared>> -> memref<10240x128xf32, #tpu.memory_space<vmem_shared>>
          tpu.wait_indirect_dma semaphore(%run_scoped3A_78 : memref<!tpu.dma_semaphore, #tpu.memory_space<semaphore_mem>>) src(%arg8 : memref<128x128xf32, #tpu.memory_space<vmem>>) dst(%dma_wait3A_90 : memref<10240x128xf32, #tpu.memory_space<vmem_shared>>)
          tpu.yield
        }) : () -> ()
      }
      %scan3A_43 = arith.constant 30 : i32
    } else {
    }
    %eq3A_5 = arith.constant 1 : i32
    %eq3A_6 = arith.cmpi eq, %arg0, %eq3A_5 : i32
    %convert_element_type3A_7 = arith.extui %eq3A_6 : i1 to i32
    %cond3A_8 = arith.constant 0 : i32
    %cond3A_9 = arith.cmpi ne, %convert_element_type3A_7, %cond3A_8 : i32
    scf.if %cond3A_9 {
      %mul3A_15 = arith.constant 40 : i32
      %mul3A_16 = arith.muli %arg1, %mul3A_15 : i32
      %add3A = arith.constant 1920 : i32
      %add3A_17 = arith.addi %add3A, %mul3A_16 : i32
      %add3A_18 = arith.constant 0 : i32
      %add3A_19 = arith.addi %add3A_17, %add3A_18 : i32
      "tpu.region"() ({
        %run_scoped3A = tpu.sem_alloc : memref<!tpu.dma_semaphore, #tpu.memory_space<semaphore_mem>>
        %dma_start3A_46 = arith.constant 0 : i32
        %dma_start3A_47 = arith.constant 0 : i32
        %dma_start3A_48 = arith.constant 0 : i32
        %dma_start3A_49 = tpu.memref_slice %arg6[%dma_start3A_46, %dma_start3A_47, %dma_start3A_48] : memref<60x2x128xi32, #tpu.memory_space<vmem>> -> memref<20x2x128xi32, #tpu.memory_space<vmem>>
        %dma_start3A_50 = arith.constant 0 : i32
        %dma_start3A_51 = arith.constant 0 : i32
        %dma_start3A_52 = tpu.memref_slice %arg3[%add3A_19, %dma_start3A_50, %dma_start3A_51] : memref<2560x2x128xi32, #tpu.memory_space<hbm>> -> memref<20x2x128xi32, #tpu.memory_space<hbm>>
        %dma_start3A_53 = arith.constant 0 : i32
        %dma_start3A_54 = arith.constant 0 : i32
        %dma_start3A_55 = arith.constant 0 : i32
        %dma_start3A_56 = tpu.memref_slice %arg6[%dma_start3A_53, %dma_start3A_54, %dma_start3A_55] : memref<60x2x128xi32, #tpu.memory_space<vmem>> -> memref<20x2x128xi32, #tpu.memory_space<vmem>>
        %dma_start3A_57 = arith.constant 0 : i32
        %dma_start3A_58 = arith.constant 0 : i32
        %dma_start3A_59 = tpu.memref_slice %arg3[%add3A_19, %dma_start3A_57, %dma_start3A_58] : memref<2560x2x128xi32, #tpu.memory_space<hbm>> -> memref<20x2x128xi32, #tpu.memory_space<hbm>>
        tpu.enqueue_dma source(%dma_start3A_59 : memref<20x2x128xi32, #tpu.memory_space<hbm>>) target(%dma_start3A_56 : memref<20x2x128xi32, #tpu.memory_space<vmem>>) target_semaphore(%run_scoped3A : memref<!tpu.dma_semaphore, #tpu.memory_space<semaphore_mem>>)
        %dma_wait3A = arith.constant 0 : i32
        %dma_wait3A_60 = arith.constant 0 : i32
        %dma_wait3A_61 = arith.constant 0 : i32
        %dma_wait3A_62 = tpu.memref_slice %arg6[%dma_wait3A, %dma_wait3A_60, %dma_wait3A_61] : memref<60x2x128xi32, #tpu.memory_space<vmem>> -> memref<20x2x128xi32, #tpu.memory_space<vmem>>
        %dma_wait3A_63 = arith.constant 0 : i32
        %dma_wait3A_64 = arith.constant 0 : i32
        %dma_wait3A_65 = tpu.memref_slice %arg3[%add3A_19, %dma_wait3A_63, %dma_wait3A_64] : memref<2560x2x128xi32, #tpu.memory_space<hbm>> -> memref<20x2x128xi32, #tpu.memory_space<hbm>>
        %dma_wait3A_66 = arith.constant 0 : i32
        %dma_wait3A_67 = arith.constant 0 : i32
        %dma_wait3A_68 = arith.constant 0 : i32
        %dma_wait3A_69 = tpu.memref_slice %arg6[%dma_wait3A_66, %dma_wait3A_67, %dma_wait3A_68] : memref<60x2x128xi32, #tpu.memory_space<vmem>> -> memref<20x2x128xi32, #tpu.memory_space<vmem>>
        %dma_wait3A_70 = arith.constant 0 : i32
        %dma_wait3A_71 = arith.constant 0 : i32
        %dma_wait3A_72 = tpu.memref_slice %arg3[%add3A_19, %dma_wait3A_70, %dma_wait3A_71] : memref<2560x2x128xi32, #tpu.memory_space<hbm>> -> memref<20x2x128xi32, #tpu.memory_space<hbm>>
        tpu.wait_dma2 semaphore(%run_scoped3A : memref<!tpu.dma_semaphore, #tpu.memory_space<semaphore_mem>>) src(%dma_wait3A_72 : memref<20x2x128xi32, #tpu.memory_space<hbm>>) dst(%dma_wait3A_69 : memref<20x2x128xi32, #tpu.memory_space<vmem>>)
        tpu.yield
      }) : () -> ()
      %dma_start3A = arith.constant 0 : i32
      %dma_start3A_20 = arith.constant 0 : i32
      %dma_start3A_21 = arith.constant 0 : i32
      %dma_start3A_22 = tpu.memref_slice %arg6[%dma_start3A, %dma_start3A_20, %dma_start3A_21] : memref<60x2x128xi32, #tpu.memory_space<vmem>> -> memref<1x1x128xi32, #tpu.memory_space<vmem>>
      %dma_start3A_23 = tpu.memref_squeeze %dma_start3A_22 : memref<1x1x128xi32, #tpu.memory_space<vmem>> -> memref<128xi32, #tpu.memory_space<vmem>>
      %dma_start3A_24 = arith.constant 0 : i32
      %dma_start3A_25 = arith.constant 0 : i32
      %dma_start3A_26 = tpu.memref_slice %arg2[%dma_start3A_24, %dma_start3A_25] : memref<10240x128xf32, #tpu.memory_space<hbm>> -> memref<10240x128xf32, #tpu.memory_space<hbm>>
      tpu.enqueue_indirect_dma source(%dma_start3A_26 : memref<10240x128xf32, #tpu.memory_space<hbm>>) target(%arg7 : memref<128x128xf32, #tpu.memory_space<vmem>>) offsets(%dma_start3A_23 : memref<128xi32, #tpu.memory_space<vmem>>) semaphore(%arg10 : memref<!tpu.dma_semaphore, #tpu.memory_space<semaphore_mem>>)
      %scan3A = arith.constant 0 : i32
      %scan3A_27 = arith.constant 10 : i32
      %scan3A_28 = arith.addi %scan3A, %scan3A_27 : i32
      %scan3A_29 = arith.constant 1 : i32
      scf.for %scan3A_46 = %scan3A to %scan3A_28 step %scan3A_29  : i32 {
        %mul3A_47 = arith.constant 2 : i32
        %mul3A_48 = arith.muli %scan3A_46, %mul3A_47 : i32
        %add3A_49 = arith.constant 0 : i32
        %add3A_50 = arith.addi %add3A_49, %mul3A_48 : i32
        %add3A_51 = arith.constant 1 : i32
        %add3A_52 = arith.addi %add3A_50, %add3A_51 : i32
        %dma_start3A_53 = arith.constant 0 : i32
        %dma_start3A_54 = arith.constant 0 : i32
        %dma_start3A_55 = tpu.memref_slice %arg6[%add3A_52, %dma_start3A_53, %dma_start3A_54] : memref<60x2x128xi32, #tpu.memory_space<vmem>> -> memref<1x1x128xi32, #tpu.memory_space<vmem>>
        %dma_start3A_56 = tpu.memref_squeeze %dma_start3A_55 : memref<1x1x128xi32, #tpu.memory_space<vmem>> -> memref<128xi32, #tpu.memory_space<vmem>>
        %dma_start3A_57 = arith.constant 0 : i32
        %dma_start3A_58 = arith.constant 0 : i32
        %dma_start3A_59 = tpu.memref_slice %arg2[%dma_start3A_57, %dma_start3A_58] : memref<10240x128xf32, #tpu.memory_space<hbm>> -> memref<10240x128xf32, #tpu.memory_space<hbm>>
        tpu.enqueue_indirect_dma source(%dma_start3A_59 : memref<10240x128xf32, #tpu.memory_space<hbm>>) target(%arg8 : memref<128x128xf32, #tpu.memory_space<vmem>>) offsets(%dma_start3A_56 : memref<128xi32, #tpu.memory_space<vmem>>) semaphore(%arg11 : memref<!tpu.dma_semaphore, #tpu.memory_space<semaphore_mem>>)
        %dma_wait3A = arith.constant 0 : i32
        %dma_wait3A_60 = arith.constant 0 : i32
        %dma_wait3A_61 = tpu.memref_slice %arg2[%dma_wait3A, %dma_wait3A_60] : memref<10240x128xf32, #tpu.memory_space<hbm>> -> memref<128x128xf32, #tpu.memory_space<hbm>>
        %dma_wait3A_62 = arith.constant 0 : i32
        %dma_wait3A_63 = arith.constant 0 : i32
        %dma_wait3A_64 = tpu.memref_slice %arg2[%dma_wait3A_62, %dma_wait3A_63] : memref<10240x128xf32, #tpu.memory_space<hbm>> -> memref<128x128xf32, #tpu.memory_space<hbm>>
        tpu.wait_dma2 semaphore(%arg10 : memref<!tpu.dma_semaphore, #tpu.memory_space<semaphore_mem>>) src(%dma_wait3A_64 : memref<128x128xf32, #tpu.memory_space<hbm>>) dst(%arg7 : memref<128x128xf32, #tpu.memory_space<vmem>>)
        %run_scoped3A = arith.constant 1 : i32
        "tpu.region"() ({
          %run_scoped3A_80 = tpu.sem_alloc : memref<!tpu.dma_semaphore, #tpu.memory_space<semaphore_mem>>
          %dma_start3A_81 = arith.constant 0 : i32
          %dma_start3A_82 = tpu.memref_slice %arg6[%add3A_50, %run_scoped3A, %dma_start3A_81] : memref<60x2x128xi32, #tpu.memory_space<vmem>> -> memref<1x1x128xi32, #tpu.memory_space<vmem>>
          %dma_start3A_83 = tpu.memref_squeeze %dma_start3A_82 : memref<1x1x128xi32, #tpu.memory_space<vmem>> -> memref<128xi32, #tpu.memory_space<vmem>>
          %dma_start3A_84 = arith.constant 0 : i32
          %dma_start3A_85 = arith.constant 0 : i32
          %dma_start3A_86 = tpu.memref_slice %arg9[%dma_start3A_84, %dma_start3A_85] : memref<10240x128xf32, #tpu.memory_space<vmem_shared>> -> memref<10240x128xf32, #tpu.memory_space<vmem_shared>>
          tpu.enqueue_indirect_dma source(%arg7 : memref<128x128xf32, #tpu.memory_space<vmem>>) target(%dma_start3A_86 : memref<10240x128xf32, #tpu.memory_space<vmem_shared>>) offsets(%dma_start3A_83 : memref<128xi32, #tpu.memory_space<vmem>>) semaphore(%run_scoped3A_80 : memref<!tpu.dma_semaphore, #tpu.memory_space<semaphore_mem>>) {add = true}
          %dma_wait3A_87 = arith.constant 0 : i32
          %dma_wait3A_88 = tpu.memref_slice %arg6[%add3A_50, %run_scoped3A, %dma_wait3A_87] : memref<60x2x128xi32, #tpu.memory_space<vmem>> -> memref<1x1x128xi32, #tpu.memory_space<vmem>>
          %dma_wait3A_89 = tpu.memref_squeeze %dma_wait3A_88 : memref<1x1x128xi32, #tpu.memory_space<vmem>> -> memref<128xi32, #tpu.memory_space<vmem>>
          %dma_wait3A_90 = arith.constant 0 : i32
          %dma_wait3A_91 = arith.constant 0 : i32
          %dma_wait3A_92 = tpu.memref_slice %arg9[%dma_wait3A_90, %dma_wait3A_91] : memref<10240x128xf32, #tpu.memory_space<vmem_shared>> -> memref<10240x128xf32, #tpu.memory_space<vmem_shared>>
          tpu.wait_indirect_dma semaphore(%run_scoped3A_80 : memref<!tpu.dma_semaphore, #tpu.memory_space<semaphore_mem>>) src(%arg7 : memref<128x128xf32, #tpu.memory_space<vmem>>) dst(%dma_wait3A_92 : memref<10240x128xf32, #tpu.memory_space<vmem_shared>>)
          tpu.yield
        }) : () -> ()
        %add3A_65 = arith.constant 2 : i32
        %add3A_66 = arith.addi %add3A_50, %add3A_65 : i32
        %lt3A = arith.constant 20 : i32
        %lt3A_67 = arith.cmpi slt, %add3A_66, %lt3A : i32
        %convert_element_type3A_68 = arith.extui %lt3A_67 : i1 to i32
        %cond3A_69 = arith.constant 0 : i32
        %cond3A_70 = arith.cmpi ne, %convert_element_type3A_68, %cond3A_69 : i32
        scf.if %cond3A_70 {
          %add3A_80 = arith.constant 2 : i32
          %add3A_81 = arith.addi %add3A_50, %add3A_80 : i32
          %dma_start3A_82 = arith.constant 0 : i32
          %dma_start3A_83 = arith.constant 0 : i32
          %dma_start3A_84 = tpu.memref_slice %arg6[%add3A_81, %dma_start3A_82, %dma_start3A_83] : memref<60x2x128xi32, #tpu.memory_space<vmem>> -> memref<1x1x128xi32, #tpu.memory_space<vmem>>
          %dma_start3A_85 = tpu.memref_squeeze %dma_start3A_84 : memref<1x1x128xi32, #tpu.memory_space<vmem>> -> memref<128xi32, #tpu.memory_space<vmem>>
          %dma_start3A_86 = arith.constant 0 : i32
          %dma_start3A_87 = arith.constant 0 : i32
          %dma_start3A_88 = tpu.memref_slice %arg2[%dma_start3A_86, %dma_start3A_87] : memref<10240x128xf32, #tpu.memory_space<hbm>> -> memref<10240x128xf32, #tpu.memory_space<hbm>>
          tpu.enqueue_indirect_dma source(%dma_start3A_88 : memref<10240x128xf32, #tpu.memory_space<hbm>>) target(%arg7 : memref<128x128xf32, #tpu.memory_space<vmem>>) offsets(%dma_start3A_85 : memref<128xi32, #tpu.memory_space<vmem>>) semaphore(%arg10 : memref<!tpu.dma_semaphore, #tpu.memory_space<semaphore_mem>>)
        } else {
        }
        %dma_wait3A_71 = arith.constant 0 : i32
        %dma_wait3A_72 = arith.constant 0 : i32
        %dma_wait3A_73 = tpu.memref_slice %arg2[%dma_wait3A_71, %dma_wait3A_72] : memref<10240x128xf32, #tpu.memory_space<hbm>> -> memref<128x128xf32, #tpu.memory_space<hbm>>
        %dma_wait3A_74 = arith.constant 0 : i32
        %dma_wait3A_75 = arith.constant 0 : i32
        %dma_wait3A_76 = tpu.memref_slice %arg2[%dma_wait3A_74, %dma_wait3A_75] : memref<10240x128xf32, #tpu.memory_space<hbm>> -> memref<128x128xf32, #tpu.memory_space<hbm>>
        tpu.wait_dma2 semaphore(%arg11 : memref<!tpu.dma_semaphore, #tpu.memory_space<semaphore_mem>>) src(%dma_wait3A_76 : memref<128x128xf32, #tpu.memory_space<hbm>>) dst(%arg8 : memref<128x128xf32, #tpu.memory_space<vmem>>)
        %add3A_77 = arith.constant 1 : i32
        %add3A_78 = arith.addi %add3A_50, %add3A_77 : i32
        %run_scoped3A_79 = arith.constant 1 : i32
        "tpu.region"() ({
          %run_scoped3A_80 = tpu.sem_alloc : memref<!tpu.dma_semaphore, #tpu.memory_space<semaphore_mem>>
          %dma_start3A_81 = arith.constant 0 : i32
          %dma_start3A_82 = tpu.memref_slice %arg6[%add3A_78, %run_scoped3A_79, %dma_start3A_81] : memref<60x2x128xi32, #tpu.memory_space<vmem>> -> memref<1x1x128xi32, #tpu.memory_space<vmem>>
          %dma_start3A_83 = tpu.memref_squeeze %dma_start3A_82 : memref<1x1x128xi32, #tpu.memory_space<vmem>> -> memref<128xi32, #tpu.memory_space<vmem>>
          %dma_start3A_84 = arith.constant 0 : i32
          %dma_start3A_85 = arith.constant 0 : i32
          %dma_start3A_86 = tpu.memref_slice %arg9[%dma_start3A_84, %dma_start3A_85] : memref<10240x128xf32, #tpu.memory_space<vmem_shared>> -> memref<10240x128xf32, #tpu.memory_space<vmem_shared>>
          tpu.enqueue_indirect_dma source(%arg8 : memref<128x128xf32, #tpu.memory_space<vmem>>) target(%dma_start3A_86 : memref<10240x128xf32, #tpu.memory_space<vmem_shared>>) offsets(%dma_start3A_83 : memref<128xi32, #tpu.memory_space<vmem>>) semaphore(%run_scoped3A_80 : memref<!tpu.dma_semaphore, #tpu.memory_space<semaphore_mem>>) {add = true}
          %dma_wait3A_87 = arith.constant 0 : i32
          %dma_wait3A_88 = tpu.memref_slice %arg6[%add3A_78, %run_scoped3A_79, %dma_wait3A_87] : memref<60x2x128xi32, #tpu.memory_space<vmem>> -> memref<1x1x128xi32, #tpu.memory_space<vmem>>
          %dma_wait3A_89 = tpu.memref_squeeze %dma_wait3A_88 : memref<1x1x128xi32, #tpu.memory_space<vmem>> -> memref<128xi32, #tpu.memory_space<vmem>>
          %dma_wait3A_90 = arith.constant 0 : i32
          %dma_wait3A_91 = arith.constant 0 : i32
          %dma_wait3A_92 = tpu.memref_slice %arg9[%dma_wait3A_90, %dma_wait3A_91] : memref<10240x128xf32, #tpu.memory_space<vmem_shared>> -> memref<10240x128xf32, #tpu.memory_space<vmem_shared>>
          tpu.wait_indirect_dma semaphore(%run_scoped3A_80 : memref<!tpu.dma_semaphore, #tpu.memory_space<semaphore_mem>>) src(%arg8 : memref<128x128xf32, #tpu.memory_space<vmem>>) dst(%dma_wait3A_92 : memref<10240x128xf32, #tpu.memory_space<vmem_shared>>)
          tpu.yield
        }) : () -> ()
      }
      %scan3A_30 = arith.constant 10 : i32
      %add3A_31 = arith.constant 20 : i32
      %add3A_32 = arith.addi %add3A_17, %add3A_31 : i32
      "tpu.region"() ({
        %run_scoped3A = tpu.sem_alloc : memref<!tpu.dma_semaphore, #tpu.memory_space<semaphore_mem>>
        %dma_start3A_46 = arith.constant 0 : i32
        %dma_start3A_47 = arith.constant 0 : i32
        %dma_start3A_48 = arith.constant 0 : i32
        %dma_start3A_49 = tpu.memref_slice %arg6[%dma_start3A_46, %dma_start3A_47, %dma_start3A_48] : memref<60x2x128xi32, #tpu.memory_space<vmem>> -> memref<20x2x128xi32, #tpu.memory_space<vmem>>
        %dma_start3A_50 = arith.constant 0 : i32
        %dma_start3A_51 = arith.constant 0 : i32
        %dma_start3A_52 = tpu.memref_slice %arg3[%add3A_32, %dma_start3A_50, %dma_start3A_51] : memref<2560x2x128xi32, #tpu.memory_space<hbm>> -> memref<20x2x128xi32, #tpu.memory_space<hbm>>
        %dma_start3A_53 = arith.constant 0 : i32
        %dma_start3A_54 = arith.constant 0 : i32
        %dma_start3A_55 = arith.constant 0 : i32
        %dma_start3A_56 = tpu.memref_slice %arg6[%dma_start3A_53, %dma_start3A_54, %dma_start3A_55] : memref<60x2x128xi32, #tpu.memory_space<vmem>> -> memref<20x2x128xi32, #tpu.memory_space<vmem>>
        %dma_start3A_57 = arith.constant 0 : i32
        %dma_start3A_58 = arith.constant 0 : i32
        %dma_start3A_59 = tpu.memref_slice %arg3[%add3A_32, %dma_start3A_57, %dma_start3A_58] : memref<2560x2x128xi32, #tpu.memory_space<hbm>> -> memref<20x2x128xi32, #tpu.memory_space<hbm>>
        tpu.enqueue_dma source(%dma_start3A_59 : memref<20x2x128xi32, #tpu.memory_space<hbm>>) target(%dma_start3A_56 : memref<20x2x128xi32, #tpu.memory_space<vmem>>) target_semaphore(%run_scoped3A : memref<!tpu.dma_semaphore, #tpu.memory_space<semaphore_mem>>)
        %dma_wait3A = arith.constant 0 : i32
        %dma_wait3A_60 = arith.constant 0 : i32
        %dma_wait3A_61 = arith.constant 0 : i32
        %dma_wait3A_62 = tpu.memref_slice %arg6[%dma_wait3A, %dma_wait3A_60, %dma_wait3A_61] : memref<60x2x128xi32, #tpu.memory_space<vmem>> -> memref<20x2x128xi32, #tpu.memory_space<vmem>>
        %dma_wait3A_63 = arith.constant 0 : i32
        %dma_wait3A_64 = arith.constant 0 : i32
        %dma_wait3A_65 = tpu.memref_slice %arg3[%add3A_32, %dma_wait3A_63, %dma_wait3A_64] : memref<2560x2x128xi32, #tpu.memory_space<hbm>> -> memref<20x2x128xi32, #tpu.memory_space<hbm>>
        %dma_wait3A_66 = arith.constant 0 : i32
        %dma_wait3A_67 = arith.constant 0 : i32
        %dma_wait3A_68 = arith.constant 0 : i32
        %dma_wait3A_69 = tpu.memref_slice %arg6[%dma_wait3A_66, %dma_wait3A_67, %dma_wait3A_68] : memref<60x2x128xi32, #tpu.memory_space<vmem>> -> memref<20x2x128xi32, #tpu.memory_space<vmem>>
        %dma_wait3A_70 = arith.constant 0 : i32
        %dma_wait3A_71 = arith.constant 0 : i32
        %dma_wait3A_72 = tpu.memref_slice %arg3[%add3A_32, %dma_wait3A_70, %dma_wait3A_71] : memref<2560x2x128xi32, #tpu.memory_space<hbm>> -> memref<20x2x128xi32, #tpu.memory_space<hbm>>
        tpu.wait_dma2 semaphore(%run_scoped3A : memref<!tpu.dma_semaphore, #tpu.memory_space<semaphore_mem>>) src(%dma_wait3A_72 : memref<20x2x128xi32, #tpu.memory_space<hbm>>) dst(%dma_wait3A_69 : memref<20x2x128xi32, #tpu.memory_space<vmem>>)
        tpu.yield
      }) : () -> ()
      %dma_start3A_33 = arith.constant 0 : i32
      %dma_start3A_34 = arith.constant 0 : i32
      %dma_start3A_35 = arith.constant 0 : i32
      %dma_start3A_36 = tpu.memref_slice %arg6[%dma_start3A_33, %dma_start3A_34, %dma_start3A_35] : memref<60x2x128xi32, #tpu.memory_space<vmem>> -> memref<1x1x128xi32, #tpu.memory_space<vmem>>
      %dma_start3A_37 = tpu.memref_squeeze %dma_start3A_36 : memref<1x1x128xi32, #tpu.memory_space<vmem>> -> memref<128xi32, #tpu.memory_space<vmem>>
      %dma_start3A_38 = arith.constant 0 : i32
      %dma_start3A_39 = arith.constant 0 : i32
      %dma_start3A_40 = tpu.memref_slice %arg2[%dma_start3A_38, %dma_start3A_39] : memref<10240x128xf32, #tpu.memory_space<hbm>> -> memref<10240x128xf32, #tpu.memory_space<hbm>>
      tpu.enqueue_indirect_dma source(%dma_start3A_40 : memref<10240x128xf32, #tpu.memory_space<hbm>>) target(%arg7 : memref<128x128xf32, #tpu.memory_space<vmem>>) offsets(%dma_start3A_37 : memref<128xi32, #tpu.memory_space<vmem>>) semaphore(%arg10 : memref<!tpu.dma_semaphore, #tpu.memory_space<semaphore_mem>>)
      %scan3A_41 = arith.constant 0 : i32
      %scan3A_42 = arith.constant 10 : i32
      %scan3A_43 = arith.addi %scan3A_41, %scan3A_42 : i32
      %scan3A_44 = arith.constant 1 : i32
      scf.for %scan3A_46 = %scan3A_41 to %scan3A_43 step %scan3A_44  : i32 {
        %mul3A_47 = arith.constant 2 : i32
        %mul3A_48 = arith.muli %scan3A_46, %mul3A_47 : i32
        %add3A_49 = arith.constant 0 : i32
        %add3A_50 = arith.addi %add3A_49, %mul3A_48 : i32
        %add3A_51 = arith.constant 1 : i32
        %add3A_52 = arith.addi %add3A_50, %add3A_51 : i32
        %dma_start3A_53 = arith.constant 0 : i32
        %dma_start3A_54 = arith.constant 0 : i32
        %dma_start3A_55 = tpu.memref_slice %arg6[%add3A_52, %dma_start3A_53, %dma_start3A_54] : memref<60x2x128xi32, #tpu.memory_space<vmem>> -> memref<1x1x128xi32, #tpu.memory_space<vmem>>
        %dma_start3A_56 = tpu.memref_squeeze %dma_start3A_55 : memref<1x1x128xi32, #tpu.memory_space<vmem>> -> memref<128xi32, #tpu.memory_space<vmem>>
        %dma_start3A_57 = arith.constant 0 : i32
        %dma_start3A_58 = arith.constant 0 : i32
        %dma_start3A_59 = tpu.memref_slice %arg2[%dma_start3A_57, %dma_start3A_58] : memref<10240x128xf32, #tpu.memory_space<hbm>> -> memref<10240x128xf32, #tpu.memory_space<hbm>>
        tpu.enqueue_indirect_dma source(%dma_start3A_59 : memref<10240x128xf32, #tpu.memory_space<hbm>>) target(%arg8 : memref<128x128xf32, #tpu.memory_space<vmem>>) offsets(%dma_start3A_56 : memref<128xi32, #tpu.memory_space<vmem>>) semaphore(%arg11 : memref<!tpu.dma_semaphore, #tpu.memory_space<semaphore_mem>>)
        %dma_wait3A = arith.constant 0 : i32
        %dma_wait3A_60 = arith.constant 0 : i32
        %dma_wait3A_61 = tpu.memref_slice %arg2[%dma_wait3A, %dma_wait3A_60] : memref<10240x128xf32, #tpu.memory_space<hbm>> -> memref<128x128xf32, #tpu.memory_space<hbm>>
        %dma_wait3A_62 = arith.constant 0 : i32
        %dma_wait3A_63 = arith.constant 0 : i32
        %dma_wait3A_64 = tpu.memref_slice %arg2[%dma_wait3A_62, %dma_wait3A_63] : memref<10240x128xf32, #tpu.memory_space<hbm>> -> memref<128x128xf32, #tpu.memory_space<hbm>>
        tpu.wait_dma2 semaphore(%arg10 : memref<!tpu.dma_semaphore, #tpu.memory_space<semaphore_mem>>) src(%dma_wait3A_64 : memref<128x128xf32, #tpu.memory_space<hbm>>) dst(%arg7 : memref<128x128xf32, #tpu.memory_space<vmem>>)
        %run_scoped3A = arith.constant 1 : i32
        "tpu.region"() ({
          %run_scoped3A_80 = tpu.sem_alloc : memref<!tpu.dma_semaphore, #tpu.memory_space<semaphore_mem>>
          %dma_start3A_81 = arith.constant 0 : i32
          %dma_start3A_82 = tpu.memref_slice %arg6[%add3A_50, %run_scoped3A, %dma_start3A_81] : memref<60x2x128xi32, #tpu.memory_space<vmem>> -> memref<1x1x128xi32, #tpu.memory_space<vmem>>
          %dma_start3A_83 = tpu.memref_squeeze %dma_start3A_82 : memref<1x1x128xi32, #tpu.memory_space<vmem>> -> memref<128xi32, #tpu.memory_space<vmem>>
          %dma_start3A_84 = arith.constant 0 : i32
          %dma_start3A_85 = arith.constant 0 : i32
          %dma_start3A_86 = tpu.memref_slice %arg9[%dma_start3A_84, %dma_start3A_85] : memref<10240x128xf32, #tpu.memory_space<vmem_shared>> -> memref<10240x128xf32, #tpu.memory_space<vmem_shared>>
          tpu.enqueue_indirect_dma source(%arg7 : memref<128x128xf32, #tpu.memory_space<vmem>>) target(%dma_start3A_86 : memref<10240x128xf32, #tpu.memory_space<vmem_shared>>) offsets(%dma_start3A_83 : memref<128xi32, #tpu.memory_space<vmem>>) semaphore(%run_scoped3A_80 : memref<!tpu.dma_semaphore, #tpu.memory_space<semaphore_mem>>) {add = true}
          %dma_wait3A_87 = arith.constant 0 : i32
          %dma_wait3A_88 = tpu.memref_slice %arg6[%add3A_50, %run_scoped3A, %dma_wait3A_87] : memref<60x2x128xi32, #tpu.memory_space<vmem>> -> memref<1x1x128xi32, #tpu.memory_space<vmem>>
          %dma_wait3A_89 = tpu.memref_squeeze %dma_wait3A_88 : memref<1x1x128xi32, #tpu.memory_space<vmem>> -> memref<128xi32, #tpu.memory_space<vmem>>
          %dma_wait3A_90 = arith.constant 0 : i32
          %dma_wait3A_91 = arith.constant 0 : i32
          %dma_wait3A_92 = tpu.memref_slice %arg9[%dma_wait3A_90, %dma_wait3A_91] : memref<10240x128xf32, #tpu.memory_space<vmem_shared>> -> memref<10240x128xf32, #tpu.memory_space<vmem_shared>>
          tpu.wait_indirect_dma semaphore(%run_scoped3A_80 : memref<!tpu.dma_semaphore, #tpu.memory_space<semaphore_mem>>) src(%arg7 : memref<128x128xf32, #tpu.memory_space<vmem>>) dst(%dma_wait3A_92 : memref<10240x128xf32, #tpu.memory_space<vmem_shared>>)
          tpu.yield
        }) : () -> ()
        %add3A_65 = arith.constant 2 : i32
        %add3A_66 = arith.addi %add3A_50, %add3A_65 : i32
        %lt3A = arith.constant 20 : i32
        %lt3A_67 = arith.cmpi slt, %add3A_66, %lt3A : i32
        %convert_element_type3A_68 = arith.extui %lt3A_67 : i1 to i32
        %cond3A_69 = arith.constant 0 : i32
        %cond3A_70 = arith.cmpi ne, %convert_element_type3A_68, %cond3A_69 : i32
        scf.if %cond3A_70 {
          %add3A_80 = arith.constant 2 : i32
          %add3A_81 = arith.addi %add3A_50, %add3A_80 : i32
          %dma_start3A_82 = arith.constant 0 : i32
          %dma_start3A_83 = arith.constant 0 : i32
          %dma_start3A_84 = tpu.memref_slice %arg6[%add3A_81, %dma_start3A_82, %dma_start3A_83] : memref<60x2x128xi32, #tpu.memory_space<vmem>> -> memref<1x1x128xi32, #tpu.memory_space<vmem>>
          %dma_start3A_85 = tpu.memref_squeeze %dma_start3A_84 : memref<1x1x128xi32, #tpu.memory_space<vmem>> -> memref<128xi32, #tpu.memory_space<vmem>>
          %dma_start3A_86 = arith.constant 0 : i32
          %dma_start3A_87 = arith.constant 0 : i32
          %dma_start3A_88 = tpu.memref_slice %arg2[%dma_start3A_86, %dma_start3A_87] : memref<10240x128xf32, #tpu.memory_space<hbm>> -> memref<10240x128xf32, #tpu.memory_space<hbm>>
          tpu.enqueue_indirect_dma source(%dma_start3A_88 : memref<10240x128xf32, #tpu.memory_space<hbm>>) target(%arg7 : memref<128x128xf32, #tpu.memory_space<vmem>>) offsets(%dma_start3A_85 : memref<128xi32, #tpu.memory_space<vmem>>) semaphore(%arg10 : memref<!tpu.dma_semaphore, #tpu.memory_space<semaphore_mem>>)
        } else {
        }
        %dma_wait3A_71 = arith.constant 0 : i32
        %dma_wait3A_72 = arith.constant 0 : i32
        %dma_wait3A_73 = tpu.memref_slice %arg2[%dma_wait3A_71, %dma_wait3A_72] : memref<10240x128xf32, #tpu.memory_space<hbm>> -> memref<128x128xf32, #tpu.memory_space<hbm>>
        %dma_wait3A_74 = arith.constant 0 : i32
        %dma_wait3A_75 = arith.constant 0 : i32
        %dma_wait3A_76 = tpu.memref_slice %arg2[%dma_wait3A_74, %dma_wait3A_75] : memref<10240x128xf32, #tpu.memory_space<hbm>> -> memref<128x128xf32, #tpu.memory_space<hbm>>
        tpu.wait_dma2 semaphore(%arg11 : memref<!tpu.dma_semaphore, #tpu.memory_space<semaphore_mem>>) src(%dma_wait3A_76 : memref<128x128xf32, #tpu.memory_space<hbm>>) dst(%arg8 : memref<128x128xf32, #tpu.memory_space<vmem>>)
        %add3A_77 = arith.constant 1 : i32
        %add3A_78 = arith.addi %add3A_50, %add3A_77 : i32
        %run_scoped3A_79 = arith.constant 1 : i32
        "tpu.region"() ({
          %run_scoped3A_80 = tpu.sem_alloc : memref<!tpu.dma_semaphore, #tpu.memory_space<semaphore_mem>>
          %dma_start3A_81 = arith.constant 0 : i32
          %dma_start3A_82 = tpu.memref_slice %arg6[%add3A_78, %run_scoped3A_79, %dma_start3A_81] : memref<60x2x128xi32, #tpu.memory_space<vmem>> -> memref<1x1x128xi32, #tpu.memory_space<vmem>>
          %dma_start3A_83 = tpu.memref_squeeze %dma_start3A_82 : memref<1x1x128xi32, #tpu.memory_space<vmem>> -> memref<128xi32, #tpu.memory_space<vmem>>
          %dma_start3A_84 = arith.constant 0 : i32
          %dma_start3A_85 = arith.constant 0 : i32
          %dma_start3A_86 = tpu.memref_slice %arg9[%dma_start3A_84, %dma_start3A_85] : memref<10240x128xf32, #tpu.memory_space<vmem_shared>> -> memref<10240x128xf32, #tpu.memory_space<vmem_shared>>
          tpu.enqueue_indirect_dma source(%arg8 : memref<128x128xf32, #tpu.memory_space<vmem>>) target(%dma_start3A_86 : memref<10240x128xf32, #tpu.memory_space<vmem_shared>>) offsets(%dma_start3A_83 : memref<128xi32, #tpu.memory_space<vmem>>) semaphore(%run_scoped3A_80 : memref<!tpu.dma_semaphore, #tpu.memory_space<semaphore_mem>>) {add = true}
          %dma_wait3A_87 = arith.constant 0 : i32
          %dma_wait3A_88 = tpu.memref_slice %arg6[%add3A_78, %run_scoped3A_79, %dma_wait3A_87] : memref<60x2x128xi32, #tpu.memory_space<vmem>> -> memref<1x1x128xi32, #tpu.memory_space<vmem>>
          %dma_wait3A_89 = tpu.memref_squeeze %dma_wait3A_88 : memref<1x1x128xi32, #tpu.memory_space<vmem>> -> memref<128xi32, #tpu.memory_space<vmem>>
          %dma_wait3A_90 = arith.constant 0 : i32
          %dma_wait3A_91 = arith.constant 0 : i32
          %dma_wait3A_92 = tpu.memref_slice %arg9[%dma_wait3A_90, %dma_wait3A_91] : memref<10240x128xf32, #tpu.memory_space<vmem_shared>> -> memref<10240x128xf32, #tpu.memory_space<vmem_shared>>
          tpu.wait_indirect_dma semaphore(%run_scoped3A_80 : memref<!tpu.dma_semaphore, #tpu.memory_space<semaphore_mem>>) src(%arg8 : memref<128x128xf32, #tpu.memory_space<vmem>>) dst(%dma_wait3A_92 : memref<10240x128xf32, #tpu.memory_space<vmem_shared>>)
          tpu.yield
        }) : () -> ()
      }
      %scan3A_45 = arith.constant 10 : i32
    } else {
    }
    %barrier3A_10 = arith.constant 0 : index
    tpu.barrier barrier_id(%barrier3A_10)
    %mul3A_11 = arith.constant 640 : i32
    %mul3A_12 = arith.muli %arg1, %mul3A_11 : i32
    %mul3A_13 = arith.constant 640 : i32
    %mul3A_14 = arith.muli %arg1, %mul3A_13 : i32
    "tpu.region"() ({
      %run_scoped3A = tpu.sem_alloc : memref<!tpu.dma_semaphore, #tpu.memory_space<semaphore_mem>>
      %dma_start3A = arith.constant 0 : i32
      %dma_start3A_15 = tpu.memref_slice %arg5[%arg0, %mul3A_14, %dma_start3A] : memref<2x10240x128xf32, #tpu.memory_space<hbm>> -> memref<1x640x128xf32, #tpu.memory_space<hbm>>
      %dma_start3A_16 = tpu.memref_squeeze %dma_start3A_15 : memref<1x640x128xf32, #tpu.memory_space<hbm>> -> memref<640x128xf32, #tpu.memory_space<hbm>>
      %dma_start3A_17 = arith.constant 0 : i32
      %dma_start3A_18 = tpu.memref_slice %arg9[%mul3A_12, %dma_start3A_17] : memref<10240x128xf32, #tpu.memory_space<vmem_shared>> -> memref<640x128xf32, #tpu.memory_space<vmem_shared>>
      tpu.enqueue_dma source(%dma_start3A_18 : memref<640x128xf32, #tpu.memory_space<vmem_shared>>) target(%dma_start3A_16 : memref<640x128xf32, #tpu.memory_space<hbm>>) target_semaphore(%run_scoped3A : memref<!tpu.dma_semaphore, #tpu.memory_space<semaphore_mem>>)
      %dma_wait3A = arith.constant 0 : i32
      %dma_wait3A_19 = tpu.memref_slice %arg5[%arg0, %mul3A_14, %dma_wait3A] : memref<2x10240x128xf32, #tpu.memory_space<hbm>> -> memref<1x640x128xf32, #tpu.memory_space<hbm>>
      %dma_wait3A_20 = tpu.memref_squeeze %dma_wait3A_19 : memref<1x640x128xf32, #tpu.memory_space<hbm>> -> memref<640x128xf32, #tpu.memory_space<hbm>>
      %dma_wait3A_21 = arith.constant 0 : i32
      %dma_wait3A_22 = tpu.memref_slice %arg9[%mul3A_12, %dma_wait3A_21] : memref<10240x128xf32, #tpu.memory_space<vmem_shared>> -> memref<640x128xf32, #tpu.memory_space<vmem_shared>>
      tpu.wait_dma2 semaphore(%run_scoped3A : memref<!tpu.dma_semaphore, #tpu.memory_space<semaphore_mem>>) src(%dma_wait3A_22 : memref<640x128xf32, #tpu.memory_space<vmem_shared>>) dst(%dma_wait3A_20 : memref<640x128xf32, #tpu.memory_space<hbm>>)
      tpu.yield
    }) : () -> ()
    return
  }
}

#map = affine_map<(d0, d1) -> (0, 0, 0)>
#map1 = affine_map<(d0, d1) -> (0, 0)>
module attributes {stable_mosaic.version = 14 : i64} {
  func.func @k(%arg0: i32, %arg1: i32, %arg2: memref<32x80x128xi32, #tpu.memory_space<hbm>>, %arg3: memref<10240x128xf32, #tpu.memory_space<hbm>>, %arg4: memref<128x128xf32, #tpu.memory_space<hbm>>, %arg5: memref<2x10240x128xf32, #tpu.memory_space<hbm>>, %arg6: memref<80x128xi32, #tpu.memory_space<vmem>>, %arg7: memref<128x128xf32, #tpu.memory_space<vmem>>, %arg8: memref<10240x128xf32, #tpu.memory_space<vmem_shared>>, %arg9: memref<!tpu.dma_semaphore, #tpu.memory_space<semaphore_mem>>) attributes {dimension_semantics = [#tpu.dimension_semantics<core_parallel>, #tpu.dimension_semantics<subcore_parallel>], iteration_bounds = array<i64: 2, 16>, scalar_prefetch = 0 : i64, scratch_operands = 4 : i64, tpu.core_type = #tpu.core_type<sc_vector_subcore>, window_params = [{transform_indices = #map}, {transform_indices = #map1}, {transform_indices = #map1}, {transform_indices = #map}]} {
    %mul3A = arith.constant 16 : i32
    %mul3A_0 = arith.muli %arg0, %mul3A : i32
    %add3A = arith.addi %mul3A_0, %arg1 : i32
    %mul3A_1 = arith.constant 640 : i32
    %mul3A_2 = arith.muli %arg1, %mul3A_1 : i32
    %mul3A_3 = arith.constant 640 : i32
    %mul3A_4 = arith.muli %arg1, %mul3A_3 : i32
    "tpu.region"() ({
      %run_scoped3A = tpu.sem_alloc : memref<!tpu.dma_semaphore, #tpu.memory_space<semaphore_mem>>
      %dma_start3A = arith.constant 0 : i32
      %dma_start3A_14 = tpu.memref_slice %arg8[%mul3A_4, %dma_start3A] : memref<10240x128xf32, #tpu.memory_space<vmem_shared>> -> memref<640x128xf32, #tpu.memory_space<vmem_shared>>
      %dma_start3A_15 = arith.constant 0 : i32
      %dma_start3A_16 = tpu.memref_slice %arg3[%mul3A_2, %dma_start3A_15] : memref<10240x128xf32, #tpu.memory_space<hbm>> -> memref<640x128xf32, #tpu.memory_space<hbm>>
      tpu.enqueue_dma source(%dma_start3A_16 : memref<640x128xf32, #tpu.memory_space<hbm>>) target(%dma_start3A_14 : memref<640x128xf32, #tpu.memory_space<vmem_shared>>) target_semaphore(%run_scoped3A : memref<!tpu.dma_semaphore, #tpu.memory_space<semaphore_mem>>)
      %dma_wait3A = arith.constant 0 : i32
      %dma_wait3A_17 = tpu.memref_slice %arg8[%mul3A_4, %dma_wait3A] : memref<10240x128xf32, #tpu.memory_space<vmem_shared>> -> memref<640x128xf32, #tpu.memory_space<vmem_shared>>
      %dma_wait3A_18 = arith.constant 0 : i32
      %dma_wait3A_19 = tpu.memref_slice %arg3[%mul3A_2, %dma_wait3A_18] : memref<10240x128xf32, #tpu.memory_space<hbm>> -> memref<640x128xf32, #tpu.memory_space<hbm>>
      tpu.wait_dma2 semaphore(%run_scoped3A : memref<!tpu.dma_semaphore, #tpu.memory_space<semaphore_mem>>) src(%dma_wait3A_19 : memref<640x128xf32, #tpu.memory_space<hbm>>) dst(%dma_wait3A_17 : memref<640x128xf32, #tpu.memory_space<vmem_shared>>)
      tpu.yield
    }) : () -> ()
    "tpu.region"() ({
      %run_scoped3A = tpu.sem_alloc : memref<!tpu.dma_semaphore, #tpu.memory_space<semaphore_mem>>
      tpu.enqueue_dma source(%arg4 : memref<128x128xf32, #tpu.memory_space<hbm>>) target(%arg7 : memref<128x128xf32, #tpu.memory_space<vmem>>) target_semaphore(%run_scoped3A : memref<!tpu.dma_semaphore, #tpu.memory_space<semaphore_mem>>)
      tpu.wait_dma2 semaphore(%run_scoped3A : memref<!tpu.dma_semaphore, #tpu.memory_space<semaphore_mem>>) src(%arg4 : memref<128x128xf32, #tpu.memory_space<hbm>>) dst(%arg7 : memref<128x128xf32, #tpu.memory_space<vmem>>)
      tpu.yield
    }) : () -> ()
    "tpu.region"() ({
      %run_scoped3A = tpu.sem_alloc : memref<!tpu.dma_semaphore, #tpu.memory_space<semaphore_mem>>
      %dma_start3A = arith.constant 0 : i32
      %dma_start3A_14 = arith.constant 0 : i32
      %dma_start3A_15 = tpu.memref_slice %arg2[%add3A, %dma_start3A, %dma_start3A_14] : memref<32x80x128xi32, #tpu.memory_space<hbm>> -> memref<1x80x128xi32, #tpu.memory_space<hbm>>
      %dma_start3A_16 = tpu.memref_squeeze %dma_start3A_15 : memref<1x80x128xi32, #tpu.memory_space<hbm>> -> memref<80x128xi32, #tpu.memory_space<hbm>>
      %dma_start3A_17 = arith.constant 0 : i32
      %dma_start3A_18 = arith.constant 0 : i32
      %dma_start3A_19 = tpu.memref_slice %arg2[%add3A, %dma_start3A_17, %dma_start3A_18] : memref<32x80x128xi32, #tpu.memory_space<hbm>> -> memref<1x80x128xi32, #tpu.memory_space<hbm>>
      %dma_start3A_20 = tpu.memref_squeeze %dma_start3A_19 : memref<1x80x128xi32, #tpu.memory_space<hbm>> -> memref<80x128xi32, #tpu.memory_space<hbm>>
      tpu.enqueue_dma source(%dma_start3A_20 : memref<80x128xi32, #tpu.memory_space<hbm>>) target(%arg6 : memref<80x128xi32, #tpu.memory_space<vmem>>) target_semaphore(%run_scoped3A : memref<!tpu.dma_semaphore, #tpu.memory_space<semaphore_mem>>)
      %dma_wait3A = arith.constant 0 : i32
      %dma_wait3A_21 = arith.constant 0 : i32
      %dma_wait3A_22 = tpu.memref_slice %arg2[%add3A, %dma_wait3A, %dma_wait3A_21] : memref<32x80x128xi32, #tpu.memory_space<hbm>> -> memref<1x80x128xi32, #tpu.memory_space<hbm>>
      %dma_wait3A_23 = tpu.memref_squeeze %dma_wait3A_22 : memref<1x80x128xi32, #tpu.memory_space<hbm>> -> memref<80x128xi32, #tpu.memory_space<hbm>>
      %dma_wait3A_24 = arith.constant 0 : i32
      %dma_wait3A_25 = arith.constant 0 : i32
      %dma_wait3A_26 = tpu.memref_slice %arg2[%add3A, %dma_wait3A_24, %dma_wait3A_25] : memref<32x80x128xi32, #tpu.memory_space<hbm>> -> memref<1x80x128xi32, #tpu.memory_space<hbm>>
      %dma_wait3A_27 = tpu.memref_squeeze %dma_wait3A_26 : memref<1x80x128xi32, #tpu.memory_space<hbm>> -> memref<80x128xi32, #tpu.memory_space<hbm>>
      tpu.wait_dma2 semaphore(%run_scoped3A : memref<!tpu.dma_semaphore, #tpu.memory_space<semaphore_mem>>) src(%dma_wait3A_27 : memref<80x128xi32, #tpu.memory_space<hbm>>) dst(%arg6 : memref<80x128xi32, #tpu.memory_space<vmem>>)
      tpu.yield
    }) : () -> ()
    %barrier3A = arith.constant 0 : index
    tpu.barrier barrier_id(%barrier3A)
    %scan3A = arith.constant 0 : i32
    %scan3A_5 = arith.constant 10 : i32
    %scan3A_6 = arith.addi %scan3A, %scan3A_5 : i32
    %scan3A_7 = arith.constant 1 : i32
    scf.for %scan3A_14 = %scan3A to %scan3A_6 step %scan3A_7  : i32 {
      %mul3A_15 = arith.constant 8 : i32
      %mul3A_16 = arith.muli %scan3A_14, %mul3A_15 : i32
      %add3A_17 = arith.constant 0 : i32
      %add3A_18 = arith.addi %add3A_17, %mul3A_16 : i32
      %add3A_19 = arith.constant 0 : i32
      %add3A_20 = arith.addi %add3A_18, %add3A_19 : i32
      %dma_start3A = arith.constant 0 : i32
      %dma_start3A_21 = tpu.memref_slice %arg6[%add3A_20, %dma_start3A] : memref<80x128xi32, #tpu.memory_space<vmem>> -> memref<1x128xi32, #tpu.memory_space<vmem>>
      %dma_start3A_22 = tpu.memref_squeeze %dma_start3A_21 : memref<1x128xi32, #tpu.memory_space<vmem>> -> memref<128xi32, #tpu.memory_space<vmem>>
      %dma_start3A_23 = arith.constant 0 : i32
      %dma_start3A_24 = arith.constant 0 : i32
      %dma_start3A_25 = tpu.memref_slice %arg8[%dma_start3A_23, %dma_start3A_24] : memref<10240x128xf32, #tpu.memory_space<vmem_shared>> -> memref<10240x128xf32, #tpu.memory_space<vmem_shared>>
      tpu.enqueue_indirect_dma source(%arg7 : memref<128x128xf32, #tpu.memory_space<vmem>>) target(%dma_start3A_25 : memref<10240x128xf32, #tpu.memory_space<vmem_shared>>) offsets(%dma_start3A_22 : memref<128xi32, #tpu.memory_space<vmem>>) semaphore(%arg9 : memref<!tpu.dma_semaphore, #tpu.memory_space<semaphore_mem>>) {add = true}
      %add3A_26 = arith.constant 1 : i32
      %add3A_27 = arith.addi %add3A_18, %add3A_26 : i32
      %dma_start3A_28 = arith.constant 0 : i32
      %dma_start3A_29 = tpu.memref_slice %arg6[%add3A_27, %dma_start3A_28] : memref<80x128xi32, #tpu.memory_space<vmem>> -> memref<1x128xi32, #tpu.memory_space<vmem>>
      %dma_start3A_30 = tpu.memref_squeeze %dma_start3A_29 : memref<1x128xi32, #tpu.memory_space<vmem>> -> memref<128xi32, #tpu.memory_space<vmem>>
      %dma_start3A_31 = arith.constant 0 : i32
      %dma_start3A_32 = arith.constant 0 : i32
      %dma_start3A_33 = tpu.memref_slice %arg8[%dma_start3A_31, %dma_start3A_32] : memref<10240x128xf32, #tpu.memory_space<vmem_shared>> -> memref<10240x128xf32, #tpu.memory_space<vmem_shared>>
      tpu.enqueue_indirect_dma source(%arg7 : memref<128x128xf32, #tpu.memory_space<vmem>>) target(%dma_start3A_33 : memref<10240x128xf32, #tpu.memory_space<vmem_shared>>) offsets(%dma_start3A_30 : memref<128xi32, #tpu.memory_space<vmem>>) semaphore(%arg9 : memref<!tpu.dma_semaphore, #tpu.memory_space<semaphore_mem>>) {add = true}
      %add3A_34 = arith.constant 2 : i32
      %add3A_35 = arith.addi %add3A_18, %add3A_34 : i32
      %dma_start3A_36 = arith.constant 0 : i32
      %dma_start3A_37 = tpu.memref_slice %arg6[%add3A_35, %dma_start3A_36] : memref<80x128xi32, #tpu.memory_space<vmem>> -> memref<1x128xi32, #tpu.memory_space<vmem>>
      %dma_start3A_38 = tpu.memref_squeeze %dma_start3A_37 : memref<1x128xi32, #tpu.memory_space<vmem>> -> memref<128xi32, #tpu.memory_space<vmem>>
      %dma_start3A_39 = arith.constant 0 : i32
      %dma_start3A_40 = arith.constant 0 : i32
      %dma_start3A_41 = tpu.memref_slice %arg8[%dma_start3A_39, %dma_start3A_40] : memref<10240x128xf32, #tpu.memory_space<vmem_shared>> -> memref<10240x128xf32, #tpu.memory_space<vmem_shared>>
      tpu.enqueue_indirect_dma source(%arg7 : memref<128x128xf32, #tpu.memory_space<vmem>>) target(%dma_start3A_41 : memref<10240x128xf32, #tpu.memory_space<vmem_shared>>) offsets(%dma_start3A_38 : memref<128xi32, #tpu.memory_space<vmem>>) semaphore(%arg9 : memref<!tpu.dma_semaphore, #tpu.memory_space<semaphore_mem>>) {add = true}
      %add3A_42 = arith.constant 3 : i32
      %add3A_43 = arith.addi %add3A_18, %add3A_42 : i32
      %dma_start3A_44 = arith.constant 0 : i32
      %dma_start3A_45 = tpu.memref_slice %arg6[%add3A_43, %dma_start3A_44] : memref<80x128xi32, #tpu.memory_space<vmem>> -> memref<1x128xi32, #tpu.memory_space<vmem>>
      %dma_start3A_46 = tpu.memref_squeeze %dma_start3A_45 : memref<1x128xi32, #tpu.memory_space<vmem>> -> memref<128xi32, #tpu.memory_space<vmem>>
      %dma_start3A_47 = arith.constant 0 : i32
      %dma_start3A_48 = arith.constant 0 : i32
      %dma_start3A_49 = tpu.memref_slice %arg8[%dma_start3A_47, %dma_start3A_48] : memref<10240x128xf32, #tpu.memory_space<vmem_shared>> -> memref<10240x128xf32, #tpu.memory_space<vmem_shared>>
      tpu.enqueue_indirect_dma source(%arg7 : memref<128x128xf32, #tpu.memory_space<vmem>>) target(%dma_start3A_49 : memref<10240x128xf32, #tpu.memory_space<vmem_shared>>) offsets(%dma_start3A_46 : memref<128xi32, #tpu.memory_space<vmem>>) semaphore(%arg9 : memref<!tpu.dma_semaphore, #tpu.memory_space<semaphore_mem>>) {add = true}
      %add3A_50 = arith.constant 4 : i32
      %add3A_51 = arith.addi %add3A_18, %add3A_50 : i32
      %dma_start3A_52 = arith.constant 0 : i32
      %dma_start3A_53 = tpu.memref_slice %arg6[%add3A_51, %dma_start3A_52] : memref<80x128xi32, #tpu.memory_space<vmem>> -> memref<1x128xi32, #tpu.memory_space<vmem>>
      %dma_start3A_54 = tpu.memref_squeeze %dma_start3A_53 : memref<1x128xi32, #tpu.memory_space<vmem>> -> memref<128xi32, #tpu.memory_space<vmem>>
      %dma_start3A_55 = arith.constant 0 : i32
      %dma_start3A_56 = arith.constant 0 : i32
      %dma_start3A_57 = tpu.memref_slice %arg8[%dma_start3A_55, %dma_start3A_56] : memref<10240x128xf32, #tpu.memory_space<vmem_shared>> -> memref<10240x128xf32, #tpu.memory_space<vmem_shared>>
      tpu.enqueue_indirect_dma source(%arg7 : memref<128x128xf32, #tpu.memory_space<vmem>>) target(%dma_start3A_57 : memref<10240x128xf32, #tpu.memory_space<vmem_shared>>) offsets(%dma_start3A_54 : memref<128xi32, #tpu.memory_space<vmem>>) semaphore(%arg9 : memref<!tpu.dma_semaphore, #tpu.memory_space<semaphore_mem>>) {add = true}
      %add3A_58 = arith.constant 5 : i32
      %add3A_59 = arith.addi %add3A_18, %add3A_58 : i32
      %dma_start3A_60 = arith.constant 0 : i32
      %dma_start3A_61 = tpu.memref_slice %arg6[%add3A_59, %dma_start3A_60] : memref<80x128xi32, #tpu.memory_space<vmem>> -> memref<1x128xi32, #tpu.memory_space<vmem>>
      %dma_start3A_62 = tpu.memref_squeeze %dma_start3A_61 : memref<1x128xi32, #tpu.memory_space<vmem>> -> memref<128xi32, #tpu.memory_space<vmem>>
      %dma_start3A_63 = arith.constant 0 : i32
      %dma_start3A_64 = arith.constant 0 : i32
      %dma_start3A_65 = tpu.memref_slice %arg8[%dma_start3A_63, %dma_start3A_64] : memref<10240x128xf32, #tpu.memory_space<vmem_shared>> -> memref<10240x128xf32, #tpu.memory_space<vmem_shared>>
      tpu.enqueue_indirect_dma source(%arg7 : memref<128x128xf32, #tpu.memory_space<vmem>>) target(%dma_start3A_65 : memref<10240x128xf32, #tpu.memory_space<vmem_shared>>) offsets(%dma_start3A_62 : memref<128xi32, #tpu.memory_space<vmem>>) semaphore(%arg9 : memref<!tpu.dma_semaphore, #tpu.memory_space<semaphore_mem>>) {add = true}
      %add3A_66 = arith.constant 6 : i32
      %add3A_67 = arith.addi %add3A_18, %add3A_66 : i32
      %dma_start3A_68 = arith.constant 0 : i32
      %dma_start3A_69 = tpu.memref_slice %arg6[%add3A_67, %dma_start3A_68] : memref<80x128xi32, #tpu.memory_space<vmem>> -> memref<1x128xi32, #tpu.memory_space<vmem>>
      %dma_start3A_70 = tpu.memref_squeeze %dma_start3A_69 : memref<1x128xi32, #tpu.memory_space<vmem>> -> memref<128xi32, #tpu.memory_space<vmem>>
      %dma_start3A_71 = arith.constant 0 : i32
      %dma_start3A_72 = arith.constant 0 : i32
      %dma_start3A_73 = tpu.memref_slice %arg8[%dma_start3A_71, %dma_start3A_72] : memref<10240x128xf32, #tpu.memory_space<vmem_shared>> -> memref<10240x128xf32, #tpu.memory_space<vmem_shared>>
      tpu.enqueue_indirect_dma source(%arg7 : memref<128x128xf32, #tpu.memory_space<vmem>>) target(%dma_start3A_73 : memref<10240x128xf32, #tpu.memory_space<vmem_shared>>) offsets(%dma_start3A_70 : memref<128xi32, #tpu.memory_space<vmem>>) semaphore(%arg9 : memref<!tpu.dma_semaphore, #tpu.memory_space<semaphore_mem>>) {add = true}
      %add3A_74 = arith.constant 7 : i32
      %add3A_75 = arith.addi %add3A_18, %add3A_74 : i32
      %dma_start3A_76 = arith.constant 0 : i32
      %dma_start3A_77 = tpu.memref_slice %arg6[%add3A_75, %dma_start3A_76] : memref<80x128xi32, #tpu.memory_space<vmem>> -> memref<1x128xi32, #tpu.memory_space<vmem>>
      %dma_start3A_78 = tpu.memref_squeeze %dma_start3A_77 : memref<1x128xi32, #tpu.memory_space<vmem>> -> memref<128xi32, #tpu.memory_space<vmem>>
      %dma_start3A_79 = arith.constant 0 : i32
      %dma_start3A_80 = arith.constant 0 : i32
      %dma_start3A_81 = tpu.memref_slice %arg8[%dma_start3A_79, %dma_start3A_80] : memref<10240x128xf32, #tpu.memory_space<vmem_shared>> -> memref<10240x128xf32, #tpu.memory_space<vmem_shared>>
      tpu.enqueue_indirect_dma source(%arg7 : memref<128x128xf32, #tpu.memory_space<vmem>>) target(%dma_start3A_81 : memref<10240x128xf32, #tpu.memory_space<vmem_shared>>) offsets(%dma_start3A_78 : memref<128xi32, #tpu.memory_space<vmem>>) semaphore(%arg9 : memref<!tpu.dma_semaphore, #tpu.memory_space<semaphore_mem>>) {add = true}
      %add3A_82 = arith.constant 0 : i32
      %add3A_83 = arith.addi %add3A_18, %add3A_82 : i32
      %dma_wait3A = arith.constant 0 : i32
      %dma_wait3A_84 = tpu.memref_slice %arg6[%add3A_83, %dma_wait3A] : memref<80x128xi32, #tpu.memory_space<vmem>> -> memref<1x128xi32, #tpu.memory_space<vmem>>
      %dma_wait3A_85 = tpu.memref_squeeze %dma_wait3A_84 : memref<1x128xi32, #tpu.memory_space<vmem>> -> memref<128xi32, #tpu.memory_space<vmem>>
      %dma_wait3A_86 = arith.constant 0 : i32
      %dma_wait3A_87 = arith.constant 0 : i32
      %dma_wait3A_88 = tpu.memref_slice %arg8[%dma_wait3A_86, %dma_wait3A_87] : memref<10240x128xf32, #tpu.memory_space<vmem_shared>> -> memref<10240x128xf32, #tpu.memory_space<vmem_shared>>
      tpu.wait_indirect_dma semaphore(%arg9 : memref<!tpu.dma_semaphore, #tpu.memory_space<semaphore_mem>>) src(%arg7 : memref<128x128xf32, #tpu.memory_space<vmem>>) dst(%dma_wait3A_88 : memref<10240x128xf32, #tpu.memory_space<vmem_shared>>)
      %add3A_89 = arith.constant 1 : i32
      %add3A_90 = arith.addi %add3A_18, %add3A_89 : i32
      %dma_wait3A_91 = arith.constant 0 : i32
      %dma_wait3A_92 = tpu.memref_slice %arg6[%add3A_90, %dma_wait3A_91] : memref<80x128xi32, #tpu.memory_space<vmem>> -> memref<1x128xi32, #tpu.memory_space<vmem>>
      %dma_wait3A_93 = tpu.memref_squeeze %dma_wait3A_92 : memref<1x128xi32, #tpu.memory_space<vmem>> -> memref<128xi32, #tpu.memory_space<vmem>>
      %dma_wait3A_94 = arith.constant 0 : i32
      %dma_wait3A_95 = arith.constant 0 : i32
      %dma_wait3A_96 = tpu.memref_slice %arg8[%dma_wait3A_94, %dma_wait3A_95] : memref<10240x128xf32, #tpu.memory_space<vmem_shared>> -> memref<10240x128xf32, #tpu.memory_space<vmem_shared>>
      tpu.wait_indirect_dma semaphore(%arg9 : memref<!tpu.dma_semaphore, #tpu.memory_space<semaphore_mem>>) src(%arg7 : memref<128x128xf32, #tpu.memory_space<vmem>>) dst(%dma_wait3A_96 : memref<10240x128xf32, #tpu.memory_space<vmem_shared>>)
      %add3A_97 = arith.constant 2 : i32
      %add3A_98 = arith.addi %add3A_18, %add3A_97 : i32
      %dma_wait3A_99 = arith.constant 0 : i32
      %dma_wait3A_100 = tpu.memref_slice %arg6[%add3A_98, %dma_wait3A_99] : memref<80x128xi32, #tpu.memory_space<vmem>> -> memref<1x128xi32, #tpu.memory_space<vmem>>
      %dma_wait3A_101 = tpu.memref_squeeze %dma_wait3A_100 : memref<1x128xi32, #tpu.memory_space<vmem>> -> memref<128xi32, #tpu.memory_space<vmem>>
      %dma_wait3A_102 = arith.constant 0 : i32
      %dma_wait3A_103 = arith.constant 0 : i32
      %dma_wait3A_104 = tpu.memref_slice %arg8[%dma_wait3A_102, %dma_wait3A_103] : memref<10240x128xf32, #tpu.memory_space<vmem_shared>> -> memref<10240x128xf32, #tpu.memory_space<vmem_shared>>
      tpu.wait_indirect_dma semaphore(%arg9 : memref<!tpu.dma_semaphore, #tpu.memory_space<semaphore_mem>>) src(%arg7 : memref<128x128xf32, #tpu.memory_space<vmem>>) dst(%dma_wait3A_104 : memref<10240x128xf32, #tpu.memory_space<vmem_shared>>)
      %add3A_105 = arith.constant 3 : i32
      %add3A_106 = arith.addi %add3A_18, %add3A_105 : i32
      %dma_wait3A_107 = arith.constant 0 : i32
      %dma_wait3A_108 = tpu.memref_slice %arg6[%add3A_106, %dma_wait3A_107] : memref<80x128xi32, #tpu.memory_space<vmem>> -> memref<1x128xi32, #tpu.memory_space<vmem>>
      %dma_wait3A_109 = tpu.memref_squeeze %dma_wait3A_108 : memref<1x128xi32, #tpu.memory_space<vmem>> -> memref<128xi32, #tpu.memory_space<vmem>>
      %dma_wait3A_110 = arith.constant 0 : i32
      %dma_wait3A_111 = arith.constant 0 : i32
      %dma_wait3A_112 = tpu.memref_slice %arg8[%dma_wait3A_110, %dma_wait3A_111] : memref<10240x128xf32, #tpu.memory_space<vmem_shared>> -> memref<10240x128xf32, #tpu.memory_space<vmem_shared>>
      tpu.wait_indirect_dma semaphore(%arg9 : memref<!tpu.dma_semaphore, #tpu.memory_space<semaphore_mem>>) src(%arg7 : memref<128x128xf32, #tpu.memory_space<vmem>>) dst(%dma_wait3A_112 : memref<10240x128xf32, #tpu.memory_space<vmem_shared>>)
      %add3A_113 = arith.constant 4 : i32
      %add3A_114 = arith.addi %add3A_18, %add3A_113 : i32
      %dma_wait3A_115 = arith.constant 0 : i32
      %dma_wait3A_116 = tpu.memref_slice %arg6[%add3A_114, %dma_wait3A_115] : memref<80x128xi32, #tpu.memory_space<vmem>> -> memref<1x128xi32, #tpu.memory_space<vmem>>
      %dma_wait3A_117 = tpu.memref_squeeze %dma_wait3A_116 : memref<1x128xi32, #tpu.memory_space<vmem>> -> memref<128xi32, #tpu.memory_space<vmem>>
      %dma_wait3A_118 = arith.constant 0 : i32
      %dma_wait3A_119 = arith.constant 0 : i32
      %dma_wait3A_120 = tpu.memref_slice %arg8[%dma_wait3A_118, %dma_wait3A_119] : memref<10240x128xf32, #tpu.memory_space<vmem_shared>> -> memref<10240x128xf32, #tpu.memory_space<vmem_shared>>
      tpu.wait_indirect_dma semaphore(%arg9 : memref<!tpu.dma_semaphore, #tpu.memory_space<semaphore_mem>>) src(%arg7 : memref<128x128xf32, #tpu.memory_space<vmem>>) dst(%dma_wait3A_120 : memref<10240x128xf32, #tpu.memory_space<vmem_shared>>)
      %add3A_121 = arith.constant 5 : i32
      %add3A_122 = arith.addi %add3A_18, %add3A_121 : i32
      %dma_wait3A_123 = arith.constant 0 : i32
      %dma_wait3A_124 = tpu.memref_slice %arg6[%add3A_122, %dma_wait3A_123] : memref<80x128xi32, #tpu.memory_space<vmem>> -> memref<1x128xi32, #tpu.memory_space<vmem>>
      %dma_wait3A_125 = tpu.memref_squeeze %dma_wait3A_124 : memref<1x128xi32, #tpu.memory_space<vmem>> -> memref<128xi32, #tpu.memory_space<vmem>>
      %dma_wait3A_126 = arith.constant 0 : i32
      %dma_wait3A_127 = arith.constant 0 : i32
      %dma_wait3A_128 = tpu.memref_slice %arg8[%dma_wait3A_126, %dma_wait3A_127] : memref<10240x128xf32, #tpu.memory_space<vmem_shared>> -> memref<10240x128xf32, #tpu.memory_space<vmem_shared>>
      tpu.wait_indirect_dma semaphore(%arg9 : memref<!tpu.dma_semaphore, #tpu.memory_space<semaphore_mem>>) src(%arg7 : memref<128x128xf32, #tpu.memory_space<vmem>>) dst(%dma_wait3A_128 : memref<10240x128xf32, #tpu.memory_space<vmem_shared>>)
      %add3A_129 = arith.constant 6 : i32
      %add3A_130 = arith.addi %add3A_18, %add3A_129 : i32
      %dma_wait3A_131 = arith.constant 0 : i32
      %dma_wait3A_132 = tpu.memref_slice %arg6[%add3A_130, %dma_wait3A_131] : memref<80x128xi32, #tpu.memory_space<vmem>> -> memref<1x128xi32, #tpu.memory_space<vmem>>
      %dma_wait3A_133 = tpu.memref_squeeze %dma_wait3A_132 : memref<1x128xi32, #tpu.memory_space<vmem>> -> memref<128xi32, #tpu.memory_space<vmem>>
      %dma_wait3A_134 = arith.constant 0 : i32
      %dma_wait3A_135 = arith.constant 0 : i32
      %dma_wait3A_136 = tpu.memref_slice %arg8[%dma_wait3A_134, %dma_wait3A_135] : memref<10240x128xf32, #tpu.memory_space<vmem_shared>> -> memref<10240x128xf32, #tpu.memory_space<vmem_shared>>
      tpu.wait_indirect_dma semaphore(%arg9 : memref<!tpu.dma_semaphore, #tpu.memory_space<semaphore_mem>>) src(%arg7 : memref<128x128xf32, #tpu.memory_space<vmem>>) dst(%dma_wait3A_136 : memref<10240x128xf32, #tpu.memory_space<vmem_shared>>)
      %add3A_137 = arith.constant 7 : i32
      %add3A_138 = arith.addi %add3A_18, %add3A_137 : i32
      %dma_wait3A_139 = arith.constant 0 : i32
      %dma_wait3A_140 = tpu.memref_slice %arg6[%add3A_138, %dma_wait3A_139] : memref<80x128xi32, #tpu.memory_space<vmem>> -> memref<1x128xi32, #tpu.memory_space<vmem>>
      %dma_wait3A_141 = tpu.memref_squeeze %dma_wait3A_140 : memref<1x128xi32, #tpu.memory_space<vmem>> -> memref<128xi32, #tpu.memory_space<vmem>>
      %dma_wait3A_142 = arith.constant 0 : i32
      %dma_wait3A_143 = arith.constant 0 : i32
      %dma_wait3A_144 = tpu.memref_slice %arg8[%dma_wait3A_142, %dma_wait3A_143] : memref<10240x128xf32, #tpu.memory_space<vmem_shared>> -> memref<10240x128xf32, #tpu.memory_space<vmem_shared>>
      tpu.wait_indirect_dma semaphore(%arg9 : memref<!tpu.dma_semaphore, #tpu.memory_space<semaphore_mem>>) src(%arg7 : memref<128x128xf32, #tpu.memory_space<vmem>>) dst(%dma_wait3A_144 : memref<10240x128xf32, #tpu.memory_space<vmem_shared>>)
    }
    %scan3A_8 = arith.constant 10 : i32
    %barrier3A_9 = arith.constant 0 : index
    tpu.barrier barrier_id(%barrier3A_9)
    %mul3A_10 = arith.constant 640 : i32
    %mul3A_11 = arith.muli %arg1, %mul3A_10 : i32
    %mul3A_12 = arith.constant 640 : i32
    %mul3A_13 = arith.muli %arg1, %mul3A_12 : i32
    "tpu.region"() ({
      %run_scoped3A = tpu.sem_alloc : memref<!tpu.dma_semaphore, #tpu.memory_space<semaphore_mem>>
      %dma_start3A = arith.constant 0 : i32
      %dma_start3A_14 = tpu.memref_slice %arg5[%arg0, %mul3A_13, %dma_start3A] : memref<2x10240x128xf32, #tpu.memory_space<hbm>> -> memref<1x640x128xf32, #tpu.memory_space<hbm>>
      %dma_start3A_15 = tpu.memref_squeeze %dma_start3A_14 : memref<1x640x128xf32, #tpu.memory_space<hbm>> -> memref<640x128xf32, #tpu.memory_space<hbm>>
      %dma_start3A_16 = arith.constant 0 : i32
      %dma_start3A_17 = tpu.memref_slice %arg8[%mul3A_11, %dma_start3A_16] : memref<10240x128xf32, #tpu.memory_space<vmem_shared>> -> memref<640x128xf32, #tpu.memory_space<vmem_shared>>
      tpu.enqueue_dma source(%dma_start3A_17 : memref<640x128xf32, #tpu.memory_space<vmem_shared>>) target(%dma_start3A_15 : memref<640x128xf32, #tpu.memory_space<hbm>>) target_semaphore(%run_scoped3A : memref<!tpu.dma_semaphore, #tpu.memory_space<semaphore_mem>>)
      %dma_wait3A = arith.constant 0 : i32
      %dma_wait3A_18 = tpu.memref_slice %arg5[%arg0, %mul3A_13, %dma_wait3A] : memref<2x10240x128xf32, #tpu.memory_space<hbm>> -> memref<1x640x128xf32, #tpu.memory_space<hbm>>
      %dma_wait3A_19 = tpu.memref_squeeze %dma_wait3A_18 : memref<1x640x128xf32, #tpu.memory_space<hbm>> -> memref<640x128xf32, #tpu.memory_space<hbm>>
      %dma_wait3A_20 = arith.constant 0 : i32
      %dma_wait3A_21 = tpu.memref_slice %arg8[%mul3A_11, %dma_wait3A_20] : memref<10240x128xf32, #tpu.memory_space<vmem_shared>> -> memref<640x128xf32, #tpu.memory_space<vmem_shared>>
      tpu.wait_dma2 semaphore(%run_scoped3A : memref<!tpu.dma_semaphore, #tpu.memory_space<semaphore_mem>>) src(%dma_wait3A_21 : memref<640x128xf32, #tpu.memory_space<vmem_shared>>) dst(%dma_wait3A_19 : memref<640x128xf32, #tpu.memory_space<hbm>>)
      tpu.yield
    }) : () -> ()
    return
  }
}

module attributes {stable_mosaic.version = 14 : i64} {
  func.func @_tc1a_body(%arg0: i32, %arg1: memref<1024x128xf32, #tpu.memory_space<vmem>>, %arg2: memref<128x128xf32, #tpu.memory_space<vmem>>, %arg3: memref<1024x128xf32, #tpu.memory_space<vmem>>) attributes {dimension_semantics = [#tpu.dimension_semantics<arbitrary>], iteration_bounds = array<i64: 10>, scalar_prefetch = 0 : i64, scratch_operands = 0 : i64, tpu.core_type = #tpu.core_type<tc>, window_params = [{transform_indices = @transform_0, window_bounds = array<i64: 1024, 128>}, {pipeline_mode = #tpu.pipeline_mode<synchronous>, transform_indices = @transform_1, window_bounds = array<i64: 128, 128>}, {transform_indices = @transform_2, window_bounds = array<i64: 1024, 128>}]} {
    %get3A = arith.constant 0 : index
    %get3A_0 = arith.constant 0 : index
    %get3A_1 = vector.load %arg1[%get3A, %get3A_0] : memref<1024x128xf32, #tpu.memory_space<vmem>>, vector<1024x128xf32>
    %get3A_2 = arith.constant 0 : index
    %get3A_3 = arith.constant 0 : index
    %get3A_4 = vector.load %arg2[%get3A_2, %get3A_3] : memref<128x128xf32, #tpu.memory_space<vmem>>, vector<128x128xf32>
    %dot_general3A = arith.constant dense<0.000000e+00> : vector<1024x128xf32>
    %dot_general3A_5 = tpu.matmul %get3A_1, %get3A_4, %dot_general3A {dimension_numbers = #tpu.dot_dimension_numbers<[1], [0], [0], [1], [0, 0, 1, 1], [], []>, transpose_lhs_hint = false} : vector<1024x128xf32>, vector<128x128xf32>, vector<1024x128xf32> -> vector<1024x128xf32>
    %swap3A = arith.constant 0 : index
    %swap3A_6 = arith.constant 0 : index
    %swap3A_7 = vector.load %arg3[%swap3A, %swap3A_6] : memref<1024x128xf32, #tpu.memory_space<vmem>>, vector<1024x128xf32>
    tpu.vector_store %arg3[%swap3A, %swap3A_6], %dot_general3A_5 {strides = array<i32>} : memref<1024x128xf32, #tpu.memory_space<vmem>>, vector<1024x128xf32>,
    return
  }
  func.func @transform_0(%arg0: i32) -> (i32, i32) {
    %c0_i32 = arith.constant 0 : i32
    %c0_i32_0 = arith.constant 0 : i32
    return %arg0, %c0_i32 : i32, i32
  }
  func.func @transform_1(%arg0: i32) -> (i32, i32) {
    %c0_i32 = arith.constant 0 : i32
    %c0_i32_0 = arith.constant 0 : i32
    %c0_i32_1 = arith.constant 0 : i32
    return %c0_i32, %c0_i32_0 : i32, i32
  }
  func.func @transform_2(%arg0: i32) -> (i32, i32) {
    %c0_i32 = arith.constant 0 : i32
    %c0_i32_0 = arith.constant 0 : i32
    return %arg0, %c0_i32 : i32, i32
  }
}

module attributes {stable_mosaic.version = 14 : i64} {
  func.func @_tc1b_body(%arg0: i32, %arg1: memref<1024x128xf32, #tpu.memory_space<vmem>>, %arg2: memref<2x1024x128xf32, #tpu.memory_space<vmem>>, %arg3: memref<1024x128xf32, #tpu.memory_space<vmem>>) attributes {dimension_semantics = [#tpu.dimension_semantics<arbitrary>], iteration_bounds = array<i64: 10>, scalar_prefetch = 0 : i64, scratch_operands = 0 : i64, tpu.core_type = #tpu.core_type<tc>, window_params = [{transform_indices = @transform_0, window_bounds = array<i64: 1024, 128>}, {transform_indices = @transform_1, window_bounds = array<i64: 2, 1024, 128>}, {transform_indices = @transform_2, window_bounds = array<i64: 1024, 128>}]} {
    %get3A = arith.constant 0 : index
    %get3A_0 = arith.constant 0 : index
    %get3A_1 = arith.constant 0 : index
    %get3A_2 = vector.load %arg2[%get3A, %get3A_0, %get3A_1] : memref<2x1024x128xf32, #tpu.memory_space<vmem>>, vector<1x1024x1xf32>
    %get3A_3 = vector.shape_cast %get3A_2 : vector<1x1024x1xf32> to vector<1024xf32>
    %get3A_4 = arith.constant 1 : index
    %get3A_5 = arith.constant 0 : index
    %get3A_6 = arith.constant 0 : index
    %get3A_7 = vector.load %arg2[%get3A_4, %get3A_5, %get3A_6] : memref<2x1024x128xf32, #tpu.memory_space<vmem>>, vector<1x1024x1xf32>
    %get3A_8 = vector.shape_cast %get3A_7 : vector<1x1024x1xf32> to vector<1024xf32>
    %add3A = arith.addf %get3A_3, %get3A_8 : vector<1024xf32>
    %add3A_9 = arith.constant 1.000000e+00 : f32
    %add3A_10 = vector.broadcast %add3A_9 : f32 to vector<1024xf32>
    %add3A_11 = arith.addf %add3A, %add3A_10 : vector<1024xf32>
    %rsqrt3A = math.rsqrt %add3A_11 : vector<1024xf32>
    %get3A_12 = arith.constant 0 : index
    %get3A_13 = arith.constant 0 : index
    %get3A_14 = vector.load %arg1[%get3A_12, %get3A_13] : memref<1024x128xf32, #tpu.memory_space<vmem>>, vector<1024x128xf32>
    %broadcast_in_dim3A = vector.shape_cast %rsqrt3A : vector<1024xf32> to vector<1024x1xf32>
    %mul3A = vector.broadcast %broadcast_in_dim3A : vector<1024x1xf32> to vector<1024x128xf32>
    %mul3A_15 = arith.mulf %get3A_14, %mul3A : vector<1024x128xf32>
    %swap3A = arith.constant 0 : index
    %swap3A_16 = arith.constant 0 : index
    %swap3A_17 = vector.load %arg3[%swap3A, %swap3A_16] : memref<1024x128xf32, #tpu.memory_space<vmem>>, vector<1024x128xf32>
    tpu.vector_store %arg3[%swap3A, %swap3A_16], %mul3A_15 {strides = array<i32>} : memref<1024x128xf32, #tpu.memory_space<vmem>>, vector<1024x128xf32>,
    return
  }
  func.func @transform_0(%arg0: i32) -> (i32, i32) {
    %c0_i32 = arith.constant 0 : i32
    %c0_i32_0 = arith.constant 0 : i32
    return %arg0, %c0_i32 : i32, i32
  }
  func.func @transform_1(%arg0: i32) -> (i32, i32, i32) {
    %c0_i32 = arith.constant 0 : i32
    %c0_i32_0 = arith.constant 0 : i32
    %c0_i32_1 = arith.constant 0 : i32
    return %c0_i32, %arg0, %c0_i32_0 : i32, i32, i32
  }
  func.func @transform_2(%arg0: i32) -> (i32, i32) {
    %c0_i32 = arith.constant 0 : i32
    %c0_i32_0 = arith.constant 0 : i32
    return %arg0, %c0_i32 : i32, i32
  }
}

module attributes {stable_mosaic.version = 14 : i64} {
  func.func @_tc2_body(%arg0: i32, %arg1: memref<2x1024x128xf32, #tpu.memory_space<vmem>>, %arg2: memref<1024x128xf32, #tpu.memory_space<vmem>>, %arg3: memref<2x1024x128xf32, #tpu.memory_space<vmem>>, %arg4: memref<1x128xf32, #tpu.memory_space<vmem>>, %arg5: memref<128x128xf32, #tpu.memory_space<vmem>>, %arg6: memref<1024x128xf32, #tpu.memory_space<vmem>>) attributes {dimension_semantics = [#tpu.dimension_semantics<arbitrary>], iteration_bounds = array<i64: 10>, scalar_prefetch = 0 : i64, scratch_operands = 0 : i64, tpu.core_type = #tpu.core_type<tc>, window_params = [{transform_indices = @transform_0, window_bounds = array<i64: 2, 1024, 128>}, {transform_indices = @transform_1, window_bounds = array<i64: 1024, 128>}, {transform_indices = @transform_2, window_bounds = array<i64: 2, 1024, 128>}, {pipeline_mode = #tpu.pipeline_mode<synchronous>, transform_indices = @transform_3, window_bounds = array<i64: 1, 128>}, {pipeline_mode = #tpu.pipeline_mode<synchronous>, transform_indices = @transform_4, window_bounds = array<i64: 128, 128>}, {transform_indices = @transform_5, window_bounds = array<i64: 1024, 128>}]} {
    %get3A = arith.constant 0 : index
    %get3A_0 = arith.constant 0 : index
    %get3A_1 = arith.constant 0 : index
    %get3A_2 = vector.load %arg3[%get3A, %get3A_0, %get3A_1] : memref<2x1024x128xf32, #tpu.memory_space<vmem>>, vector<1x1024x1xf32>
    %get3A_3 = vector.shape_cast %get3A_2 : vector<1x1024x1xf32> to vector<1024xf32>
    %get3A_4 = arith.constant 1 : index
    %get3A_5 = arith.constant 0 : index
    %get3A_6 = arith.constant 0 : index
    %get3A_7 = vector.load %arg3[%get3A_4, %get3A_5, %get3A_6] : memref<2x1024x128xf32, #tpu.memory_space<vmem>>, vector<1x1024x1xf32>
    %get3A_8 = vector.shape_cast %get3A_7 : vector<1x1024x1xf32> to vector<1024xf32>
    %add3A = arith.addf %get3A_3, %get3A_8 : vector<1024xf32>
    %add3A_9 = arith.constant 1.000000e+00 : f32
    %add3A_10 = vector.broadcast %add3A_9 : f32 to vector<1024xf32>
    %add3A_11 = arith.addf %add3A, %add3A_10 : vector<1024xf32>
    %rsqrt3A = math.rsqrt %add3A_11 : vector<1024xf32>
    %get3A_12 = arith.constant 0 : index
    %get3A_13 = arith.constant 0 : index
    %get3A_14 = arith.constant 0 : index
    %get3A_15 = vector.load %arg1[%get3A_12, %get3A_13, %get3A_14] : memref<2x1024x128xf32, #tpu.memory_space<vmem>>, vector<1x1024x128xf32>
    %get3A_16 = vector.shape_cast %get3A_15 : vector<1x1024x128xf32> to vector<1024x128xf32>
    %get3A_17 = arith.constant 1 : index
    %get3A_18 = arith.constant 0 : index
    %get3A_19 = arith.constant 0 : index
    %get3A_20 = vector.load %arg1[%get3A_17, %get3A_18, %get3A_19] : memref<2x1024x128xf32, #tpu.memory_space<vmem>>, vector<1x1024x128xf32>
    %get3A_21 = vector.shape_cast %get3A_20 : vector<1x1024x128xf32> to vector<1024x128xf32>
    %add3A_22 = arith.addf %get3A_16, %get3A_21 : vector<1024x128xf32>
    %get3A_23 = arith.constant 0 : index
    %get3A_24 = arith.constant 0 : index
    %get3A_25 = vector.load %arg2[%get3A_23, %get3A_24] : memref<1024x128xf32, #tpu.memory_space<vmem>>, vector<1024x128xf32>
    %add3A_26 = arith.addf %add3A_22, %get3A_25 : vector<1024x128xf32>
    %broadcast_in_dim3A = vector.shape_cast %rsqrt3A : vector<1024xf32> to vector<1024x1xf32>
    %mul3A = vector.broadcast %broadcast_in_dim3A : vector<1024x1xf32> to vector<1024x128xf32>
    %mul3A_27 = arith.mulf %add3A_26, %mul3A : vector<1024x128xf32>
    %get3A_28 = arith.constant 0 : index
    %get3A_29 = arith.constant 0 : index
    %get3A_30 = vector.load %arg4[%get3A_28, %get3A_29] : memref<1x128xf32, #tpu.memory_space<vmem>>, vector<1x128xf32>
    %add3A_31 = vector.broadcast %get3A_30 : vector<1x128xf32> to vector<1024x128xf32>
    %add3A_32 = arith.addf %mul3A_27, %add3A_31 : vector<1024x128xf32>
    %max3A = arith.constant 0.000000e+00 : f32
    %max3A_33 = vector.broadcast %max3A : f32 to vector<1024x128xf32>
    %max3A_34 = arith.maximumf %add3A_32, %max3A_33 : vector<1024x128xf32>
    %get3A_35 = arith.constant 0 : index
    %get3A_36 = arith.constant 0 : index
    %get3A_37 = vector.load %arg5[%get3A_35, %get3A_36] : memref<128x128xf32, #tpu.memory_space<vmem>>, vector<128x128xf32>
    %dot_general3A = arith.constant dense<0.000000e+00> : vector<1024x128xf32>
    %dot_general3A_38 = tpu.matmul %max3A_34, %get3A_37, %dot_general3A {dimension_numbers = #tpu.dot_dimension_numbers<[1], [0], [0], [1], [0, 0, 1, 1], [], []>, transpose_lhs_hint = false} : vector<1024x128xf32>, vector<128x128xf32>, vector<1024x128xf32> -> vector<1024x128xf32>
    %broadcast_in_dim3A_39 = vector.shape_cast %rsqrt3A : vector<1024xf32> to vector<1024x1xf32>
    %mul3A_40 = vector.broadcast %broadcast_in_dim3A_39 : vector<1024x1xf32> to vector<1024x128xf32>
    %mul3A_41 = arith.mulf %dot_general3A_38, %mul3A_40 : vector<1024x128xf32>
    %swap3A = arith.constant 0 : index
    %swap3A_42 = arith.constant 0 : index
    %swap3A_43 = vector.load %arg6[%swap3A, %swap3A_42] : memref<1024x128xf32, #tpu.memory_space<vmem>>, vector<1024x128xf32>
    tpu.vector_store %arg6[%swap3A, %swap3A_42], %mul3A_41 {strides = array<i32>} : memref<1024x128xf32, #tpu.memory_space<vmem>>, vector<1024x128xf32>,
    return
  }
  func.func @transform_0(%arg0: i32) -> (i32, i32, i32) {
    %c0_i32 = arith.constant 0 : i32
    %c0_i32_0 = arith.constant 0 : i32
    %c0_i32_1 = arith.constant 0 : i32
    return %c0_i32, %arg0, %c0_i32_0 : i32, i32, i32
  }
  func.func @transform_1(%arg0: i32) -> (i32, i32) {
    %c0_i32 = arith.constant 0 : i32
    %c0_i32_0 = arith.constant 0 : i32
    return %arg0, %c0_i32 : i32, i32
  }
  func.func @transform_2(%arg0: i32) -> (i32, i32, i32) {
    %c0_i32 = arith.constant 0 : i32
    %c0_i32_0 = arith.constant 0 : i32
    %c0_i32_1 = arith.constant 0 : i32
    return %c0_i32, %arg0, %c0_i32_0 : i32, i32, i32
  }
  func.func @transform_3(%arg0: i32) -> (i32, i32) {
    %c0_i32 = arith.constant 0 : i32
    %c0_i32_0 = arith.constant 0 : i32
    %c0_i32_1 = arith.constant 0 : i32
    return %c0_i32, %c0_i32_0 : i32, i32
  }
  func.func @transform_4(%arg0: i32) -> (i32, i32) {
    %c0_i32 = arith.constant 0 : i32
    %c0_i32_0 = arith.constant 0 : i32
    %c0_i32_1 = arith.constant 0 : i32
    return %c0_i32, %c0_i32_0 : i32, i32
  }
  func.func @transform_5(%arg0: i32) -> (i32, i32) {
    %c0_i32 = arith.constant 0 : i32
    %c0_i32_0 = arith.constant 0 : i32
    return %arg0, %c0_i32 : i32, i32
  }
}

module attributes {stable_mosaic.version = 14 : i64} {
  func.func @_tc3_body(%arg0: i32, %arg1: memref<2x1024x128xf32, #tpu.memory_space<vmem>>, %arg2: memref<1024x128xf32, #tpu.memory_space<vmem>>, %arg3: memref<2x1024x128xf32, #tpu.memory_space<vmem>>, %arg4: memref<1x128xf32, #tpu.memory_space<vmem>>, %arg5: memref<1024x128xf32, #tpu.memory_space<vmem>>) attributes {dimension_semantics = [#tpu.dimension_semantics<arbitrary>], iteration_bounds = array<i64: 10>, scalar_prefetch = 0 : i64, scratch_operands = 0 : i64, tpu.core_type = #tpu.core_type<tc>, window_params = [{transform_indices = @transform_0, window_bounds = array<i64: 2, 1024, 128>}, {transform_indices = @transform_1, window_bounds = array<i64: 1024, 128>}, {transform_indices = @transform_2, window_bounds = array<i64: 2, 1024, 128>}, {pipeline_mode = #tpu.pipeline_mode<synchronous>, transform_indices = @transform_3, window_bounds = array<i64: 1, 128>}, {transform_indices = @transform_4, window_bounds = array<i64: 1024, 128>}]} {
    %get3A = arith.constant 0 : index
    %get3A_0 = arith.constant 0 : index
    %get3A_1 = arith.constant 0 : index
    %get3A_2 = vector.load %arg3[%get3A, %get3A_0, %get3A_1] : memref<2x1024x128xf32, #tpu.memory_space<vmem>>, vector<1x1024x1xf32>
    %get3A_3 = vector.shape_cast %get3A_2 : vector<1x1024x1xf32> to vector<1024xf32>
    %get3A_4 = arith.constant 1 : index
    %get3A_5 = arith.constant 0 : index
    %get3A_6 = arith.constant 0 : index
    %get3A_7 = vector.load %arg3[%get3A_4, %get3A_5, %get3A_6] : memref<2x1024x128xf32, #tpu.memory_space<vmem>>, vector<1x1024x1xf32>
    %get3A_8 = vector.shape_cast %get3A_7 : vector<1x1024x1xf32> to vector<1024xf32>
    %add3A = arith.addf %get3A_3, %get3A_8 : vector<1024xf32>
    %add3A_9 = arith.constant 1.000000e+00 : f32
    %add3A_10 = vector.broadcast %add3A_9 : f32 to vector<1024xf32>
    %add3A_11 = arith.addf %add3A, %add3A_10 : vector<1024xf32>
    %rsqrt3A = math.rsqrt %add3A_11 : vector<1024xf32>
    %get3A_12 = arith.constant 0 : index
    %get3A_13 = arith.constant 0 : index
    %get3A_14 = arith.constant 0 : index
    %get3A_15 = vector.load %arg1[%get3A_12, %get3A_13, %get3A_14] : memref<2x1024x128xf32, #tpu.memory_space<vmem>>, vector<1x1024x128xf32>
    %get3A_16 = vector.shape_cast %get3A_15 : vector<1x1024x128xf32> to vector<1024x128xf32>
    %get3A_17 = arith.constant 1 : index
    %get3A_18 = arith.constant 0 : index
    %get3A_19 = arith.constant 0 : index
    %get3A_20 = vector.load %arg1[%get3A_17, %get3A_18, %get3A_19] : memref<2x1024x128xf32, #tpu.memory_space<vmem>>, vector<1x1024x128xf32>
    %get3A_21 = vector.shape_cast %get3A_20 : vector<1x1024x128xf32> to vector<1024x128xf32>
    %add3A_22 = arith.addf %get3A_16, %get3A_21 : vector<1024x128xf32>
    %get3A_23 = arith.constant 0 : index
    %get3A_24 = arith.constant 0 : index
    %get3A_25 = vector.load %arg2[%get3A_23, %get3A_24] : memref<1024x128xf32, #tpu.memory_space<vmem>>, vector<1024x128xf32>
    %add3A_26 = arith.addf %add3A_22, %get3A_25 : vector<1024x128xf32>
    %broadcast_in_dim3A = vector.shape_cast %rsqrt3A : vector<1024xf32> to vector<1024x1xf32>
    %mul3A = vector.broadcast %broadcast_in_dim3A : vector<1024x1xf32> to vector<1024x128xf32>
    %mul3A_27 = arith.mulf %add3A_26, %mul3A : vector<1024x128xf32>
    %get3A_28 = arith.constant 0 : index
    %get3A_29 = arith.constant 0 : index
    %get3A_30 = vector.load %arg4[%get3A_28, %get3A_29] : memref<1x128xf32, #tpu.memory_space<vmem>>, vector<1x128xf32>
    %add3A_31 = vector.broadcast %get3A_30 : vector<1x128xf32> to vector<1024x128xf32>
    %add3A_32 = arith.addf %mul3A_27, %add3A_31 : vector<1024x128xf32>
    %swap3A = arith.constant 0 : index
    %swap3A_33 = arith.constant 0 : index
    %swap3A_34 = vector.load %arg5[%swap3A, %swap3A_33] : memref<1024x128xf32, #tpu.memory_space<vmem>>, vector<1024x128xf32>
    tpu.vector_store %arg5[%swap3A, %swap3A_33], %add3A_32 {strides = array<i32>} : memref<1024x128xf32, #tpu.memory_space<vmem>>, vector<1024x128xf32>,
    return
  }
  func.func @transform_0(%arg0: i32) -> (i32, i32, i32) {
    %c0_i32 = arith.constant 0 : i32
    %c0_i32_0 = arith.constant 0 : i32
    %c0_i32_1 = arith.constant 0 : i32
    return %c0_i32, %arg0, %c0_i32_0 : i32, i32, i32
  }
  func.func @transform_1(%arg0: i32) -> (i32, i32) {
    %c0_i32 = arith.constant 0 : i32
    %c0_i32_0 = arith.constant 0 : i32
    return %arg0, %c0_i32 : i32, i32
  }
  func.func @transform_2(%arg0: i32) -> (i32, i32, i32) {
    %c0_i32 = arith.constant 0 : i32
    %c0_i32_0 = arith.constant 0 : i32
    %c0_i32_1 = arith.constant 0 : i32
    return %c0_i32, %arg0, %c0_i32_0 : i32, i32, i32
  }
  func.func @transform_3(%arg0: i32) -> (i32, i32) {
    %c0_i32 = arith.constant 0 : i32
    %c0_i32_0 = arith.constant 0 : i32
    %c0_i32_1 = arith.constant 0 : i32
    return %c0_i32, %c0_i32_0 : i32, i32
  }
  func.func @transform_4(%arg0: i32) -> (i32, i32) {
    %c0_i32 = arith.constant 0 : i32
    %c0_i32_0 = arith.constant 0 : i32
    return %arg0, %c0_i32 : i32, i32
  }
}

</mosaic_0001>

<sc_bundles>
// kernel: kernel.12.cloned.1.call-start
scs
__scs_entry_jumppad:
0x0: {  	(pc) =	sbr.rel $0x88, $3  }
0x1: {  	(tag) =	ssettag $0x0;
	lr =	simm.s32 $0x1  }
0x2: {  	[smem:$0x3F9B] =	sst lr;
	_ =	strace $0xD0000000  }
0x3: {  	_ = 	snop  }
0x4: {  	_ = 	snop  }
0x5: {  	_ = 	snop  }
0x6: {  	_ = 	snop  }
0x7: {  	_ = 	snop  }
__scs_overlays_trampoline_lowered:
0x8: {  	[smem:$0x3FAA] =	sst s0  }
0x9: {  	[smem:$0x3FAB] =	sst s1  }
0xa: {  	[smem:$0x3FAC] =	sst s2  }
0xb: {  	[smem:$0x3FAD] =	sst s3  }
0xc: {  	[smem:$0x3FAE] =	sst s4  }
0xd: {  	[smem:$0x3FAF] =	sst s5  }
0xe: {  	[smem:$0x3FB0] =	sst s6  }
0xf: {  	[smem:$0x3FB1] =	sst s7  }
0x10: {  	[smem:$0x3FB2] =	sst s8  }
0x11: {  	[smem:$0x3FB3] =	sst s9;
	s0 =	simm.s32 @!p0 $0x0  }
0x12: {  	s1 =	sld [smem:$0x3F99];
	s0 =	simm.s32 @p0 $0x1  }
0x13: {  	[smem:$0x3FB4] =	sst s0;
	s0 =	simm.s32 @!p1 $0x0  }
0x14: {  	s2 =	sld [smem:$0x3F98];
	s0 =	simm.s32 @p1 $0x1  }
0x15: {  	[smem:$0x3FB5] =	sst s0;
	s0 =	simm.s32 @!p2 $0x0  }
0x16: {  	s3 =	sld [smem:$0x3FDB];
	s0 =	simm.s32 @p2 $0x1  }
0x17: {  	s4 =	simm.s32 $0x1BF5;
	[smem:$0x3FB7] =	sst s0  }
0x18: {  	s0 =	sld [smem:$0x3F9A];
	_ =	swait.ge [sflag:s4], $0x0  }
0x19: {  	s7 =	sld [smem:$0x3F9B]  }
0x1a: {  	s8 =	sadd.s32 $0xFFFFE003, lr  }
0x1b: {  	s9 =	sadd.s32 $0xFFFFFEF7, lr;
	s5 =	simm.s32 $0xFFFFFFFF;
	p2 =	slt.u32 s8, $0xFFFFF086  }
0x1c: {  	p1 =	slt.u32 s9, $0xF7A;
	s5 =	simm.s32 @!p2 $0x0  }
0x1d: {  	s5 =	simm.s32 @p1 $0x1;
	p0 =	seq.s32 s7, s2  }
0x1e: {  	s7 =	smul.u32 @!p0 $0xF7A, s2;
	p2 =	seq.s32 @!p0 s5, $0x0  }
0x1f: {  	s9 =	smul.u32 $0xF7A, s1;
	s8 =	simm.s32 @!p0 $0x1BF5;
	p2 =	por !p2, p0  }
0x20: {  	[sflag:s8] =	ssyncset.s32 @!p0 $0xFFFFF086;
	s6 =	sadd.s32 @!p0 s3, s7;
	s7 =	simm.s32 @!p0 $0x108  }
0x21: {  	s3 =	sadd.s32 s3, s9;
	s6 =	sadd.s32 @!p0 $0x88, s6;
	s7 =	simm.s32 @p2 $0x1082  }
0x22: {  	[simem:s7], [sflag:s8] =	dma.local @!p0 [hbm:s6], $0xF7A  }
0x23: {  	s9 =	sor.u32 $0xD0000000, s2;
	s6 =	simm.s32 $0x108;
	_ =	swait.ge @!p0 [sflag:s8], $0x0  }
0x24: {  	s3 =	sadd.s32 $0x88, s3;
	s6 =	simm.s32 @!p1 $0x1082;
	[sflag:s4] =	ssyncset.s32 $0xFFFFF086  }
0x25: {  	[simem:s6], [sflag:s4] =	dma.local [hbm:s3], $0xF7A  }
0x26: {  	[smem:$0x3F9B] =	sst s1;
	(tag) =	ssettag s2;
	_ =	strace s9  }
0x27: {  	s1 =	sld [smem:$0x3FAB]  }
0x28: {  	s2 =	sld [smem:$0x3FAC]  }
0x29: {  	s4 =	sld [smem:$0x3FAE]  }
0x2a: {  	p0 =	seq.s32 s5, $0x0;
	s5 =	sld [smem:$0x3FAF]  }
0x2b: {  	s6 =	sld [smem:$0x3FB0]  }
0x2c: {  	s7 =	sld [smem:$0x3FB1]  }
0x2d: {  	s3 =	simm.s32 $0x108;
	s8 =	sld [smem:$0x3FB2]  }
0x2e: {  	s3 =	simm.s32 @!p0 $0x1082;
	s9 =	sld [smem:$0x3FB3]  }
0x2f: {  	lr =	sadd.s32 s0, s3;
	s0 =	sld [smem:$0x3FAA]  }
0x30: {  	s3 =	sld [smem:$0x3FAD]  }
0x31: {  	[smem:$0x3FB6] =	sst s10  }
0x32: {  	s10 =	sld [smem:$0x3FB4];
	_ =	sdelay $0x3  }
0x33: {  	p0 =	seq.s32 s10, $0x1;
	s10 =	sld [smem:$0x3FB6];
	_ =	sdelay $0x3  }
0x34: {  	[smem:$0x3FB6] =	sst s10  }
0x35: {  	s10 =	sld [smem:$0x3FB5];
	_ =	sdelay $0x3  }
0x36: {  	p1 =	seq.s32 s10, $0x1;
	s10 =	sld [smem:$0x3FB6];
	_ =	sdelay $0x3  }
0x37: {  	[smem:$0x3FB6] =	sst s10  }
0x38: {  	s10 =	sld [smem:$0x3FB7]  }
0x39: {  	_ = 	snop;
	(pc) =	sbr.ind lr, $3  }
0x3a: {  	_ = 	snop  }
0x3b: {  	_ = 	snop  }
0x3c: {  	p2 =	seq.s32 s10, $0x1;
	s10 =	sld [smem:$0x3FB6]  }
0x3d: {  	_ =	shalt  }
0x3e: {  	_ =	shalt  }
0x3f: {  	_ =	shalt  }
0x40: {  	_ =	shalt  }
0x41: {  	_ =	shalt  }
0x42: {  	_ =	shalt  }
0x43: {  	_ =	shalt  }
0x44: {  	_ =	shalt  }
0x45: {  	_ =	shalt  }
0x46: {  	_ =	shalt  }
0x47: {  	_ =	shalt  }
0x48: {  	_ =	shalt  }
0x49: {  	_ =	shalt  }
0x4a: {  	_ =	shalt  }
0x4b: {  	_ =	shalt  }
0x4c: {  	_ =	shalt  }
0x4d: {  	_ =	shalt  }
0x4e: {  	_ =	shalt  }
0x4f: {  	_ =	shalt  }
0x50: {  	_ =	shalt  }
0x51: {  	_ =	shalt  }
0x52: {  	_ =	shalt  }
0x53: {  	_ =	shalt  }
0x54: {  	_ =	shalt  }
0x55: {  	_ =	shalt  }
0x56: {  	_ =	shalt  }
0x57: {  	_ =	shalt  }
0x58: {  	_ =	shalt  }
0x59: {  	_ =	shalt  }
0x5a: {  	_ =	shalt  }
0x5b: {  	_ =	shalt  }
0x5c: {  	_ =	shalt  }
0x5d: {  	_ =	shalt  }
0x5e: {  	_ =	shalt  }
0x5f: {  	_ =	shalt  }
0x60: {  	_ =	shalt  }
0x61: {  	_ =	shalt  }
0x62: {  	_ =	shalt  }
0x63: {  	_ =	shalt  }
0x64: {  	_ =	shalt  }
0x65: {  	_ =	shalt  }
0x66: {  	_ =	shalt  }
0x67: {  	_ =	shalt  }
0x68: {  	_ =	shalt  }
0x69: {  	_ =	shalt  }
0x6a: {  	_ =	shalt  }
0x6b: {  	_ =	shalt  }
0x6c: {  	_ =	shalt  }
0x6d: {  	_ =	shalt  }
0x6e: {  	_ =	shalt  }
0x6f: {  	_ =	shalt  }
0x70: {  	_ =	shalt  }
0x71: {  	_ =	shalt  }
0x72: {  	_ =	shalt  }
0x73: {  	_ =	shalt  }
0x74: {  	_ =	shalt  }
0x75: {  	_ =	shalt  }
0x76: {  	_ =	shalt  }
0x77: {  	_ =	shalt  }
0x78: {  	_ =	shalt  }
0x79: {  	_ =	shalt  }
0x7a: {  	_ =	shalt  }
0x7b: {  	_ =	shalt  }
0x7c: {  	_ =	shalt  }
0x7d: {  	_ =	shalt  }
0x7e: {  	_ =	shalt  }
0x7f: {  	_ =	shalt  }
0x80: {  	_ =	shalt  }
0x81: {  	_ =	shalt  }
0x82: {  	_ =	shalt  }
0x83: {  	_ =	shalt  }
0x84: {  	_ =	shalt  }
0x85: {  	_ =	shalt  }
0x86: {  	_ =	shalt  }
0x87: {  	_ =	shalt  }
.Lfunc_end0:
.L_simem_size_0:
called_computation.1_lowered:
.L_overlay_start_0:
0x88: {  	s2 =	sld [smem:$0x3FD9]  }
0x89: {  	s3 =	sld [smem:$0x3FFE];
	_ =	sdelay $0x1  }
0x8a: {  	s1 =	srdreg.scid  }
0x8b: {  	s0 =	sand.u32 $0x1, s1  }
0x8c: {  	s17 =	sshll.u32 s0, $0xA;
	s2 =	sadd.s32 s3, s2  }
0x8d: {  	s2 =	sadd.s32 s2, s17  }
0x8e: {  	[smem:$0x3FC2] =	sst s2  }
0x8f: {  	_ = 	snop  }
0x90: {  	s2 =	sld [smem:$0x3FD0];
	(tm) =	ssettm $0x1  }
0x91: {  	s18 =	sld [smem:$0x3FFB];
	_ =	sdelay $0x3  }
0x92: {  	_ =	strace s18  }
0x93: {  	s3 =	sld [smem:$0x3FFC];
	_ =	sdelay $0x3  }
0x94: {  	_ =	strace s3  }
0x95: {  	s3 =	sld [smem:$0x3FFD];
	_ =	sdelay $0x3  }
0x96: {  	_ =	strace s3  }
0x97: {  	_ =	strace $0x8FFFFFFF  }
0x98: {  	s19 =	sld [smem:$0x3FDB];
	_ =	sdelay $0x1  }
0x99: {  	s4 =	simm.s32 $_scs_section_size  }
0x9a: {  	s5 =	simm.s32 $_size__tile_overlayer_lowered;
	s6 =	simm.s32 $_tile_overlayer_lowered  }
0x9b: {  	s22 =	simm.s32 $0x1BFF;
	s21 =	sshll.u32 s6, $0x1;
	s3 =	sadd.s32 s4, s19  }
0x9c: {  	s7 =	simm.s32 $0x0;
	s20 =	sshll.u32 s5, $0x1;
	s5 =	sadd.s32 s21, s3  }
0x9d: {  	[timem:s7], [sflag:s22] =	dma.local [hbm:s5], s20  }
0x9e: {  	_ =	swait.ge [sflag:s22], s20  }
0x9f: {  	s4 =	ssub.s32 $0x0, s20;
	[sflag:s22] =	ssyncset.done $0x0  }
0xa0: {  	[sflag:s22] =	ssyncadd.s32 s4;
	_ =	sdelay $0x1  }
0xa1: {  	s23 =	simm.s32 $0x1B8B  }
0xa2: {  	_ =	swait.ge [sflag:s23], $0x1  }
0xa3: {  	[sflag:s23] =	ssyncset.done $0x0  }
0xa4: {  	s25 =	simm.s32 $0x1B8E;
	s24 =	sld [smem:$0x3FFE];
	[sflag:s23] =	ssyncadd.s32 $0xFFFFFFFF  }
0xa5: {  	s26 =	simm.s32 $execute0_lowered;
	[smem:$0x3FD2] =	sst s25  }
0xa6: {  	s5 =	sshll.u32 s26, $0x1;
	_ =	strace $0x80000049;
	[dreg:$0x1] =	wrdreg $0xFFFFFFFF  }
0xa7: {  	s28 =	simm.s32 $_size_execute0_lowered;
	s3 =	sadd.s32 s3, s5;
	[dreg:$0x0] =	wrdreg $0x0  }
0xa8: {  	s5 =	sshll.u32 s28, $0x1;
	[dreg:$0x2] =	wrdreg s3  }
0xa9: {  	[dreg:$0x3] =	wrdreg s5  }
0xaa: {  	[dreg:$0x4] =	wrdreg $0xC0  }
0xab: {  	_ =	task [dreg:s7], $0x5FFFF  }
0xac: {  	[dreg:$0x1] =	wrdreg $0xFFFFFFFF  }
0xad: {  	[dreg:$0x0] =	wrdreg $0x60  }
0xae: {  	[dreg:$0x2] =	wrdreg s24  }
0xaf: {  	[dreg:$0x3] =	wrdreg s2  }
0xb0: {  	[dreg:$0x4] =	wrdreg $0xBC000  }
0xb1: {  	[dreg:$0x5] =	wrdreg $0x9  }
0xb2: {  	_ =	task.clear_ibuf [dreg:s7], $0x6FFFF;
	_ =	strace $0x90000049  }
0xb3: {  	s29 =	simm.s32 $0x9;
	_ =	strace $0x8000004B  }
0xb4: {  	_ =	swait.ge [sflag:s29], $0x1  }
0xb5: {  	[sflag:s29] =	ssyncadd.s32 $0xFFFFFFFF  }
0xb6: {  	_ =	strace $0x9000004B  }
0xb7: {  	_ =	sfence  }
0xb8: {  	s30 =	sld [smem:$0x0];
	_ =	sdelay $0x2  }
0xb9: {  	s31 =	sshll.u32 s1, $0xD;
	s1 =	sshrl.u32 s1, $0x2  }
0xba: {  	s3 =	sand.u32 $0x4000, s31;
	s1 =	sadd.s32 s1, s30  }
0xbb: {  	s0 =	sor.u32 s3, s0;
	s1 =	sshll.u32 s1, $0x11  }
0xbc: {  	s0 =	sor.u32 s1, s0  }
0xbd: {  	s0 =	sadd.s32 $0x8F2B, s0  }
0xbe: {  	[sflag:s0] =	ssyncadd.remote.s32 $0x1  }
0xbf: {  	_ =	sfence.sel $0xFFFF  }
0xc0: {  	[dreg:$0x0] =	wrdreg $0xFFFFFFFF;
	(pc) =	sbr.abs _section_cstart, $3  }
0xc1: {  	[dreg:$0x1] =	wrdreg $0xFFFFFFFF  }
0xc2: {  	_ =	task.clear_ibuf [dreg:s7], $0x2FFFF;
	_ =	strace $0x9FFFFFFF  }
0xc3: {  	(tm) =	ssettm $0x7FFFFFFF  }
tec
execute0_lowered:
.L_overlay_start_1:
0x0: {  	(tag) =	ssettag $0x1  }
0x1: {  	s0 =	rddreg [dreg:$0x0]  }
0x2: {  	s1 =	rddreg [dreg:$0x1]  }
0x3: {  	s2 =	rddreg [dreg:$0x2];
	s12 =	stileid.u32  }
0x4: {  	s4 =	srdreg.scid;
	s3 =	simm.s32 $0x0;
	s14 =	simm.s32 $0x3  }
0x5: {  	s15 =	simm.s32 $0x80;
	s16 =	simm.s32 $0x3C00;
	s5 =	smul.u32 $0x14000, s12  }
0x6: {  	s18 =	simm.s32 $0x7C00;
	s29 =	simm.s32 $0x200;
	s9 =	smul.u32 $0x50000, s12  }
0x7: {  	s30 =	simm.s32 $0x300;
	s31 =	simm.s32 $0x280;
	s22 =	smul.u32 $0x7800, s12  }
0x8: {  	s17 =	simm.s32 $0x500;
	s7 =	sand.u32 $0x1, s4;
	s11 =	smul.u32 $0x2800, s12  }
0x9: {  	[smem:$0x7FF] =	sst s3;
	s4 =	sadd.s32 $0x84C00, s0;
	s24 =	smul.u32 $0xF00, s12  }
0xa: {  	s23 =	sshll.u32 s12, $0x6;
	s12 =	simm.s32 $0x400;
	s6 =	smul.u32 $0x140000, s7  }
0xb: {  	_ =	strace $0x8000004A;
	s19 =	ssub.s32 $0x2, s7;
	p0 =	seq.s32 s7, $0x1  }
0xc: {  	s8 =	sshrl.u32 s5, $0x3;
	s20 =	sshrl.u32 s19, $0x1;
	s21 =	sshrl.u32 s9, $0x2  }
0xd: {  	s25 =	sshrl.u32 s22, $0x3;
	s26 =	sshrl.u32 s11, $0x3;
	s22 =	simm.s32 $0x600  }
0xe: {  	s11 =	simm.s32 $0x680;
	s5 =	sadd.s32 s5, s6;
	s8 =	sadd.s32 s8, s0  }
0xf: {  	s10 =	ssub.s32 s19, s20;
	s13 =	sadd.s32 s21, s2;
	s6 =	sor.u32 $0x1C03, s23  }
0x10: {  	s7 =	sadd.s32 s1, s25;
	s19 =	simm.s32 $0x1;
	s21 =	simm.s32 $0x2  }
0x11: {  	s20 =	simm.s32 $0x480;
	s23 =	simm.s32 $0x580;
	s5 =	sshrl.u32 s5, $0x3  }
0x12: {  	s7 =	sadd.s32 $0x780, s7;
	s0 =	sadd.s32 s5, s0;
	s5 =	sadd.s32 $0xCC00, s8  }
.Ltmp0:
0x13: {  	s8 =	sadd.s32 s1, s24;
	s1 =	sadd.s32 s1, s26;
	(pc) =	sbr.rel .LBB2_1-.Ltmp0, $4  }
0x14: {  	[dreg:$0x5] =	wrdreg s7;
	s7 =	sshrl.u32 s13, $0x3;
	s24 =	simm.s32 $0x0  }
0x15: {  	s13 =	simm.s32 $0x0;
	[dreg:$0x4] =	wrdreg s8;
	s28 =	sadd.s32 $0xF000, s1  }
0x16: {  	s1 =	sadd.s32 $0xF280, s1;
	s0 =	sadd.s32 $0xACC00, s0;
	[dreg:$0x6] =	wrdreg s28  }
0x17: {  	[dreg:$0x7] =	wrdreg s1;
	s1 =	smax.u32 s10, $0x1;
	s10 =	simm.s32 $0x180  }
.LBB2_8:
0x18: {  	s8 =	rddreg [dreg:$0x6]  }
0x19: {  	[tilespmem:s3], [sflag:$0x3] =	stream.linear.gather [hbm4b:s8+s3], $0x1400, $0x38;
	[tilespmem:$0x1FC00] =	vst v63  }
0x1a: {  	_ =	swait.ge [sflag:s14], $0x1400  }
0x1b: {  	[sflag:s14] =	ssyncset.done $0x0  }
0x1c: {  	[sflag:s14] =	ssyncadd.s32 $0xFFFFEC00  }
0x1d: {  	[tilespmem:s16], [sflag:$0x1] =	stream.indirect.gather [hbm4b:s4+s15], $0x80, s3, s15, $0xb8;
	[tilespmem:$0x1FC00] =	vst v63  }
0x1e: {  	s28 =	simm.s32 $0x100  }
0x1f: {  	[tilespmem:s18], [sflag:$0x2] =	stream.indirect.gather [hbm4b:s4+s15], $0x80, s28, s15, $0xb8;
	[tilespmem:$0x1FC00] =	vst v63  }
0x20: {  	_ =	swait.ge [sflag:s19], $0x4000  }
0x21: {  	[sflag:s19] =	ssyncset.done $0x0  }
0x22: {  	[sflag:s19] =	ssyncadd.s32 $0xFFFFC000  }
0x23: {  	[spmem:s2] =	stream.indirect.scatter.add.f32 [tilespmem:s16], [sflag:$0x3], $0x80, s15, s15, $0xb8;
	[tilespmem:$0x1FC00] =	vst v63  }
0x24: {  	_ =	swait.ge [sflag:s14], $0x4000  }
0x25: {  	[sflag:s14] =	ssyncset.done $0x0  }
0x26: {  	[sflag:s14] =	ssyncadd.s32 $0xFFFFC000  }
0x27: {  	[tilespmem:s16], [sflag:$0x1] =	stream.indirect.gather [hbm4b:s4+s15], $0x80, s29, s15, $0xb8;
	[tilespmem:$0x1FC00] =	vst v63  }
0x28: {  	_ =	swait.ge [sflag:s21], $0x4000  }
0x29: {  	[sflag:s21] =	ssyncset.done $0x0  }
0x2a: {  	[sflag:s21] =	ssyncadd.s32 $0xFFFFC000  }
0x2b: {  	[spmem:s2] =	stream.indirect.scatter.add.f32 [tilespmem:s18], [sflag:$0x3], $0x80, s10, s15, $0xb8;
	[tilespmem:$0x1FC00] =	vst v63  }
0x2c: {  	_ =	swait.ge [sflag:s14], $0x4000  }
0x2d: {  	[sflag:s14] =	ssyncset.done $0x0  }
0x2e: {  	[sflag:s14] =	ssyncadd.s32 $0xFFFFC000  }
0x2f: {  	[tilespmem:s18], [sflag:$0x2] =	stream.indirect.gather [hbm4b:s4+s15], $0x80, s30, s15, $0xb8;
	[tilespmem:$0x1FC00] =	vst v63  }
0x30: {  	_ =	swait.ge [sflag:s19], $0x4000  }
0x31: {  	[sflag:s19] =	ssyncset.done $0x0  }
0x32: {  	[sflag:s19] =	ssyncadd.s32 $0xFFFFC000  }
0x33: {  	[spmem:s2] =	stream.indirect.scatter.add.f32 [tilespmem:s16], [sflag:$0x3], $0x80, s31, s15, $0xb8;
	[tilespmem:$0x1FC00] =	vst v63  }
0x34: {  	_ =	swait.ge [sflag:s14], $0x4000  }
0x35: {  	[sflag:s14] =	ssyncset.done $0x0  }
0x36: {  	[sflag:s14] =	ssyncadd.s32 $0xFFFFC000  }
0x37: {  	[tilespmem:s16], [sflag:$0x1] =	stream.indirect.gather [hbm4b:s4+s15], $0x80, s12, s15, $0xb8;
	[tilespmem:$0x1FC00] =	vst v63  }
0x38: {  	_ =	swait.ge [sflag:s21], $0x4000  }
0x39: {  	[sflag:s21] =	ssyncset.done $0x0  }
0x3a: {  	s3 =	simm.s32 $0x380;
	[sflag:s21] =	ssyncadd.s32 $0xFFFFC000  }
0x3b: {  	[spmem:s2] =	stream.indirect.scatter.add.f32 [tilespmem:s18], [sflag:$0x3], $0x80, s3, s15, $0xb8;
	[tilespmem:$0x1FC00] =	vst v63  }
0x3c: {  	_ =	swait.ge [sflag:s14], $0x4000  }
0x3d: {  	[sflag:s14] =	ssyncset.done $0x0  }
0x3e: {  	[sflag:s14] =	ssyncadd.s32 $0xFFFFC000  }
0x3f: {  	[tilespmem:s18], [sflag:$0x2] =	stream.indirect.gather [hbm4b:s4+s15], $0x80, s17, s15, $0xb8;
	[tilespmem:$0x1FC00] =	vst v63  }
0x40: {  	_ =	swait.ge [sflag:s19], $0x4000  }
0x41: {  	[sflag:s19] =	ssyncset.done $0x0  }
0x42: {  	[sflag:s19] =	ssyncadd.s32 $0xFFFFC000  }
0x43: {  	[spmem:s2] =	stream.indirect.scatter.add.f32 [tilespmem:s16], [sflag:$0x3], $0x80, s20, s15, $0xb8;
	[tilespmem:$0x1FC00] =	vst v63  }
0x44: {  	_ =	swait.ge [sflag:s14], $0x4000  }
0x45: {  	[sflag:s14] =	ssyncset.done $0x0  }
0x46: {  	[sflag:s14] =	ssyncadd.s32 $0xFFFFC000  }
0x47: {  	[tilespmem:s16], [sflag:$0x1] =	stream.indirect.gather [hbm4b:s4+s15], $0x80, s22, s15, $0xb8;
	[tilespmem:$0x1FC00] =	vst v63  }
0x48: {  	_ =	swait.ge [sflag:s21], $0x4000  }
0x49: {  	[sflag:s21] =	ssyncset.done $0x0  }
0x4a: {  	[sflag:s21] =	ssyncadd.s32 $0xFFFFC000  }
0x4b: {  	[spmem:s2] =	stream.indirect.scatter.add.f32 [tilespmem:s18], [sflag:$0x3], $0x80, s23, s15, $0xb8;
	[tilespmem:$0x1FC00] =	vst v63  }
0x4c: {  	_ =	swait.ge [sflag:s14], $0x4000  }
0x4d: {  	[sflag:s14] =	ssyncset.done $0x0  }
0x4e: {  	s25 =	simm.s32 $0x700;
	[sflag:s14] =	ssyncadd.s32 $0xFFFFC000  }
0x4f: {  	[tilespmem:s18], [sflag:$0x2] =	stream.indirect.gather [hbm4b:s4+s15], $0x80, s25, s15, $0xb8;
	[tilespmem:$0x1FC00] =	vst v63  }
0x50: {  	_ =	swait.ge [sflag:s19], $0x4000  }
0x51: {  	[sflag:s19] =	ssyncset.done $0x0  }
0x52: {  	[sflag:s19] =	ssyncadd.s32 $0xFFFFC000  }
0x53: {  	[spmem:s2] =	stream.indirect.scatter.add.f32 [tilespmem:s16], [sflag:$0x3], $0x80, s11, s15, $0xb8;
	[tilespmem:$0x1FC00] =	vst v63  }
0x54: {  	_ =	swait.ge [sflag:s14], $0x4000  }
0x55: {  	[sflag:s14] =	ssyncset.done $0x0  }
0x56: {  	s26 =	simm.s32 $0x800;
	[sflag:s14] =	ssyncadd.s32 $0xFFFFC000  }
0x57: {  	[tilespmem:s16], [sflag:$0x1] =	stream.indirect.gather [hbm4b:s4+s15], $0x80, s26, s15, $0xb8;
	[tilespmem:$0x1FC00] =	vst v63  }
0x58: {  	_ =	swait.ge [sflag:s21], $0x4000  }
0x59: {  	[sflag:s21] =	ssyncset.done $0x0  }
0x5a: {  	s9 =	simm.s32 $0x780;
	[sflag:s21] =	ssyncadd.s32 $0xFFFFC000  }
0x5b: {  	[spmem:s2] =	stream.indirect.scatter.add.f32 [tilespmem:s18], [sflag:$0x3], $0x80, s9, s15, $0xb8;
	[tilespmem:$0x1FC00] =	vst v63  }
0x5c: {  	_ =	swait.ge [sflag:s14], $0x4000  }
0x5d: {  	[sflag:s14] =	ssyncset.done $0x0  }
0x5e: {  	s25 =	simm.s32 $0x900;
	[sflag:s14] =	ssyncadd.s32 $0xFFFFC000  }
0x5f: {  	[tilespmem:s18], [sflag:$0x2] =	stream.indirect.gather [hbm4b:s4+s15], $0x80, s25, s15, $0xb8;
	[tilespmem:$0x1FC00] =	vst v63  }
0x60: {  	_ =	swait.ge [sflag:s19], $0x4000  }
0x61: {  	[sflag:s19] =	ssyncset.done $0x0  }
0x62: {  	s26 =	simm.s32 $0x880;
	[sflag:s19] =	ssyncadd.s32 $0xFFFFC000  }
0x63: {  	[spmem:s2] =	stream.indirect.scatter.add.f32 [tilespmem:s16], [sflag:$0x3], $0x80, s26, s15, $0xb8;
	[tilespmem:$0x1FC00] =	vst v63  }
0x64: {  	_ =	swait.ge [sflag:s14], $0x4000  }
0x65: {  	[sflag:s14] =	ssyncset.done $0x0  }
0x66: {  	s9 =	simm.s32 $0xA00;
	[sflag:s14] =	ssyncadd.s32 $0xFFFFC000  }
0x67: {  	[tilespmem:s16], [sflag:$0x1] =	stream.indirect.gather [hbm4b:s4+s15], $0x80, s9, s15, $0xb8;
	[tilespmem:$0x1FC00] =	vst v63  }
0x68: {  	_ =	swait.ge [sflag:s21], $0x4000  }
0x69: {  	[sflag:s21] =	ssyncset.done $0x0  }
0x6a: {  	s25 =	simm.s32 $0x980;
	[sflag:s21] =	ssyncadd.s32 $0xFFFFC000  }
0x6b: {  	[spmem:s2] =	stream.indirect.scatter.add.f32 [tilespmem:s18], [sflag:$0x3], $0x80, s25, s15, $0xb8;
	[tilespmem:$0x1FC00] =	vst v63  }
0x6c: {  	_ =	swait.ge [sflag:s14], $0x4000  }
0x6d: {  	[sflag:s14] =	ssyncset.done $0x0  }
0x6e: {  	s26 =	simm.s32 $0xB00;
	[sflag:s14] =	ssyncadd.s32 $0xFFFFC000  }
0x6f: {  	[tilespmem:s18], [sflag:$0x2] =	stream.indirect.gather [hbm4b:s4+s15], $0x80, s26, s15, $0xb8;
	[tilespmem:$0x1FC00] =	vst v63  }
0x70: {  	_ =	swait.ge [sflag:s19], $0x4000  }
0x71: {  	[sflag:s19] =	ssyncset.done $0x0  }
0x72: {  	s9 =	simm.s32 $0xA80;
	[sflag:s19] =	ssyncadd.s32 $0xFFFFC000  }
0x73: {  	[spmem:s2] =	stream.indirect.scatter.add.f32 [tilespmem:s16], [sflag:$0x3], $0x80, s9, s15, $0xb8;
	[tilespmem:$0x1FC00] =	vst v63  }
0x74: {  	_ =	swait.ge [sflag:s14], $0x4000  }
0x75: {  	[sflag:s14] =	ssyncset.done $0x0  }
0x76: {  	s25 =	simm.s32 $0xC00;
	[sflag:s14] =	ssyncadd.s32 $0xFFFFC000  }
0x77: {  	[tilespmem:s16], [sflag:$0x1] =	stream.indirect.gather [hbm4b:s4+s15], $0x80, s25, s15, $0xb8;
	[tilespmem:$0x1FC00] =	vst v63  }
0x78: {  	_ =	swait.ge [sflag:s21], $0x4000  }
0x79: {  	[sflag:s21] =	ssyncset.done $0x0  }
0x7a: {  	s26 =	simm.s32 $0xB80;
	[sflag:s21] =	ssyncadd.s32 $0xFFFFC000  }
0x7b: {  	[spmem:s2] =	stream.indirect.scatter.add.f32 [tilespmem:s18], [sflag:$0x3], $0x80, s26, s15, $0xb8;
	[tilespmem:$0x1FC00] =	vst v63  }
0x7c: {  	_ =	swait.ge [sflag:s14], $0x4000  }
0x7d: {  	[sflag:s14] =	ssyncset.done $0x0  }
0x7e: {  	s9 =	simm.s32 $0xD00;
	[sflag:s14] =	ssyncadd.s32 $0xFFFFC000  }
0x7f: {  	[tilespmem:s18], [sflag:$0x2] =	stream.indirect.gather [hbm4b:s4+s15], $0x80, s9, s15, $0xb8;
	[tilespmem:$0x1FC00] =	vst v63  }
0x80: {  	_ =	swait.ge [sflag:s19], $0x4000  }
0x81: {  	[sflag:s19] =	ssyncset.done $0x0  }
0x82: {  	s25 =	simm.s32 $0xC80;
	[sflag:s19] =	ssyncadd.s32 $0xFFFFC000  }
0x83: {  	[spmem:s2] =	stream.indirect.scatter.add.f32 [tilespmem:s16], [sflag:$0x3], $0x80, s25, s15, $0xb8;
	[tilespmem:$0x1FC00] =	vst v63  }
0x84: {  	_ =	swait.ge [sflag:s14], $0x4000  }
0x85: {  	[sflag:s14] =	ssyncset.done $0x0  }
0x86: {  	s26 =	simm.s32 $0xE00;
	[sflag:s14] =	ssyncadd.s32 $0xFFFFC000  }
0x87: {  	[tilespmem:s16], [sflag:$0x1] =	stream.indirect.gather [hbm4b:s4+s15], $0x80, s26, s15, $0xb8;
	[tilespmem:$0x1FC00] =	vst v63  }
0x88: {  	_ =	swait.ge [sflag:s21], $0x4000  }
0x89: {  	[sflag:s21] =	ssyncset.done $0x0  }
0x8a: {  	s9 =	simm.s32 $0xD80;
	[sflag:s21] =	ssyncadd.s32 $0xFFFFC000  }
0x8b: {  	[spmem:s2] =	stream.indirect.scatter.add.f32 [tilespmem:s18], [sflag:$0x3], $0x80, s9, s15, $0xb8;
	[tilespmem:$0x1FC00] =	vst v63  }
0x8c: {  	_ =	swait.ge [sflag:s14], $0x4000  }
0x8d: {  	[sflag:s14] =	ssyncset.done $0x0  }
0x8e: {  	s25 =	simm.s32 $0xF00;
	[sflag:s14] =	ssyncadd.s32 $0xFFFFC000  }
0x8f: {  	[tilespmem:s18], [sflag:$0x2] =	stream.indirect.gather [hbm4b:s4+s15], $0x80, s25, s15, $0xb8;
	[tilespmem:$0x1FC00] =	vst v63  }
0x90: {  	_ =	swait.ge [sflag:s19], $0x4000  }
0x91: {  	[sflag:s19] =	ssyncset.done $0x0  }
0x92: {  	s26 =	simm.s32 $0xE80;
	[sflag:s19] =	ssyncadd.s32 $0xFFFFC000  }
0x93: {  	[spmem:s2] =	stream.indirect.scatter.add.f32 [tilespmem:s16], [sflag:$0x3], $0x80, s26, s15, $0xb8;
	[tilespmem:$0x1FC00] =	vst v63  }
0x94: {  	_ =	swait.ge [sflag:s14], $0x4000  }
0x95: {  	[sflag:s14] =	ssyncset.done $0x0  }
0x96: {  	s9 =	simm.s32 $0x1000;
	[sflag:s14] =	ssyncadd.s32 $0xFFFFC000  }
0x97: {  	[tilespmem:s16], [sflag:$0x1] =	stream.indirect.gather [hbm4b:s4+s15], $0x80, s9, s15, $0xb8;
	[tilespmem:$0x1FC00] =	vst v63  }
0x98: {  	_ =	swait.ge [sflag:s21], $0x4000  }
0x99: {  	[sflag:s21] =	ssyncset.done $0x0  }
0x9a: {  	s25 =	simm.s32 $0xF80;
	[sflag:s21] =	ssyncadd.s32 $0xFFFFC000  }
0x9b: {  	[spmem:s2] =	stream.indirect.scatter.add.f32 [tilespmem:s18], [sflag:$0x3], $0x80, s25, s15, $0xb8;
	[tilespmem:$0x1FC00] =	vst v63  }
0x9c: {  	_ =	swait.ge [sflag:s14], $0x4000  }
0x9d: {  	[sflag:s14] =	ssyncset.done $0x0  }
0x9e: {  	s26 =	simm.s32 $0x1100;
	[sflag:s14] =	ssyncadd.s32 $0xFFFFC000  }
0x9f: {  	[tilespmem:s18], [sflag:$0x2] =	stream.indirect.gather [hbm4b:s4+s15], $0x80, s26, s15, $0xb8;
	[tilespmem:$0x1FC00] =	vst v63  }
0xa0: {  	_ =	swait.ge [sflag:s19], $0x4000  }
0xa1: {  	[sflag:s19] =	ssyncset.done $0x0  }
0xa2: {  	s9 =	simm.s32 $0x1080;
	[sflag:s19] =	ssyncadd.s32 $0xFFFFC000  }
0xa3: {  	[spmem:s2] =	stream.indirect.scatter.add.f32 [tilespmem:s16], [sflag:$0x3], $0x80, s9, s15, $0xb8;
	[tilespmem:$0x1FC00] =	vst v63  }
0xa4: {  	_ =	swait.ge [sflag:s14], $0x4000  }
0xa5: {  	[sflag:s14] =	ssyncset.done $0x0  }
0xa6: {  	s25 =	simm.s32 $0x1200;
	[sflag:s14] =	ssyncadd.s32 $0xFFFFC000  }
0xa7: {  	[tilespmem:s16], [sflag:$0x1] =	stream.indirect.gather [hbm4b:s4+s15], $0x80, s25, s15, $0xb8;
	[tilespmem:$0x1FC00] =	vst v63  }
0xa8: {  	_ =	swait.ge [sflag:s21], $0x4000  }
0xa9: {  	[sflag:s21] =	ssyncset.done $0x0  }
0xaa: {  	s26 =	simm.s32 $0x1180;
	[sflag:s21] =	ssyncadd.s32 $0xFFFFC000  }
0xab: {  	[spmem:s2] =	stream.indirect.scatter.add.f32 [tilespmem:s18], [sflag:$0x3], $0x80, s26, s15, $0xb8;
	[tilespmem:$0x1FC00] =	vst v63  }
0xac: {  	_ =	swait.ge [sflag:s14], $0x4000  }
0xad: {  	[sflag:s14] =	ssyncset.done $0x0  }
0xae: {  	s25 =	simm.s32 $0x1300;
	[sflag:s14] =	ssyncadd.s32 $0xFFFFC000  }
0xaf: {  	[tilespmem:s18], [sflag:$0x2] =	stream.indirect.gather [hbm4b:s4+s15], $0x80, s25, s15, $0xb8;
	[tilespmem:$0x1FC00] =	vst v63  }
0xb0: {  	_ =	swait.ge [sflag:s19], $0x4000  }
0xb1: {  	[sflag:s19] =	ssyncset.done $0x0  }
0xb2: {  	s26 =	simm.s32 $0x1280;
	[sflag:s19] =	ssyncadd.s32 $0xFFFFC000  }
0xb3: {  	[spmem:s2] =	stream.indirect.scatter.add.f32 [tilespmem:s16], [sflag:$0x3], $0x80, s26, s15, $0xb8;
	[tilespmem:$0x1FC00] =	vst v63  }
0xb4: {  	_ =	swait.ge [sflag:s14], $0x4000  }
0xb5: {  	[sflag:s14] =	ssyncset.done $0x0  }
0xb6: {  	[sflag:s14] =	ssyncadd.s32 $0xFFFFC000  }
0xb7: {  	_ =	swait.ge [sflag:s21], $0x4000  }
0xb8: {  	[sflag:s21] =	ssyncset.done $0x0  }
0xb9: {  	s8 =	simm.s32 $0x1380;
	[sflag:s21] =	ssyncadd.s32 $0xFFFFC000  }
0xba: {  	[spmem:s2] =	stream.indirect.scatter.add.f32 [tilespmem:s18], [sflag:$0x3], $0x80, s8, s15, $0xb8;
	[tilespmem:$0x1FC00] =	vst v63  }
0xbb: {  	_ =	swait.ge [sflag:s14], $0x4000  }
0xbc: {  	[sflag:s14] =	ssyncset.done $0x0  }
0xbd: {  	s9 =	rddreg [dreg:$0x7];
	[sflag:s14] =	ssyncadd.s32 $0xFFFFC000  }
0xbe: {  	[tilespmem:s13], [sflag:$0x3] =	stream.linear.gather [hbm4b:s9+s13], $0x1400, $0x38;
	[tilespmem:$0x1FC00] =	vst v63  }
0xbf: {  	_ =	swait.ge [sflag:s14], $0x1400  }
0xc0: {  	[sflag:s14] =	ssyncset.done $0x0  }
0xc1: {  	[sflag:s14] =	ssyncadd.s32 $0xFFFFEC00  }
0xc2: {  	[tilespmem:s16], [sflag:$0x1] =	stream.indirect.gather [hbm4b:s4+s15], $0x80, s13, s15, $0xb8;
	[tilespmem:$0x1FC00] =	vst v63  }
0xc3: {  	_ = 	snop  }
0xc4: {  	[tilespmem:s18], [sflag:$0x2] =	stream.indirect.gather [hbm4b:s4+s15], $0x80, s28, s15, $0xb8;
	[tilespmem:$0x1FC00] =	vst v63  }
0xc5: {  	_ =	swait.ge [sflag:s19], $0x4000  }
0xc6: {  	[sflag:s19] =	ssyncset.done $0x0  }
0xc7: {  	[sflag:s19] =	ssyncadd.s32 $0xFFFFC000  }
0xc8: {  	[spmem:s2] =	stream.indirect.scatter.add.f32 [tilespmem:s16], [sflag:$0x3], $0x80, s15, s15, $0xb8;
	[tilespmem:$0x1FC00] =	vst v63  }
0xc9: {  	_ =	swait.ge [sflag:s14], $0x4000  }
0xca: {  	[sflag:s14] =	ssyncset.done $0x0  }
0xcb: {  	[sflag:s14] =	ssyncadd.s32 $0xFFFFC000  }
0xcc: {  	[tilespmem:s16], [sflag:$0x1] =	stream.indirect.gather [hbm4b:s4+s15], $0x80, s29, s15, $0xb8;
	[tilespmem:$0x1FC00] =	vst v63  }
0xcd: {  	_ =	swait.ge [sflag:s21], $0x4000  }
0xce: {  	[sflag:s21] =	ssyncset.done $0x0  }
0xcf: {  	[sflag:s21] =	ssyncadd.s32 $0xFFFFC000  }
0xd0: {  	[spmem:s2] =	stream.indirect.scatter.add.f32 [tilespmem:s18], [sflag:$0x3], $0x80, s10, s15, $0xb8;
	[tilespmem:$0x1FC00] =	vst v63  }
0xd1: {  	_ =	swait.ge [sflag:s14], $0x4000  }
0xd2: {  	[sflag:s14] =	ssyncset.done $0x0  }
0xd3: {  	[sflag:s14] =	ssyncadd.s32 $0xFFFFC000  }
0xd4: {  	[tilespmem:s18], [sflag:$0x2] =	stream.indirect.gather [hbm4b:s4+s15], $0x80, s30, s15, $0xb8;
	[tilespmem:$0x1FC00] =	vst v63  }
0xd5: {  	_ =	swait.ge [sflag:s19], $0x4000  }
0xd6: {  	[sflag:s19] =	ssyncset.done $0x0  }
0xd7: {  	[sflag:s19] =	ssyncadd.s32 $0xFFFFC000  }
0xd8: {  	[spmem:s2] =	stream.indirect.scatter.add.f32 [tilespmem:s16], [sflag:$0x3], $0x80, s31, s15, $0xb8;
	[tilespmem:$0x1FC00] =	vst v63  }
0xd9: {  	_ =	swait.ge [sflag:s14], $0x4000  }
0xda: {  	[sflag:s14] =	ssyncset.done $0x0  }
0xdb: {  	[sflag:s14] =	ssyncadd.s32 $0xFFFFC000  }
0xdc: {  	[tilespmem:s16], [sflag:$0x1] =	stream.indirect.gather [hbm4b:s4+s15], $0x80, s12, s15, $0xb8;
	[tilespmem:$0x1FC00] =	vst v63  }
0xdd: {  	_ =	swait.ge [sflag:s21], $0x4000  }
0xde: {  	[sflag:s21] =	ssyncset.done $0x0  }
0xdf: {  	[sflag:s21] =	ssyncadd.s32 $0xFFFFC000  }
0xe0: {  	[spmem:s2] =	stream.indirect.scatter.add.f32 [tilespmem:s18], [sflag:$0x3], $0x80, s3, s15, $0xb8;
	[tilespmem:$0x1FC00] =	vst v63  }
0xe1: {  	_ =	swait.ge [sflag:s14], $0x4000  }
0xe2: {  	[sflag:s14] =	ssyncset.done $0x0  }
0xe3: {  	[sflag:s14] =	ssyncadd.s32 $0xFFFFC000  }
0xe4: {  	[tilespmem:s18], [sflag:$0x2] =	stream.indirect.gather [hbm4b:s4+s15], $0x80, s17, s15, $0xb8;
	[tilespmem:$0x1FC00] =	vst v63  }
0xe5: {  	_ =	swait.ge [sflag:s19], $0x4000  }
0xe6: {  	[sflag:s19] =	ssyncset.done $0x0  }
0xe7: {  	[sflag:s19] =	ssyncadd.s32 $0xFFFFC000  }
0xe8: {  	[spmem:s2] =	stream.indirect.scatter.add.f32 [tilespmem:s16], [sflag:$0x3], $0x80, s20, s15, $0xb8;
	[tilespmem:$0x1FC00] =	vst v63  }
0xe9: {  	_ =	swait.ge [sflag:s14], $0x4000  }
0xea: {  	[sflag:s14] =	ssyncset.done $0x0  }
0xeb: {  	[sflag:s14] =	ssyncadd.s32 $0xFFFFC000  }
0xec: {  	[tilespmem:s16], [sflag:$0x1] =	stream.indirect.gather [hbm4b:s4+s15], $0x80, s22, s15, $0xb8;
	[tilespmem:$0x1FC00] =	vst v63  }
0xed: {  	_ =	swait.ge [sflag:s21], $0x4000  }
0xee: {  	[sflag:s21] =	ssyncset.done $0x0  }
0xef: {  	[sflag:s21] =	ssyncadd.s32 $0xFFFFC000  }
0xf0: {  	[spmem:s2] =	stream.indirect.scatter.add.f32 [tilespmem:s18], [sflag:$0x3], $0x80, s23, s15, $0xb8;
	[tilespmem:$0x1FC00] =	vst v63  }
0xf1: {  	_ =	swait.ge [sflag:s14], $0x4000  }
0xf2: {  	[sflag:s14] =	ssyncset.done $0x0  }
0xf3: {  	s28 =	simm.s32 $0x700;
	[sflag:s14] =	ssyncadd.s32 $0xFFFFC000  }
0xf4: {  	[tilespmem:s18], [sflag:$0x2] =	stream.indirect.gather [hbm4b:s4+s15], $0x80, s28, s15, $0xb8;
	[tilespmem:$0x1FC00] =	vst v63  }
0xf5: {  	_ =	swait.ge [sflag:s19], $0x4000  }
0xf6: {  	[sflag:s19] =	ssyncset.done $0x0  }
0xf7: {  	[sflag:s19] =	ssyncadd.s32 $0xFFFFC000  }
0xf8: {  	[spmem:s2] =	stream.indirect.scatter.add.f32 [tilespmem:s16], [sflag:$0x3], $0x80, s11, s15, $0xb8;
	[tilespmem:$0x1FC00] =	vst v63  }
0xf9: {  	_ =	swait.ge [sflag:s14], $0x4000  }
0xfa: {  	[sflag:s14] =	ssyncset.done $0x0  }
0xfb: {  	s28 =	simm.s32 $0x800;
	[sflag:s14] =	ssyncadd.s32 $0xFFFFC000  }
0xfc: {  	[tilespmem:s16], [sflag:$0x1] =	stream.indirect.gather [hbm4b:s4+s15], $0x80, s28, s15, $0xb8;
	[tilespmem:$0x1FC00] =	vst v63  }
0xfd: {  	_ =	swait.ge [sflag:s21], $0x4000  }
0xfe: {  	[sflag:s21] =	ssyncset.done $0x0  }
0xff: {  	s28 =	simm.s32 $0x780;
	[sflag:s21] =	ssyncadd.s32 $0xFFFFC000  }
0x100: {  	[spmem:s2] =	stream.indirect.scatter.add.f32 [tilespmem:s18], [sflag:$0x3], $0x80, s28, s15, $0xb8;
	[tilespmem:$0x1FC00] =	vst v63  }
0x101: {  	_ =	swait.ge [sflag:s14], $0x4000  }
0x102: {  	[sflag:s14] =	ssyncset.done $0x0  }
0x103: {  	s28 =	simm.s32 $0x900;
	[sflag:s14] =	ssyncadd.s32 $0xFFFFC000  }
0x104: {  	[tilespmem:s18], [sflag:$0x2] =	stream.indirect.gather [hbm4b:s4+s15], $0x80, s28, s15, $0xb8;
	[tilespmem:$0x1FC00] =	vst v63  }
0x105: {  	_ =	swait.ge [sflag:s19], $0x4000  }
0x106: {  	[sflag:s19] =	ssyncset.done $0x0  }
0x107: {  	s28 =	simm.s32 $0x880;
	[sflag:s19] =	ssyncadd.s32 $0xFFFFC000  }
0x108: {  	[spmem:s2] =	stream.indirect.scatter.add.f32 [tilespmem:s16], [sflag:$0x3], $0x80, s28, s15, $0xb8;
	[tilespmem:$0x1FC00] =	vst v63  }
0x109: {  	_ =	swait.ge [sflag:s14], $0x4000  }
0x10a: {  	[sflag:s14] =	ssyncset.done $0x0  }
0x10b: {  	s28 =	simm.s32 $0xA00;
	[sflag:s14] =	ssyncadd.s32 $0xFFFFC000  }
0x10c: {  	[tilespmem:s16], [sflag:$0x1] =	stream.indirect.gather [hbm4b:s4+s15], $0x80, s28, s15, $0xb8;
	[tilespmem:$0x1FC00] =	vst v63  }
0x10d: {  	_ =	swait.ge [sflag:s21], $0x4000  }
0x10e: {  	[sflag:s21] =	ssyncset.done $0x0  }
0x10f: {  	s28 =	simm.s32 $0x980;
	[sflag:s21] =	ssyncadd.s32 $0xFFFFC000  }
0x110: {  	[spmem:s2] =	stream.indirect.scatter.add.f32 [tilespmem:s18], [sflag:$0x3], $0x80, s28, s15, $0xb8;
	[tilespmem:$0x1FC00] =	vst v63  }
0x111: {  	_ =	swait.ge [sflag:s14], $0x4000  }
0x112: {  	[sflag:s14] =	ssyncset.done $0x0  }
0x113: {  	s28 =	simm.s32 $0xB00;
	[sflag:s14] =	ssyncadd.s32 $0xFFFFC000  }
0x114: {  	[tilespmem:s18], [sflag:$0x2] =	stream.indirect.gather [hbm4b:s4+s15], $0x80, s28, s15, $0xb8;
	[tilespmem:$0x1FC00] =	vst v63  }
0x115: {  	_ =	swait.ge [sflag:s19], $0x4000  }
0x116: {  	[sflag:s19] =	ssyncset.done $0x0  }
0x117: {  	s28 =	simm.s32 $0xA80;
	[sflag:s19] =	ssyncadd.s32 $0xFFFFC000  }
0x118: {  	[spmem:s2] =	stream.indirect.scatter.add.f32 [tilespmem:s16], [sflag:$0x3], $0x80, s28, s15, $0xb8;
	[tilespmem:$0x1FC00] =	vst v63  }
0x119: {  	_ =	swait.ge [sflag:s14], $0x4000  }
0x11a: {  	[sflag:s14] =	ssyncset.done $0x0  }
0x11b: {  	s28 =	simm.s32 $0xC00;
	[sflag:s14] =	ssyncadd.s32 $0xFFFFC000  }
0x11c: {  	[tilespmem:s16], [sflag:$0x1] =	stream.indirect.gather [hbm4b:s4+s15], $0x80, s28, s15, $0xb8;
	[tilespmem:$0x1FC00] =	vst v63  }
0x11d: {  	_ =	swait.ge [sflag:s21], $0x4000  }
0x11e: {  	[sflag:s21] =	ssyncset.done $0x0  }
0x11f: {  	s28 =	simm.s32 $0xB80;
	[sflag:s21] =	ssyncadd.s32 $0xFFFFC000  }
0x120: {  	[spmem:s2] =	stream.indirect.scatter.add.f32 [tilespmem:s18], [sflag:$0x3], $0x80, s28, s15, $0xb8;
	[tilespmem:$0x1FC00] =	vst v63  }
0x121: {  	_ =	swait.ge [sflag:s14], $0x4000  }
0x122: {  	[sflag:s14] =	ssyncset.done $0x0  }
0x123: {  	s28 =	simm.s32 $0xD00;
	[sflag:s14] =	ssyncadd.s32 $0xFFFFC000  }
0x124: {  	[tilespmem:s18], [sflag:$0x2] =	stream.indirect.gather [hbm4b:s4+s15], $0x80, s28, s15, $0xb8;
	[tilespmem:$0x1FC00] =	vst v63  }
0x125: {  	_ =	swait.ge [sflag:s19], $0x4000  }
0x126: {  	[sflag:s19] =	ssyncset.done $0x0  }
0x127: {  	s28 =	simm.s32 $0xC80;
	[sflag:s19] =	ssyncadd.s32 $0xFFFFC000  }
0x128: {  	[spmem:s2] =	stream.indirect.scatter.add.f32 [tilespmem:s16], [sflag:$0x3], $0x80, s28, s15, $0xb8;
	[tilespmem:$0x1FC00] =	vst v63  }
0x129: {  	_ =	swait.ge [sflag:s14], $0x4000  }
0x12a: {  	[sflag:s14] =	ssyncset.done $0x0  }
0x12b: {  	s28 =	simm.s32 $0xE00;
	[sflag:s14] =	ssyncadd.s32 $0xFFFFC000  }
0x12c: {  	[tilespmem:s16], [sflag:$0x1] =	stream.indirect.gather [hbm4b:s4+s15], $0x80, s28, s15, $0xb8;
	[tilespmem:$0x1FC00] =	vst v63  }
0x12d: {  	_ =	swait.ge [sflag:s21], $0x4000  }
0x12e: {  	[sflag:s21] =	ssyncset.done $0x0  }
0x12f: {  	s28 =	simm.s32 $0xD80;
	[sflag:s21] =	ssyncadd.s32 $0xFFFFC000  }
0x130: {  	[spmem:s2] =	stream.indirect.scatter.add.f32 [tilespmem:s18], [sflag:$0x3], $0x80, s28, s15, $0xb8;
	[tilespmem:$0x1FC00] =	vst v63  }
0x131: {  	_ =	swait.ge [sflag:s14], $0x4000  }
0x132: {  	[sflag:s14] =	ssyncset.done $0x0  }
0x133: {  	s28 =	simm.s32 $0xF00;
	[sflag:s14] =	ssyncadd.s32 $0xFFFFC000  }
0x134: {  	[tilespmem:s18], [sflag:$0x2] =	stream.indirect.gather [hbm4b:s4+s15], $0x80, s28, s15, $0xb8;
	[tilespmem:$0x1FC00] =	vst v63  }
0x135: {  	_ =	swait.ge [sflag:s19], $0x4000  }
0x136: {  	[sflag:s19] =	ssyncset.done $0x0  }
0x137: {  	s28 =	simm.s32 $0xE80;
	[sflag:s19] =	ssyncadd.s32 $0xFFFFC000  }
0x138: {  	[spmem:s2] =	stream.indirect.scatter.add.f32 [tilespmem:s16], [sflag:$0x3], $0x80, s28, s15, $0xb8;
	[tilespmem:$0x1FC00] =	vst v63  }
0x139: {  	_ =	swait.ge [sflag:s14], $0x4000  }
0x13a: {  	[sflag:s14] =	ssyncset.done $0x0  }
0x13b: {  	s28 =	simm.s32 $0x1000;
	[sflag:s14] =	ssyncadd.s32 $0xFFFFC000  }
0x13c: {  	[tilespmem:s16], [sflag:$0x1] =	stream.indirect.gather [hbm4b:s4+s15], $0x80, s28, s15, $0xb8;
	[tilespmem:$0x1FC00] =	vst v63  }
0x13d: {  	_ =	swait.ge [sflag:s21], $0x4000  }
0x13e: {  	[sflag:s21] =	ssyncset.done $0x0  }
0x13f: {  	s28 =	simm.s32 $0xF80;
	[sflag:s21] =	ssyncadd.s32 $0xFFFFC000  }
0x140: {  	[spmem:s2] =	stream.indirect.scatter.add.f32 [tilespmem:s18], [sflag:$0x3], $0x80, s28, s15, $0xb8;
	[tilespmem:$0x1FC00] =	vst v63  }
0x141: {  	_ =	swait.ge [sflag:s14], $0x4000  }
0x142: {  	[sflag:s14] =	ssyncset.done $0x0  }
0x143: {  	s28 =	simm.s32 $0x1100;
	[sflag:s14] =	ssyncadd.s32 $0xFFFFC000  }
0x144: {  	[tilespmem:s18], [sflag:$0x2] =	stream.indirect.gather [hbm4b:s4+s15], $0x80, s28, s15, $0xb8;
	[tilespmem:$0x1FC00] =	vst v63  }
0x145: {  	_ =	swait.ge [sflag:s19], $0x4000  }
0x146: {  	[sflag:s19] =	ssyncset.done $0x0  }
0x147: {  	s28 =	simm.s32 $0x1080;
	[sflag:s19] =	ssyncadd.s32 $0xFFFFC000  }
0x148: {  	[spmem:s2] =	stream.indirect.scatter.add.f32 [tilespmem:s16], [sflag:$0x3], $0x80, s28, s15, $0xb8;
	[tilespmem:$0x1FC00] =	vst v63  }
0x149: {  	_ =	swait.ge [sflag:s14], $0x4000  }
0x14a: {  	[sflag:s14] =	ssyncset.done $0x0  }
0x14b: {  	s28 =	simm.s32 $0x1200;
	[sflag:s14] =	ssyncadd.s32 $0xFFFFC000  }
0x14c: {  	[tilespmem:s16], [sflag:$0x1] =	stream.indirect.gather [hbm4b:s4+s15], $0x80, s28, s15, $0xb8;
	[tilespmem:$0x1FC00] =	vst v63  }
0x14d: {  	_ =	swait.ge [sflag:s21], $0x4000  }
0x14e: {  	[sflag:s21] =	ssyncset.done $0x0  }
0x14f: {  	s28 =	simm.s32 $0x1180;
	[sflag:s21] =	ssyncadd.s32 $0xFFFFC000  }
0x150: {  	[spmem:s2] =	stream.indirect.scatter.add.f32 [tilespmem:s18], [sflag:$0x3], $0x80, s28, s15, $0xb8;
	[tilespmem:$0x1FC00] =	vst v63  }
0x151: {  	_ =	swait.ge [sflag:s14], $0x4000  }
0x152: {  	[sflag:s14] =	ssyncset.done $0x0  }
0x153: {  	s3 =	simm.s32 $0x0;
	[sflag:s14] =	ssyncadd.s32 $0xFFFFC000  }
.LBB2_9:
0x154: {  	[tilespmem:s18], [sflag:$0x2] =	stream.indirect.gather [hbm4b:s4+s15], $0x80, s25, s15, $0xb8;
	[tilespmem:$0x1FC00] =	vst v63  }
0x155: {  	_ =	swait.ge [sflag:s19], $0x4000  }
0x156: {  	[sflag:s19] =	ssyncset.done $0x0  }
0x157: {  	[sflag:s19] =	ssyncadd.s32 $0xFFFFC000  }
0x158: {  	[spmem:s2] =	stream.indirect.scatter.add.f32 [tilespmem:s16], [sflag:$0x3], $0x80, s26, s15, $0xb8;
	[tilespmem:$0x1FC00] =	vst v63  }
0x159: {  	_ =	swait.ge [sflag:s14], $0x4000  }
0x15a: {  	[sflag:s14] =	ssyncset.done $0x0  }
0x15b: {  	[sflag:s14] =	ssyncadd.s32 $0xFFFFC000  }
0x15c: {  	_ =	swait.ge [sflag:s21], $0x4000  }
0x15d: {  	[sflag:s21] =	ssyncset.done $0x0  }
0x15e: {  	[sflag:s21] =	ssyncadd.s32 $0xFFFFC000  }
0x15f: {  	[spmem:s2] =	stream.indirect.scatter.add.f32 [tilespmem:s18], [sflag:$0x3], $0x80, s8, s15, $0xb8;
	[tilespmem:$0x1FC00] =	vst v63  }
0x160: {  	_ =	swait.ge [sflag:s14], $0x4000  }
0x161: {  	s24 =	sadd.s32 $0x1, s24;
	[sflag:s14] =	ssyncset.done $0x0  }
0x162: {  	p1 =	sne.s32 s24, s1;
	[sflag:s14] =	ssyncadd.s32 $0xFFFFC000  }
.Ltmp1:
0x163: {  	[bflag:$0x0] =	sbarrier.arrive $0xFFFF;
	(pc) =	sbr.rel @!p1 .LBB2_10-.Ltmp1, $4  }
0x164: {  	[hbm:s0], [sflag:s6] =	dma.local [spmem:s7], $0x2800  }
0x165: {  	_ =	swait.ge [sflag:s14], $0x2800  }
0x166: {  	[sflag:s14] =	ssyncset.done $0x0  }
0x167: {  	[sflag:s14] =	ssyncadd.s32 $0xFFFFD800  }
.LBB2_1:
0x168: {  	[spmem:s7], [sflag:s6] =	dma.local [hbm:s5], $0x2800  }
.Ltmp2:
0x169: {  	_ =	swait.ge [sflag:s14], $0x2800;
	(pc) =	sbr.rel @p0 .LBB2_8-.Ltmp2, $3  }
0x16a: {  	[sflag:s14] =	ssyncset.done $0x0  }
0x16b: {  	[sflag:s14] =	ssyncadd.s32 $0xFFFFD800  }
0x16c: {  	[bflag:$0x0] =	sbarrier.arrive $0xFFFF;
	_ =	sdelay $0x1  }
0x16d: {  	s8 =	rddreg [dreg:$0x4]  }
0x16e: {  	[tilespmem:s3], [sflag:$0x3] =	stream.linear.gather [hbm4b:s8+s3], $0x3C00, $0x38;
	[tilespmem:$0x1FC00] =	vst v63  }
0x16f: {  	_ =	swait.ge [sflag:s14], $0x3C00  }
0x170: {  	[sflag:s14] =	ssyncset.done $0x0  }
0x171: {  	[sflag:s14] =	ssyncadd.s32 $0xFFFFC400  }
0x172: {  	[tilespmem:s16], [sflag:$0x1] =	stream.indirect.gather [hbm4b:s4+s15], $0x80, s3, s15, $0xb8;
	[tilespmem:$0x1FC00] =	vst v63  }
0x173: {  	s9 =	simm.s32 $0x100  }
0x174: {  	[tilespmem:s18], [sflag:$0x2] =	stream.indirect.gather [hbm4b:s4+s15], $0x80, s9, s15, $0xb8;
	[tilespmem:$0x1FC00] =	vst v63  }
0x175: {  	_ =	swait.ge [sflag:s19], $0x4000  }
0x176: {  	[sflag:s19] =	ssyncset.done $0x0  }
0x177: {  	s25 =	simm.s32 $0x80;
	[sflag:s19] =	ssyncadd.s32 $0xFFFFC000  }
0x178: {  	[spmem:s2] =	stream.indirect.scatter.add.f32 [tilespmem:s16], [sflag:$0x3], $0x80, s25, s15, $0xb8;
	[tilespmem:$0x1FC00] =	vst v63  }
0x179: {  	_ =	swait.ge [sflag:s14], $0x4000  }
0x17a: {  	[sflag:s14] =	ssyncset.done $0x0  }
0x17b: {  	s26 =	simm.s32 $0x200;
	[sflag:s14] =	ssyncadd.s32 $0xFFFFC000  }
0x17c: {  	[tilespmem:s16], [sflag:$0x1] =	stream.indirect.gather [hbm4b:s4+s15], $0x80, s26, s15, $0xb8;
	[tilespmem:$0x1FC00] =	vst v63  }
0x17d: {  	_ =	swait.ge [sflag:s21], $0x4000  }
0x17e: {  	[sflag:s21] =	ssyncset.done $0x0  }
0x17f: {  	s28 =	simm.s32 $0x180;
	[sflag:s21] =	ssyncadd.s32 $0xFFFFC000  }
0x180: {  	[spmem:s2] =	stream.indirect.scatter.add.f32 [tilespmem:s18], [sflag:$0x3], $0x80, s28, s15, $0xb8;
	[tilespmem:$0x1FC00] =	vst v63  }
0x181: {  	_ =	swait.ge [sflag:s14], $0x4000  }
0x182: {  	s8 =	simm.s32 $0xFFFFC800;
	s25 =	simm.s32 $0xFFFF2800;
	[sflag:s14] =	ssyncset.done $0x0  }
.LBB2_3:
0x183: {  	s26 =	sadd.s32 $0x3B00, s8  }
0x184: {  	[sflag:s14] =	ssyncadd.s32 $0xFFFFC000;
	s28 =	smov.u32 s25;
	s9 =	sadd.s32 $0x800, s25  }
0x185: {  	[tilespmem:s18], [sflag:$0x2] =	stream.indirect.gather [hbm4b:s4+s15], $0x80, s26, s15, $0xb8;
	[tilespmem:$0x1FC00] =	vst v63  }
0x186: {  	p1 =	sne.s32 s25, $0xFFFFF800;
	_ =	swait.ge [sflag:s19], $0x4000  }
0x187: {  	[sflag:s19] =	ssyncset.done $0x0  }
0x188: {  	s25 =	sadd.s32 $0x3A80, s8;
	[sflag:s19] =	ssyncadd.s32 $0xFFFFC000  }
0x189: {  	[spmem:s2] =	stream.indirect.scatter.add.f32 [tilespmem:s16], [sflag:$0x3], $0x80, s25, s15, $0xb8;
	[tilespmem:$0x1FC00] =	vst v63  }
0x18a: {  	_ =	swait.ge [sflag:s14], $0x4000  }
0x18b: {  	[sflag:s14] =	ssyncset.done $0x0  }
0x18c: {  	s25 =	sadd.s32 $0x3C00, s8;
	[sflag:s14] =	ssyncadd.s32 $0xFFFFC000  }
0x18d: {  	[tilespmem:s16], [sflag:$0x1] =	stream.indirect.gather [hbm4b:s4+s15], $0x80, s25, s15, $0xb8;
	[tilespmem:$0x1FC00] =	vst v63  }
0x18e: {  	_ =	swait.ge [sflag:s21], $0x4000  }
.Ltmp3:
0x18f: {  	[sflag:s21] =	ssyncset.done $0x0;
	(pc) =	sbr.rel @p1 .LBB2_3-.Ltmp3, $4  }
0x190: {  	s8 =	sadd.s32 $0x3B80, s8;
	[sflag:s21] =	ssyncadd.s32 $0xFFFFC000  }
0x191: {  	[spmem:s2] =	stream.indirect.scatter.add.f32 [tilespmem:s18], [sflag:$0x3], $0x80, s8, s15, $0xb8;
	[tilespmem:$0x1FC00] =	vst v63  }
0x192: {  	_ =	swait.ge [sflag:s14], $0x4000  }
0x193: {  	s25 =	smov.u32 s9;
	s8 =	sshra.s32 s28, $0x2;
	[sflag:s14] =	ssyncset.done $0x0  }
0x194: {  	s9 =	sadd.s32 $0x3B00, s8;
	[sflag:s14] =	ssyncadd.s32 $0xFFFFC000  }
0x195: {  	[tilespmem:s18], [sflag:$0x2] =	stream.indirect.gather [hbm4b:s4+s15], $0x80, s9, s15, $0xb8;
	[tilespmem:$0x1FC00] =	vst v63  }
0x196: {  	_ =	swait.ge [sflag:s19], $0x4000  }
0x197: {  	[sflag:s19] =	ssyncset.done $0x0  }
0x198: {  	s25 =	sadd.s32 $0x3A80, s8;
	[sflag:s19] =	ssyncadd.s32 $0xFFFFC000  }
0x199: {  	[spmem:s2] =	stream.indirect.scatter.add.f32 [tilespmem:s16], [sflag:$0x3], $0x80, s25, s15, $0xb8;
	[tilespmem:$0x1FC00] =	vst v63  }
0x19a: {  	_ =	swait.ge [sflag:s14], $0x4000  }
0x19b: {  	[sflag:s14] =	ssyncset.done $0x0  }
0x19c: {  	s26 =	sadd.s32 $0x3C00, s8;
	[sflag:s14] =	ssyncadd.s32 $0xFFFFC000  }
0x19d: {  	[tilespmem:s16], [sflag:$0x1] =	stream.indirect.gather [hbm4b:s4+s15], $0x80, s26, s15, $0xb8;
	[tilespmem:$0x1FC00] =	vst v63  }
0x19e: {  	_ =	swait.ge [sflag:s21], $0x4000  }
0x19f: {  	[sflag:s21] =	ssyncset.done $0x0  }
0x1a0: {  	s28 =	sadd.s32 $0x3B80, s8;
	[sflag:s21] =	ssyncadd.s32 $0xFFFFC000  }
0x1a1: {  	[spmem:s2] =	stream.indirect.scatter.add.f32 [tilespmem:s18], [sflag:$0x3], $0x80, s28, s15, $0xb8;
	[tilespmem:$0x1FC00] =	vst v63  }
0x1a2: {  	_ =	swait.ge [sflag:s14], $0x4000  }
0x1a3: {  	[sflag:s14] =	ssyncset.done $0x0  }
0x1a4: {  	s9 =	simm.s32 $0x3B00;
	[sflag:s14] =	ssyncadd.s32 $0xFFFFC000  }
0x1a5: {  	[tilespmem:s18], [sflag:$0x2] =	stream.indirect.gather [hbm4b:s4+s15], $0x80, s9, s15, $0xb8;
	[tilespmem:$0x1FC00] =	vst v63  }
0x1a6: {  	_ =	swait.ge [sflag:s19], $0x4000  }
0x1a7: {  	[sflag:s19] =	ssyncset.done $0x0  }
0x1a8: {  	s25 =	simm.s32 $0x3A80;
	[sflag:s19] =	ssyncadd.s32 $0xFFFFC000  }
0x1a9: {  	[spmem:s2] =	stream.indirect.scatter.add.f32 [tilespmem:s16], [sflag:$0x3], $0x80, s25, s15, $0xb8;
	[tilespmem:$0x1FC00] =	vst v63  }
0x1aa: {  	_ =	swait.ge [sflag:s14], $0x4000  }
0x1ab: {  	[sflag:s14] =	ssyncset.done $0x0  }
0x1ac: {  	[sflag:s14] =	ssyncadd.s32 $0xFFFFC000  }
0x1ad: {  	_ =	swait.ge [sflag:s21], $0x4000  }
0x1ae: {  	[sflag:s21] =	ssyncset.done $0x0  }
0x1af: {  	s26 =	simm.s32 $0x3B80;
	[sflag:s21] =	ssyncadd.s32 $0xFFFFC000  }
0x1b0: {  	[spmem:s2] =	stream.indirect.scatter.add.f32 [tilespmem:s18], [sflag:$0x3], $0x80, s26, s15, $0xb8;
	[tilespmem:$0x1FC00] =	vst v63  }
0x1b1: {  	_ =	swait.ge [sflag:s14], $0x4000  }
0x1b2: {  	[sflag:s14] =	ssyncset.done $0x0  }
0x1b3: {  	p2 =	por $0x0, $0x0;
	s28 =	rddreg [dreg:$0x5];
	[sflag:s14] =	ssyncadd.s32 $0xFFFFC000  }
0x1b4: {  	[tilespmem:s3], [sflag:$0x3] =	stream.linear.gather [hbm4b:s28+s3], $0x3C00, $0x38;
	[tilespmem:$0x1FC00] =	vst v63  }
.Ltmp4:
0x1b5: {  	_ = 	snop;
	(pc) =	sbr.rel @p2 .LBB2_7-.Ltmp4, $4  }
0x1b6: {  	_ =	swait.ge [sflag:s14], $0x3C00  }
0x1b7: {  	[sflag:s14] =	ssyncset.done $0x0  }
0x1b8: {  	s8 =	simm.s32 $0xFFFFC600;
	p1 =	por $0x0, $0x0;
	[sflag:s14] =	ssyncadd.s32 $0xFFFFC400  }
0x1b9: {  	[tilespmem:s16], [sflag:$0x1] =	stream.indirect.gather [hbm4b:s4+s15], $0x80, s3, s15, $0xb8;
	[tilespmem:$0x1FC00] =	vst v63  }
0x1ba: {  	s8 =	simm.s32 $0x100  }
0x1bb: {  	[tilespmem:s18], [sflag:$0x2] =	stream.indirect.gather [hbm4b:s4+s15], $0x80, s8, s15, $0xb8;
	[tilespmem:$0x1FC00] =	vst v63  }
0x1bc: {  	_ =	swait.ge [sflag:s19], $0x4000  }
0x1bd: {  	[sflag:s19] =	ssyncset.done $0x0  }
0x1be: {  	s25 =	simm.s32 $0x80;
	[sflag:s19] =	ssyncadd.s32 $0xFFFFC000  }
0x1bf: {  	[spmem:s2] =	stream.indirect.scatter.add.f32 [tilespmem:s16], [sflag:$0x3], $0x80, s25, s15, $0xb8;
	[tilespmem:$0x1FC00] =	vst v63  }
0x1c0: {  	_ =	swait.ge [sflag:s14], $0x4000  }
0x1c1: {  	[sflag:s14] =	ssyncset.done $0x0  }
0x1c2: {  	s26 =	simm.s32 $0x200;
	[sflag:s14] =	ssyncadd.s32 $0xFFFFC000  }
0x1c3: {  	[tilespmem:s16], [sflag:$0x1] =	stream.indirect.gather [hbm4b:s4+s15], $0x80, s26, s15, $0xb8;
	[tilespmem:$0x1FC00] =	vst v63  }
0x1c4: {  	p2 =	por $0x0, $0x0;
	_ =	swait.ge [sflag:s21], $0x4000  }
.Ltmp5:
0x1c5: {  	[sflag:s21] =	ssyncset.done $0x0;
	(pc) =	sbr.rel @p2 .LBB2_7-.Ltmp5, $4  }
0x1c6: {  	s28 =	simm.s32 $0x180;
	[sflag:s21] =	ssyncadd.s32 $0xFFFFC000  }
0x1c7: {  	[spmem:s2] =	stream.indirect.scatter.add.f32 [tilespmem:s18], [sflag:$0x3], $0x80, s28, s15, $0xb8;
	[tilespmem:$0x1FC00] =	vst v63  }
0x1c8: {  	p1 =	por $0x1, $0x1;
	_ =	swait.ge [sflag:s14], $0x4000  }
0x1c9: {  	s8 =	simm.s32 $0xFFFFC800;
	s25 =	simm.s32 $0xFFFF2800;
	[sflag:s14] =	ssyncset.done $0x0  }
.LBB2_6:
0x1ca: {  	s9 =	sadd.s32 $0x3B00, s8  }
0x1cb: {  	[sflag:s14] =	ssyncadd.s32 $0xFFFFC000;
	s26 =	smov.u32 s25;
	s28 =	sadd.s32 $0x800, s25  }
0x1cc: {  	[tilespmem:s18], [sflag:$0x2] =	stream.indirect.gather [hbm4b:s4+s15], $0x80, s9, s15, $0xb8;
	[tilespmem:$0x1FC00] =	vst v63  }
0x1cd: {  	p2 =	seq.s32 s25, $0xFFFFF800;
	_ =	swait.ge [sflag:s19], $0x4000  }
0x1ce: {  	[sflag:s19] =	ssyncset.done $0x0  }
0x1cf: {  	s9 =	sadd.s32 $0x3A80, s8;
	[sflag:s19] =	ssyncadd.s32 $0xFFFFC000  }
0x1d0: {  	[spmem:s2] =	stream.indirect.scatter.add.f32 [tilespmem:s16], [sflag:$0x3], $0x80, s9, s15, $0xb8;
	[tilespmem:$0x1FC00] =	vst v63  }
0x1d1: {  	_ =	swait.ge [sflag:s14], $0x4000  }
0x1d2: {  	[sflag:s14] =	ssyncset.done $0x0  }
0x1d3: {  	s9 =	sadd.s32 $0x3C00, s8;
	[sflag:s14] =	ssyncadd.s32 $0xFFFFC000  }
0x1d4: {  	[tilespmem:s16], [sflag:$0x1] =	stream.indirect.gather [hbm4b:s4+s15], $0x80, s9, s15, $0xb8;
	[tilespmem:$0x1FC00] =	vst v63  }
0x1d5: {  	_ =	swait.ge [sflag:s21], $0x4000  }
.Ltmp6:
0x1d6: {  	[sflag:s21] =	ssyncset.done $0x0;
	(pc) =	sbr.rel @!p2 .LBB2_6-.Ltmp6, $4  }
0x1d7: {  	s8 =	sadd.s32 $0x3B80, s8;
	[sflag:s21] =	ssyncadd.s32 $0xFFFFC000  }
0x1d8: {  	[spmem:s2] =	stream.indirect.scatter.add.f32 [tilespmem:s18], [sflag:$0x3], $0x80, s8, s15, $0xb8;
	[tilespmem:$0x1FC00] =	vst v63  }
0x1d9: {  	_ =	swait.ge [sflag:s14], $0x4000  }
0x1da: {  	s25 =	smov.u32 s28;
	s8 =	sshra.s32 s26, $0x2;
	[sflag:s14] =	ssyncset.done $0x0  }
.LBB2_7:
0x1db: {  	s9 =	sadd.s32 $0x3B00, s8;
	[sflag:s14] =	ssyncadd.s32 @p1 $0xFFFFC000  }
0x1dc: {  	[tilespmem:s18], [sflag:$0x2] =	stream.indirect.gather [hbm4b:s4+s15], $0x80, s9, s15, $0xb8;
	[tilespmem:$0x1FC00] =	vst v63  }
0x1dd: {  	_ =	swait.ge [sflag:s19], $0x4000  }
0x1de: {  	[sflag:s19] =	ssyncset.done $0x0  }
0x1df: {  	s25 =	sadd.s32 $0x3A80, s8;
	[sflag:s19] =	ssyncadd.s32 $0xFFFFC000  }
0x1e0: {  	[spmem:s2] =	stream.indirect.scatter.add.f32 [tilespmem:s16], [sflag:$0x3], $0x80, s25, s15, $0xb8;
	[tilespmem:$0x1FC00] =	vst v63  }
0x1e1: {  	_ =	swait.ge [sflag:s14], $0x4000  }
0x1e2: {  	[sflag:s14] =	ssyncset.done $0x0  }
0x1e3: {  	s26 =	sadd.s32 $0x3C00, s8;
	[sflag:s14] =	ssyncadd.s32 $0xFFFFC000  }
0x1e4: {  	[tilespmem:s16], [sflag:$0x1] =	stream.indirect.gather [hbm4b:s4+s15], $0x80, s26, s15, $0xb8;
	[tilespmem:$0x1FC00] =	vst v63  }
0x1e5: {  	_ =	swait.ge [sflag:s21], $0x4000  }
0x1e6: {  	[sflag:s21] =	ssyncset.done $0x0  }
.Ltmp7:
0x1e7: {  	s28 =	sadd.s32 $0x3B80, s8;
	[sflag:s21] =	ssyncadd.s32 $0xFFFFC000;
	(pc) =	sbr.rel .LBB2_9-.Ltmp7, $4  }
0x1e8: {  	[spmem:s2] =	stream.indirect.scatter.add.f32 [tilespmem:s18], [sflag:$0x3], $0x80, s28, s15, $0xb8;
	[tilespmem:$0x1FC00] =	vst v63  }
0x1e9: {  	_ =	swait.ge [sflag:s14], $0x4000  }
0x1ea: {  	s8 =	simm.s32 $0x3B80;
	[sflag:s14] =	ssyncset.done $0x0  }
0x1eb: {  	s25 =	simm.s32 $0x3B00;
	s26 =	simm.s32 $0x3A80;
	[sflag:s14] =	ssyncadd.s32 $0xFFFFC000  }
.LBB2_10:
0x1ec: {  	_ =	sfence.sel $0x180000  }
0x1ed: {  	[bflag:$0x0] =	sbarrier.arrive $0xFFFF  }
0x1ee: {  	_ =	strace $0x9000004A  }
0x1ef: {  	s0 =	stileid.u32;
	[bflag:$0x2] =	sbarrier.arrive $0xFFFF  }
0x1f0: {  	p0 =	sne.s32 s0, $0x0;
	s0 =	rddreg [dreg:$0x3]  }
0x1f1: {  	s0 =	sadd.s32 @!p0 $0x100000, s0  }
0x1f2: {  	[sflag:s0] =	ssyncadd.tile.s32 @!p0 $0x1;
	_ =	shalt  }
.Lfunc_end2:
_tile_overlayer_lowered:
.L_overlay_start_2:
0x1f3: {  	(tag) =	ssettag $0x2  }
0x1f4: {  	s0 =	rddreg [dreg:$0x0];
	s2 =	stileid.u32  }
0x1f5: {  	s1 =	rddreg [dreg:$0x1];
	p0 =	sne.s32 s2, $0x0  }
0x1f6: {  	s3 =	rddreg [dreg:$0x2];
	[bflag:$0x3] =	sbarrier.arrive $0xFFFF;
	s2 =	simm.s32 @!p0 $0x1C03  }
0x1f7: {  	[timem:s3], [sflag:s2] =	dma.local @!p0 [hbm:s0], s1  }
0x1f8: {  	s0 =	simm.s32 @!p0 $0x3  }
0x1f9: {  	_ =	swait.ge @!p0 [sflag:s0], s1  }
0x1fa: {  	s1 =	ssub.s32 @!p0 $0x0, s1;
	[sflag:s0] =	ssyncset.done @!p0 $0x0  }
0x1fb: {  	[sflag:s0] =	ssyncadd.s32 @!p0 s1  }
0x1fc: {  	[bflag:$0x3] =	sbarrier.arrive $0xFFFF  }
0x1fd: {  	_ =	shalt  }

// kernel: kernel.15.cloned.1.call-start
scs
__scs_entry_jumppad:
0x0: {  	(pc) =	sbr.rel $0x88, $3  }
0x1: {  	(tag) =	ssettag $0x0;
	lr =	simm.s32 $0x1  }
0x2: {  	[smem:$0x3F9B] =	sst lr;
	_ =	strace $0xD0000000  }
0x3: {  	_ = 	snop  }
0x4: {  	_ = 	snop  }
0x5: {  	_ = 	snop  }
0x6: {  	_ = 	snop  }
0x7: {  	_ = 	snop  }
__scs_overlays_trampoline_lowered:
0x8: {  	[smem:$0x3FAA] =	sst s0  }
0x9: {  	[smem:$0x3FAB] =	sst s1  }
0xa: {  	[smem:$0x3FAC] =	sst s2  }
0xb: {  	[smem:$0x3FAD] =	sst s3  }
0xc: {  	[smem:$0x3FAE] =	sst s4  }
0xd: {  	[smem:$0x3FAF] =	sst s5  }
0xe: {  	[smem:$0x3FB0] =	sst s6  }
0xf: {  	[smem:$0x3FB1] =	sst s7  }
0x10: {  	[smem:$0x3FB2] =	sst s8  }
0x11: {  	[smem:$0x3FB3] =	sst s9;
	s0 =	simm.s32 @!p0 $0x0  }
0x12: {  	s1 =	sld [smem:$0x3F99];
	s0 =	simm.s32 @p0 $0x1  }
0x13: {  	[smem:$0x3FB4] =	sst s0;
	s0 =	simm.s32 @!p1 $0x0  }
0x14: {  	s2 =	sld [smem:$0x3F98];
	s0 =	simm.s32 @p1 $0x1  }
0x15: {  	[smem:$0x3FB5] =	sst s0;
	s0 =	simm.s32 @!p2 $0x0  }
0x16: {  	s3 =	sld [smem:$0x3FDB];
	s0 =	simm.s32 @p2 $0x1  }
0x17: {  	s4 =	simm.s32 $0x1BF5;
	[smem:$0x3FB7] =	sst s0  }
0x18: {  	s0 =	sld [smem:$0x3F9A];
	_ =	swait.ge [sflag:s4], $0x0  }
0x19: {  	s7 =	sld [smem:$0x3F9B]  }
0x1a: {  	s8 =	sadd.s32 $0xFFFFE003, lr  }
0x1b: {  	s9 =	sadd.s32 $0xFFFFFEF7, lr;
	s5 =	simm.s32 $0xFFFFFFFF;
	p2 =	slt.u32 s8, $0xFFFFF086  }
0x1c: {  	p1 =	slt.u32 s9, $0xF7A;
	s5 =	simm.s32 @!p2 $0x0  }
0x1d: {  	s5 =	simm.s32 @p1 $0x1;
	p0 =	seq.s32 s7, s2  }
0x1e: {  	s7 =	smul.u32 @!p0 $0xF7A, s2;
	p2 =	seq.s32 @!p0 s5, $0x0  }
0x1f: {  	s9 =	smul.u32 $0xF7A, s1;
	s8 =	simm.s32 @!p0 $0x1BF5;
	p2 =	por !p2, p0  }
0x20: {  	[sflag:s8] =	ssyncset.s32 @!p0 $0xFFFFF086;
	s6 =	sadd.s32 @!p0 s3, s7;
	s7 =	simm.s32 @!p0 $0x108  }
0x21: {  	s3 =	sadd.s32 s3, s9;
	s6 =	sadd.s32 @!p0 $0x88, s6;
	s7 =	simm.s32 @p2 $0x1082  }
0x22: {  	[simem:s7], [sflag:s8] =	dma.local @!p0 [hbm:s6], $0xF7A  }
0x23: {  	s9 =	sor.u32 $0xD0000000, s2;
	s6 =	simm.s32 $0x108;
	_ =	swait.ge @!p0 [sflag:s8], $0x0  }
0x24: {  	s3 =	sadd.s32 $0x88, s3;
	s6 =	simm.s32 @!p1 $0x1082;
	[sflag:s4] =	ssyncset.s32 $0xFFFFF086  }
0x25: {  	[simem:s6], [sflag:s4] =	dma.local [hbm:s3], $0xF7A  }
0x26: {  	[smem:$0x3F9B] =	sst s1;
	(tag) =	ssettag s2;
	_ =	strace s9  }
0x27: {  	s1 =	sld [smem:$0x3FAB]  }
0x28: {  	s2 =	sld [smem:$0x3FAC]  }
0x29: {  	s4 =	sld [smem:$0x3FAE]  }
0x2a: {  	p0 =	seq.s32 s5, $0x0;
	s5 =	sld [smem:$0x3FAF]  }
0x2b: {  	s6 =	sld [smem:$0x3FB0]  }
0x2c: {  	s7 =	sld [smem:$0x3FB1]  }
0x2d: {  	s3 =	simm.s32 $0x108;
	s8 =	sld [smem:$0x3FB2]  }
0x2e: {  	s3 =	simm.s32 @!p0 $0x1082;
	s9 =	sld [smem:$0x3FB3]  }
0x2f: {  	lr =	sadd.s32 s0, s3;
	s0 =	sld [smem:$0x3FAA]  }
0x30: {  	s3 =	sld [smem:$0x3FAD]  }
0x31: {  	[smem:$0x3FB6] =	sst s10  }
0x32: {  	s10 =	sld [smem:$0x3FB4];
	_ =	sdelay $0x3  }
0x33: {  	p0 =	seq.s32 s10, $0x1;
	s10 =	sld [smem:$0x3FB6];
	_ =	sdelay $0x3  }
0x34: {  	[smem:$0x3FB6] =	sst s10  }
0x35: {  	s10 =	sld [smem:$0x3FB5];
	_ =	sdelay $0x3  }
0x36: {  	p1 =	seq.s32 s10, $0x1;
	s10 =	sld [smem:$0x3FB6];
	_ =	sdelay $0x3  }
0x37: {  	[smem:$0x3FB6] =	sst s10  }
0x38: {  	s10 =	sld [smem:$0x3FB7]  }
0x39: {  	_ = 	snop;
	(pc) =	sbr.ind lr, $3  }
0x3a: {  	_ = 	snop  }
0x3b: {  	_ = 	snop  }
0x3c: {  	p2 =	seq.s32 s10, $0x1;
	s10 =	sld [smem:$0x3FB6]  }
0x3d: {  	_ =	shalt  }
0x3e: {  	_ =	shalt  }
0x3f: {  	_ =	shalt  }
0x40: {  	_ =	shalt  }
0x41: {  	_ =	shalt  }
0x42: {  	_ =	shalt  }
0x43: {  	_ =	shalt  }
0x44: {  	_ =	shalt  }
0x45: {  	_ =	shalt  }
0x46: {  	_ =	shalt  }
0x47: {  	_ =	shalt  }
0x48: {  	_ =	shalt  }
0x49: {  	_ =	shalt  }
0x4a: {  	_ =	shalt  }
0x4b: {  	_ =	shalt  }
0x4c: {  	_ =	shalt  }
0x4d: {  	_ =	shalt  }
0x4e: {  	_ =	shalt  }
0x4f: {  	_ =	shalt  }
0x50: {  	_ =	shalt  }
0x51: {  	_ =	shalt  }
0x52: {  	_ =	shalt  }
0x53: {  	_ =	shalt  }
0x54: {  	_ =	shalt  }
0x55: {  	_ =	shalt  }
0x56: {  	_ =	shalt  }
0x57: {  	_ =	shalt  }
0x58: {  	_ =	shalt  }
0x59: {  	_ =	shalt  }
0x5a: {  	_ =	shalt  }
0x5b: {  	_ =	shalt  }
0x5c: {  	_ =	shalt  }
0x5d: {  	_ =	shalt  }
0x5e: {  	_ =	shalt  }
0x5f: {  	_ =	shalt  }
0x60: {  	_ =	shalt  }
0x61: {  	_ =	shalt  }
0x62: {  	_ =	shalt  }
0x63: {  	_ =	shalt  }
0x64: {  	_ =	shalt  }
0x65: {  	_ =	shalt  }
0x66: {  	_ =	shalt  }
0x67: {  	_ =	shalt  }
0x68: {  	_ =	shalt  }
0x69: {  	_ =	shalt  }
0x6a: {  	_ =	shalt  }
0x6b: {  	_ =	shalt  }
0x6c: {  	_ =	shalt  }
0x6d: {  	_ =	shalt  }
0x6e: {  	_ =	shalt  }
0x6f: {  	_ =	shalt  }
0x70: {  	_ =	shalt  }
0x71: {  	_ =	shalt  }
0x72: {  	_ =	shalt  }
0x73: {  	_ =	shalt  }
0x74: {  	_ =	shalt  }
0x75: {  	_ =	shalt  }
0x76: {  	_ =	shalt  }
0x77: {  	_ =	shalt  }
0x78: {  	_ =	shalt  }
0x79: {  	_ =	shalt  }
0x7a: {  	_ =	shalt  }
0x7b: {  	_ =	shalt  }
0x7c: {  	_ =	shalt  }
0x7d: {  	_ =	shalt  }
0x7e: {  	_ =	shalt  }
0x7f: {  	_ =	shalt  }
0x80: {  	_ =	shalt  }
0x81: {  	_ =	shalt  }
0x82: {  	_ =	shalt  }
0x83: {  	_ =	shalt  }
0x84: {  	_ =	shalt  }
0x85: {  	_ =	shalt  }
0x86: {  	_ =	shalt  }
0x87: {  	_ =	shalt  }
.Lfunc_end0:
.L_simem_size_0:
called_computation.2_lowered:
.L_overlay_start_0:
0x88: {  	s2 =	sld [smem:$0x3FD9]  }
0x89: {  	s3 =	sld [smem:$0x3FFE];
	_ =	sdelay $0x1  }
0x8a: {  	s1 =	srdreg.scid  }
0x8b: {  	s0 =	sand.u32 $0x1, s1  }
0x8c: {  	s17 =	sshll.u32 s0, $0xA;
	s2 =	sadd.s32 s3, s2  }
0x8d: {  	s2 =	sadd.s32 s2, s17  }
0x8e: {  	[smem:$0x3FC2] =	sst s2  }
0x8f: {  	_ = 	snop  }
0x90: {  	s2 =	sld [smem:$0x3FD0];
	(tm) =	ssettm $0x1  }
0x91: {  	s18 =	sld [smem:$0x3FFB];
	_ =	sdelay $0x3  }
0x92: {  	_ =	strace s18  }
0x93: {  	s3 =	sld [smem:$0x3FFC];
	_ =	sdelay $0x3  }
0x94: {  	_ =	strace s3  }
0x95: {  	s3 =	sld [smem:$0x3FFD];
	_ =	sdelay $0x3  }
0x96: {  	_ =	strace s3  }
0x97: {  	_ =	strace $0x8FFFFFFF  }
0x98: {  	s19 =	sld [smem:$0x3FDB];
	_ =	sdelay $0x1  }
0x99: {  	s4 =	simm.s32 $_scs_section_size  }
0x9a: {  	s5 =	simm.s32 $_size__tile_overlayer_lowered;
	s6 =	simm.s32 $_tile_overlayer_lowered  }
0x9b: {  	s22 =	simm.s32 $0x1BFF;
	s21 =	sshll.u32 s6, $0x1;
	s3 =	sadd.s32 s4, s19  }
0x9c: {  	s7 =	simm.s32 $0x0;
	s20 =	sshll.u32 s5, $0x1;
	s5 =	sadd.s32 s21, s3  }
0x9d: {  	[timem:s7], [sflag:s22] =	dma.local [hbm:s5], s20  }
0x9e: {  	_ =	swait.ge [sflag:s22], s20  }
0x9f: {  	s4 =	ssub.s32 $0x0, s20;
	[sflag:s22] =	ssyncset.done $0x0  }
0xa0: {  	[sflag:s22] =	ssyncadd.s32 s4;
	_ =	sdelay $0x1  }
0xa1: {  	s23 =	simm.s32 $0x1B8B  }
0xa2: {  	_ =	swait.ge [sflag:s23], $0x1  }
0xa3: {  	[sflag:s23] =	ssyncset.done $0x0  }
0xa4: {  	s25 =	simm.s32 $0x1B8E;
	s24 =	sld [smem:$0x3FFE];
	[sflag:s23] =	ssyncadd.s32 $0xFFFFFFFF  }
0xa5: {  	s26 =	simm.s32 $execute0_lowered;
	[smem:$0x3FD2] =	sst s25  }
0xa6: {  	s5 =	sshll.u32 s26, $0x1;
	_ =	strace $0x8000004C;
	[dreg:$0x1] =	wrdreg $0xFFFFFFFF  }
0xa7: {  	s28 =	simm.s32 $_size_execute0_lowered;
	s3 =	sadd.s32 s3, s5;
	[dreg:$0x0] =	wrdreg $0x0  }
0xa8: {  	s5 =	sshll.u32 s28, $0x1;
	[dreg:$0x2] =	wrdreg s3  }
0xa9: {  	[dreg:$0x3] =	wrdreg s5  }
0xaa: {  	[dreg:$0x4] =	wrdreg $0xC0  }
0xab: {  	_ =	task [dreg:s7], $0x5FFFF  }
0xac: {  	[dreg:$0x1] =	wrdreg $0xFFFFFFFF  }
0xad: {  	[dreg:$0x0] =	wrdreg $0x60  }
0xae: {  	[dreg:$0x2] =	wrdreg s24  }
0xaf: {  	[dreg:$0x3] =	wrdreg s2  }
0xb0: {  	[dreg:$0x4] =	wrdreg $0xBC000  }
0xb1: {  	[dreg:$0x5] =	wrdreg $0x9  }
0xb2: {  	_ =	task.clear_ibuf [dreg:s7], $0x6FFFF;
	_ =	strace $0x9000004C  }
0xb3: {  	s29 =	simm.s32 $0x9;
	_ =	strace $0x8000004E  }
0xb4: {  	_ =	swait.ge [sflag:s29], $0x1  }
0xb5: {  	[sflag:s29] =	ssyncadd.s32 $0xFFFFFFFF  }
0xb6: {  	_ =	strace $0x9000004E  }
0xb7: {  	_ =	sfence  }
0xb8: {  	s30 =	sld [smem:$0x0];
	_ =	sdelay $0x2  }
0xb9: {  	s31 =	sshll.u32 s1, $0xD;
	s1 =	sshrl.u32 s1, $0x2  }
0xba: {  	s3 =	sand.u32 $0x4000, s31;
	s1 =	sadd.s32 s1, s30  }
0xbb: {  	s0 =	sor.u32 s3, s0;
	s1 =	sshll.u32 s1, $0x11  }
0xbc: {  	s0 =	sor.u32 s1, s0  }
0xbd: {  	s0 =	sadd.s32 $0x8F2B, s0  }
0xbe: {  	[sflag:s0] =	ssyncadd.remote.s32 $0x1  }
0xbf: {  	_ =	sfence.sel $0xFFFF  }
0xc0: {  	[dreg:$0x0] =	wrdreg $0xFFFFFFFF;
	(pc) =	sbr.abs _section_cstart, $3  }
0xc1: {  	[dreg:$0x1] =	wrdreg $0xFFFFFFFF  }
0xc2: {  	_ =	task.clear_ibuf [dreg:s7], $0x2FFFF;
	_ =	strace $0x9FFFFFFF  }
0xc3: {  	(tm) =	ssettm $0x7FFFFFFF  }
tec
execute0_lowered:
.L_overlay_start_1:
0x0: {  	(tag) =	ssettag $0x1  }
0x1: {  	s0 =	rddreg [dreg:$0x0]  }
0x2: {  	s1 =	rddreg [dreg:$0x1]  }
0x3: {  	s2 =	rddreg [dreg:$0x2];
	s12 =	stileid.u32  }
0x4: {  	s4 =	srdreg.scid;
	s3 =	simm.s32 $0x0;
	s14 =	simm.s32 $0x3  }
0x5: {  	s15 =	simm.s32 $0x80;
	s16 =	simm.s32 $0x3C00;
	s5 =	smul.u32 $0x14000, s12  }
0x6: {  	s18 =	simm.s32 $0x7C00;
	s29 =	simm.s32 $0x200;
	s9 =	smul.u32 $0x50000, s12  }
0x7: {  	s30 =	simm.s32 $0x300;
	s31 =	simm.s32 $0x280;
	s22 =	smul.u32 $0x7800, s12  }
0x8: {  	s17 =	simm.s32 $0x500;
	s7 =	sand.u32 $0x1, s4;
	s11 =	smul.u32 $0x2800, s12  }
0x9: {  	[smem:$0x7FF] =	sst s3;
	s4 =	sadd.s32 $0x84C00, s0;
	s24 =	smul.u32 $0xF00, s12  }
0xa: {  	s23 =	sshll.u32 s12, $0x6;
	s12 =	simm.s32 $0x400;
	s6 =	smul.u32 $0x140000, s7  }
0xb: {  	_ =	strace $0x8000004D;
	s19 =	ssub.s32 $0x2, s7;
	p0 =	seq.s32 s7, $0x1  }
0xc: {  	s8 =	sshrl.u32 s5, $0x3;
	s20 =	sshrl.u32 s19, $0x1;
	s21 =	sshrl.u32 s9, $0x2  }
0xd: {  	s25 =	sshrl.u32 s22, $0x3;
	s26 =	sshrl.u32 s11, $0x3;
	s22 =	simm.s32 $0x600  }
0xe: {  	s11 =	simm.s32 $0x680;
	s5 =	sadd.s32 s5, s6;
	s8 =	sadd.s32 s8, s0  }
0xf: {  	s10 =	ssub.s32 s19, s20;
	s13 =	sadd.s32 s21, s2;
	s6 =	sor.u32 $0x1C03, s23  }
0x10: {  	s7 =	sadd.s32 s1, s25;
	s19 =	simm.s32 $0x1;
	s21 =	simm.s32 $0x2  }
0x11: {  	s20 =	simm.s32 $0x480;
	s23 =	simm.s32 $0x580;
	s5 =	sshrl.u32 s5, $0x3  }
0x12: {  	s7 =	sadd.s32 $0x780, s7;
	s0 =	sadd.s32 s5, s0;
	s5 =	sadd.s32 $0xCC00, s8  }
.Ltmp0:
0x13: {  	s8 =	sadd.s32 s1, s24;
	s1 =	sadd.s32 s1, s26;
	(pc) =	sbr.rel .LBB2_1-.Ltmp0, $4  }
0x14: {  	[dreg:$0x5] =	wrdreg s7;
	s7 =	sshrl.u32 s13, $0x3;
	s24 =	simm.s32 $0x0  }
0x15: {  	s13 =	simm.s32 $0x0;
	[dreg:$0x4] =	wrdreg s8;
	s28 =	sadd.s32 $0xF000, s1  }
0x16: {  	s1 =	sadd.s32 $0xF280, s1;
	s0 =	sadd.s32 $0xACC00, s0;
	[dreg:$0x6] =	wrdreg s28  }
0x17: {  	[dreg:$0x7] =	wrdreg s1;
	s1 =	smax.u32 s10, $0x1;
	s10 =	simm.s32 $0x180  }
.LBB2_8:
0x18: {  	s8 =	rddreg [dreg:$0x6]  }
0x19: {  	[tilespmem:s3], [sflag:$0x3] =	stream.linear.gather [hbm4b:s8+s3], $0x1400, $0x38;
	[tilespmem:$0x1FC00] =	vst v63  }
0x1a: {  	_ =	swait.ge [sflag:s14], $0x1400  }
0x1b: {  	[sflag:s14] =	ssyncset.done $0x0  }
0x1c: {  	[sflag:s14] =	ssyncadd.s32 $0xFFFFEC00  }
0x1d: {  	[tilespmem:s16], [sflag:$0x1] =	stream.indirect.gather [hbm4b:s4+s15], $0x80, s3, s15, $0xb8;
	[tilespmem:$0x1FC00] =	vst v63  }
0x1e: {  	s28 =	simm.s32 $0x100  }
0x1f: {  	[tilespmem:s18], [sflag:$0x2] =	stream.indirect.gather [hbm4b:s4+s15], $0x80, s28, s15, $0xb8;
	[tilespmem:$0x1FC00] =	vst v63  }
0x20: {  	_ =	swait.ge [sflag:s19], $0x4000  }
0x21: {  	[sflag:s19] =	ssyncset.done $0x0  }
0x22: {  	[sflag:s19] =	ssyncadd.s32 $0xFFFFC000  }
0x23: {  	[spmem:s2] =	stream.indirect.scatter.add.f32 [tilespmem:s16], [sflag:$0x3], $0x80, s15, s15, $0xb8;
	[tilespmem:$0x1FC00] =	vst v63  }
0x24: {  	_ =	swait.ge [sflag:s14], $0x4000  }
0x25: {  	[sflag:s14] =	ssyncset.done $0x0  }
0x26: {  	[sflag:s14] =	ssyncadd.s32 $0xFFFFC000  }
0x27: {  	[tilespmem:s16], [sflag:$0x1] =	stream.indirect.gather [hbm4b:s4+s15], $0x80, s29, s15, $0xb8;
	[tilespmem:$0x1FC00] =	vst v63  }
0x28: {  	_ =	swait.ge [sflag:s21], $0x4000  }
0x29: {  	[sflag:s21] =	ssyncset.done $0x0  }
0x2a: {  	[sflag:s21] =	ssyncadd.s32 $0xFFFFC000  }
0x2b: {  	[spmem:s2] =	stream.indirect.scatter.add.f32 [tilespmem:s18], [sflag:$0x3], $0x80, s10, s15, $0xb8;
	[tilespmem:$0x1FC00] =	vst v63  }
0x2c: {  	_ =	swait.ge [sflag:s14], $0x4000  }
0x2d: {  	[sflag:s14] =	ssyncset.done $0x0  }
0x2e: {  	[sflag:s14] =	ssyncadd.s32 $0xFFFFC000  }
0x2f: {  	[tilespmem:s18], [sflag:$0x2] =	stream.indirect.gather [hbm4b:s4+s15], $0x80, s30, s15, $0xb8;
	[tilespmem:$0x1FC00] =	vst v63  }
0x30: {  	_ =	swait.ge [sflag:s19], $0x4000  }
0x31: {  	[sflag:s19] =	ssyncset.done $0x0  }
0x32: {  	[sflag:s19] =	ssyncadd.s32 $0xFFFFC000  }
0x33: {  	[spmem:s2] =	stream.indirect.scatter.add.f32 [tilespmem:s16], [sflag:$0x3], $0x80, s31, s15, $0xb8;
	[tilespmem:$0x1FC00] =	vst v63  }
0x34: {  	_ =	swait.ge [sflag:s14], $0x4000  }
0x35: {  	[sflag:s14] =	ssyncset.done $0x0  }
0x36: {  	[sflag:s14] =	ssyncadd.s32 $0xFFFFC000  }
0x37: {  	[tilespmem:s16], [sflag:$0x1] =	stream.indirect.gather [hbm4b:s4+s15], $0x80, s12, s15, $0xb8;
	[tilespmem:$0x1FC00] =	vst v63  }
0x38: {  	_ =	swait.ge [sflag:s21], $0x4000  }
0x39: {  	[sflag:s21] =	ssyncset.done $0x0  }
0x3a: {  	s3 =	simm.s32 $0x380;
	[sflag:s21] =	ssyncadd.s32 $0xFFFFC000  }
0x3b: {  	[spmem:s2] =	stream.indirect.scatter.add.f32 [tilespmem:s18], [sflag:$0x3], $0x80, s3, s15, $0xb8;
	[tilespmem:$0x1FC00] =	vst v63  }
0x3c: {  	_ =	swait.ge [sflag:s14], $0x4000  }
0x3d: {  	[sflag:s14] =	ssyncset.done $0x0  }
0x3e: {  	[sflag:s14] =	ssyncadd.s32 $0xFFFFC000  }
0x3f: {  	[tilespmem:s18], [sflag:$0x2] =	stream.indirect.gather [hbm4b:s4+s15], $0x80, s17, s15, $0xb8;
	[tilespmem:$0x1FC00] =	vst v63  }
0x40: {  	_ =	swait.ge [sflag:s19], $0x4000  }
0x41: {  	[sflag:s19] =	ssyncset.done $0x0  }
0x42: {  	[sflag:s19] =	ssyncadd.s32 $0xFFFFC000  }
0x43: {  	[spmem:s2] =	stream.indirect.scatter.add.f32 [tilespmem:s16], [sflag:$0x3], $0x80, s20, s15, $0xb8;
	[tilespmem:$0x1FC00] =	vst v63  }
0x44: {  	_ =	swait.ge [sflag:s14], $0x4000  }
0x45: {  	[sflag:s14] =	ssyncset.done $0x0  }
0x46: {  	[sflag:s14] =	ssyncadd.s32 $0xFFFFC000  }
0x47: {  	[tilespmem:s16], [sflag:$0x1] =	stream.indirect.gather [hbm4b:s4+s15], $0x80, s22, s15, $0xb8;
	[tilespmem:$0x1FC00] =	vst v63  }
0x48: {  	_ =	swait.ge [sflag:s21], $0x4000  }
0x49: {  	[sflag:s21] =	ssyncset.done $0x0  }
0x4a: {  	[sflag:s21] =	ssyncadd.s32 $0xFFFFC000  }
0x4b: {  	[spmem:s2] =	stream.indirect.scatter.add.f32 [tilespmem:s18], [sflag:$0x3], $0x80, s23, s15, $0xb8;
	[tilespmem:$0x1FC00] =	vst v63  }
0x4c: {  	_ =	swait.ge [sflag:s14], $0x4000  }
0x4d: {  	[sflag:s14] =	ssyncset.done $0x0  }
0x4e: {  	s25 =	simm.s32 $0x700;
	[sflag:s14] =	ssyncadd.s32 $0xFFFFC000  }
0x4f: {  	[tilespmem:s18], [sflag:$0x2] =	stream.indirect.gather [hbm4b:s4+s15], $0x80, s25, s15, $0xb8;
	[tilespmem:$0x1FC00] =	vst v63  }
0x50: {  	_ =	swait.ge [sflag:s19], $0x4000  }
0x51: {  	[sflag:s19] =	ssyncset.done $0x0  }
0x52: {  	[sflag:s19] =	ssyncadd.s32 $0xFFFFC000  }
0x53: {  	[spmem:s2] =	stream.indirect.scatter.add.f32 [tilespmem:s16], [sflag:$0x3], $0x80, s11, s15, $0xb8;
	[tilespmem:$0x1FC00] =	vst v63  }
0x54: {  	_ =	swait.ge [sflag:s14], $0x4000  }
0x55: {  	[sflag:s14] =	ssyncset.done $0x0  }
0x56: {  	s26 =	simm.s32 $0x800;
	[sflag:s14] =	ssyncadd.s32 $0xFFFFC000  }
0x57: {  	[tilespmem:s16], [sflag:$0x1] =	stream.indirect.gather [hbm4b:s4+s15], $0x80, s26, s15, $0xb8;
	[tilespmem:$0x1FC00] =	vst v63  }
0x58: {  	_ =	swait.ge [sflag:s21], $0x4000  }
0x59: {  	[sflag:s21] =	ssyncset.done $0x0  }
0x5a: {  	s9 =	simm.s32 $0x780;
	[sflag:s21] =	ssyncadd.s32 $0xFFFFC000  }
0x5b: {  	[spmem:s2] =	stream.indirect.scatter.add.f32 [tilespmem:s18], [sflag:$0x3], $0x80, s9, s15, $0xb8;
	[tilespmem:$0x1FC00] =	vst v63  }
0x5c: {  	_ =	swait.ge [sflag:s14], $0x4000  }
0x5d: {  	[sflag:s14] =	ssyncset.done $0x0  }
0x5e: {  	s25 =	simm.s32 $0x900;
	[sflag:s14] =	ssyncadd.s32 $0xFFFFC000  }
0x5f: {  	[tilespmem:s18], [sflag:$0x2] =	stream.indirect.gather [hbm4b:s4+s15], $0x80, s25, s15, $0xb8;
	[tilespmem:$0x1FC00] =	vst v63  }
0x60: {  	_ =	swait.ge [sflag:s19], $0x4000  }
0x61: {  	[sflag:s19] =	ssyncset.done $0x0  }
0x62: {  	s26 =	simm.s32 $0x880;
	[sflag:s19] =	ssyncadd.s32 $0xFFFFC000  }
0x63: {  	[spmem:s2] =	stream.indirect.scatter.add.f32 [tilespmem:s16], [sflag:$0x3], $0x80, s26, s15, $0xb8;
	[tilespmem:$0x1FC00] =	vst v63  }
0x64: {  	_ =	swait.ge [sflag:s14], $0x4000  }
0x65: {  	[sflag:s14] =	ssyncset.done $0x0  }
0x66: {  	s9 =	simm.s32 $0xA00;
	[sflag:s14] =	ssyncadd.s32 $0xFFFFC000  }
0x67: {  	[tilespmem:s16], [sflag:$0x1] =	stream.indirect.gather [hbm4b:s4+s15], $0x80, s9, s15, $0xb8;
	[tilespmem:$0x1FC00] =	vst v63  }
0x68: {  	_ =	swait.ge [sflag:s21], $0x4000  }
0x69: {  	[sflag:s21] =	ssyncset.done $0x0  }
0x6a: {  	s25 =	simm.s32 $0x980;
	[sflag:s21] =	ssyncadd.s32 $0xFFFFC000  }
0x6b: {  	[spmem:s2] =	stream.indirect.scatter.add.f32 [tilespmem:s18], [sflag:$0x3], $0x80, s25, s15, $0xb8;
	[tilespmem:$0x1FC00] =	vst v63  }
0x6c: {  	_ =	swait.ge [sflag:s14], $0x4000  }
0x6d: {  	[sflag:s14] =	ssyncset.done $0x0  }
0x6e: {  	s26 =	simm.s32 $0xB00;
	[sflag:s14] =	ssyncadd.s32 $0xFFFFC000  }
0x6f: {  	[tilespmem:s18], [sflag:$0x2] =	stream.indirect.gather [hbm4b:s4+s15], $0x80, s26, s15, $0xb8;
	[tilespmem:$0x1FC00] =	vst v63  }
0x70: {  	_ =	swait.ge [sflag:s19], $0x4000  }
0x71: {  	[sflag:s19] =	ssyncset.done $0x0  }
0x72: {  	s9 =	simm.s32 $0xA80;
	[sflag:s19] =	ssyncadd.s32 $0xFFFFC000  }
0x73: {  	[spmem:s2] =	stream.indirect.scatter.add.f32 [tilespmem:s16], [sflag:$0x3], $0x80, s9, s15, $0xb8;
	[tilespmem:$0x1FC00] =	vst v63  }
0x74: {  	_ =	swait.ge [sflag:s14], $0x4000  }
0x75: {  	[sflag:s14] =	ssyncset.done $0x0  }
0x76: {  	s25 =	simm.s32 $0xC00;
	[sflag:s14] =	ssyncadd.s32 $0xFFFFC000  }
0x77: {  	[tilespmem:s16], [sflag:$0x1] =	stream.indirect.gather [hbm4b:s4+s15], $0x80, s25, s15, $0xb8;
	[tilespmem:$0x1FC00] =	vst v63  }
0x78: {  	_ =	swait.ge [sflag:s21], $0x4000  }
0x79: {  	[sflag:s21] =	ssyncset.done $0x0  }
0x7a: {  	s26 =	simm.s32 $0xB80;
	[sflag:s21] =	ssyncadd.s32 $0xFFFFC000  }
0x7b: {  	[spmem:s2] =	stream.indirect.scatter.add.f32 [tilespmem:s18], [sflag:$0x3], $0x80, s26, s15, $0xb8;
	[tilespmem:$0x1FC00] =	vst v63  }
0x7c: {  	_ =	swait.ge [sflag:s14], $0x4000  }
0x7d: {  	[sflag:s14] =	ssyncset.done $0x0  }
0x7e: {  	s9 =	simm.s32 $0xD00;
	[sflag:s14] =	ssyncadd.s32 $0xFFFFC000  }
0x7f: {  	[tilespmem:s18], [sflag:$0x2] =	stream.indirect.gather [hbm4b:s4+s15], $0x80, s9, s15, $0xb8;
	[tilespmem:$0x1FC00] =	vst v63  }
0x80: {  	_ =	swait.ge [sflag:s19], $0x4000  }
0x81: {  	[sflag:s19] =	ssyncset.done $0x0  }
0x82: {  	s25 =	simm.s32 $0xC80;
	[sflag:s19] =	ssyncadd.s32 $0xFFFFC000  }
0x83: {  	[spmem:s2] =	stream.indirect.scatter.add.f32 [tilespmem:s16], [sflag:$0x3], $0x80, s25, s15, $0xb8;
	[tilespmem:$0x1FC00] =	vst v63  }
0x84: {  	_ =	swait.ge [sflag:s14], $0x4000  }
0x85: {  	[sflag:s14] =	ssyncset.done $0x0  }
0x86: {  	s26 =	simm.s32 $0xE00;
	[sflag:s14] =	ssyncadd.s32 $0xFFFFC000  }
0x87: {  	[tilespmem:s16], [sflag:$0x1] =	stream.indirect.gather [hbm4b:s4+s15], $0x80, s26, s15, $0xb8;
	[tilespmem:$0x1FC00] =	vst v63  }
0x88: {  	_ =	swait.ge [sflag:s21], $0x4000  }
0x89: {  	[sflag:s21] =	ssyncset.done $0x0  }
0x8a: {  	s9 =	simm.s32 $0xD80;
	[sflag:s21] =	ssyncadd.s32 $0xFFFFC000  }
0x8b: {  	[spmem:s2] =	stream.indirect.scatter.add.f32 [tilespmem:s18], [sflag:$0x3], $0x80, s9, s15, $0xb8;
	[tilespmem:$0x1FC00] =	vst v63  }
0x8c: {  	_ =	swait.ge [sflag:s14], $0x4000  }
0x8d: {  	[sflag:s14] =	ssyncset.done $0x0  }
0x8e: {  	s25 =	simm.s32 $0xF00;
	[sflag:s14] =	ssyncadd.s32 $0xFFFFC000  }
0x8f: {  	[tilespmem:s18], [sflag:$0x2] =	stream.indirect.gather [hbm4b:s4+s15], $0x80, s25, s15, $0xb8;
	[tilespmem:$0x1FC00] =	vst v63  }
0x90: {  	_ =	swait.ge [sflag:s19], $0x4000  }
0x91: {  	[sflag:s19] =	ssyncset.done $0x0  }
0x92: {  	s26 =	simm.s32 $0xE80;
	[sflag:s19] =	ssyncadd.s32 $0xFFFFC000  }
0x93: {  	[spmem:s2] =	stream.indirect.scatter.add.f32 [tilespmem:s16], [sflag:$0x3], $0x80, s26, s15, $0xb8;
	[tilespmem:$0x1FC00] =	vst v63  }
0x94: {  	_ =	swait.ge [sflag:s14], $0x4000  }
0x95: {  	[sflag:s14] =	ssyncset.done $0x0  }
0x96: {  	s9 =	simm.s32 $0x1000;
	[sflag:s14] =	ssyncadd.s32 $0xFFFFC000  }
0x97: {  	[tilespmem:s16], [sflag:$0x1] =	stream.indirect.gather [hbm4b:s4+s15], $0x80, s9, s15, $0xb8;
	[tilespmem:$0x1FC00] =	vst v63  }
0x98: {  	_ =	swait.ge [sflag:s21], $0x4000  }
0x99: {  	[sflag:s21] =	ssyncset.done $0x0  }
0x9a: {  	s25 =	simm.s32 $0xF80;
	[sflag:s21] =	ssyncadd.s32 $0xFFFFC000  }
0x9b: {  	[spmem:s2] =	stream.indirect.scatter.add.f32 [tilespmem:s18], [sflag:$0x3], $0x80, s25, s15, $0xb8;
	[tilespmem:$0x1FC00] =	vst v63  }
0x9c: {  	_ =	swait.ge [sflag:s14], $0x4000  }
0x9d: {  	[sflag:s14] =	ssyncset.done $0x0  }
0x9e: {  	s26 =	simm.s32 $0x1100;
	[sflag:s14] =	ssyncadd.s32 $0xFFFFC000  }
0x9f: {  	[tilespmem:s18], [sflag:$0x2] =	stream.indirect.gather [hbm4b:s4+s15], $0x80, s26, s15, $0xb8;
	[tilespmem:$0x1FC00] =	vst v63  }
0xa0: {  	_ =	swait.ge [sflag:s19], $0x4000  }
0xa1: {  	[sflag:s19] =	ssyncset.done $0x0  }
0xa2: {  	s9 =	simm.s32 $0x1080;
	[sflag:s19] =	ssyncadd.s32 $0xFFFFC000  }
0xa3: {  	[spmem:s2] =	stream.indirect.scatter.add.f32 [tilespmem:s16], [sflag:$0x3], $0x80, s9, s15, $0xb8;
	[tilespmem:$0x1FC00] =	vst v63  }
0xa4: {  	_ =	swait.ge [sflag:s14], $0x4000  }
0xa5: {  	[sflag:s14] =	ssyncset.done $0x0  }
0xa6: {  	s25 =	simm.s32 $0x1200;
	[sflag:s14] =	ssyncadd.s32 $0xFFFFC000  }
0xa7: {  	[tilespmem:s16], [sflag:$0x1] =	stream.indirect.gather [hbm4b:s4+s15], $0x80, s25, s15, $0xb8;
	[tilespmem:$0x1FC00] =	vst v63  }
0xa8: {  	_ =	swait.ge [sflag:s21], $0x4000  }
0xa9: {  	[sflag:s21] =	ssyncset.done $0x0  }
0xaa: {  	s26 =	simm.s32 $0x1180;
	[sflag:s21] =	ssyncadd.s32 $0xFFFFC000  }
0xab: {  	[spmem:s2] =	stream.indirect.scatter.add.f32 [tilespmem:s18], [sflag:$0x3], $0x80, s26, s15, $0xb8;
	[tilespmem:$0x1FC00] =	vst v63  }
0xac: {  	_ =	swait.ge [sflag:s14], $0x4000  }
0xad: {  	[sflag:s14] =	ssyncset.done $0x0  }
0xae: {  	s25 =	simm.s32 $0x1300;
	[sflag:s14] =	ssyncadd.s32 $0xFFFFC000  }
0xaf: {  	[tilespmem:s18], [sflag:$0x2] =	stream.indirect.gather [hbm4b:s4+s15], $0x80, s25, s15, $0xb8;
	[tilespmem:$0x1FC00] =	vst v63  }
0xb0: {  	_ =	swait.ge [sflag:s19], $0x4000  }
0xb1: {  	[sflag:s19] =	ssyncset.done $0x0  }
0xb2: {  	s26 =	simm.s32 $0x1280;
	[sflag:s19] =	ssyncadd.s32 $0xFFFFC000  }
0xb3: {  	[spmem:s2] =	stream.indirect.scatter.add.f32 [tilespmem:s16], [sflag:$0x3], $0x80, s26, s15, $0xb8;
	[tilespmem:$0x1FC00] =	vst v63  }
0xb4: {  	_ =	swait.ge [sflag:s14], $0x4000  }
0xb5: {  	[sflag:s14] =	ssyncset.done $0x0  }
0xb6: {  	[sflag:s14] =	ssyncadd.s32 $0xFFFFC000  }
0xb7: {  	_ =	swait.ge [sflag:s21], $0x4000  }
0xb8: {  	[sflag:s21] =	ssyncset.done $0x0  }
0xb9: {  	s8 =	simm.s32 $0x1380;
	[sflag:s21] =	ssyncadd.s32 $0xFFFFC000  }
0xba: {  	[spmem:s2] =	stream.indirect.scatter.add.f32 [tilespmem:s18], [sflag:$0x3], $0x80, s8, s15, $0xb8;
	[tilespmem:$0x1FC00] =	vst v63  }
0xbb: {  	_ =	swait.ge [sflag:s14], $0x4000  }
0xbc: {  	[sflag:s14] =	ssyncset.done $0x0  }
0xbd: {  	s9 =	rddreg [dreg:$0x7];
	[sflag:s14] =	ssyncadd.s32 $0xFFFFC000  }
0xbe: {  	[tilespmem:s13], [sflag:$0x3] =	stream.linear.gather [hbm4b:s9+s13], $0x1400, $0x38;
	[tilespmem:$0x1FC00] =	vst v63  }
0xbf: {  	_ =	swait.ge [sflag:s14], $0x1400  }
0xc0: {  	[sflag:s14] =	ssyncset.done $0x0  }
0xc1: {  	[sflag:s14] =	ssyncadd.s32 $0xFFFFEC00  }
0xc2: {  	[tilespmem:s16], [sflag:$0x1] =	stream.indirect.gather [hbm4b:s4+s15], $0x80, s13, s15, $0xb8;
	[tilespmem:$0x1FC00] =	vst v63  }
0xc3: {  	_ = 	snop  }
0xc4: {  	[tilespmem:s18], [sflag:$0x2] =	stream.indirect.gather [hbm4b:s4+s15], $0x80, s28, s15, $0xb8;
	[tilespmem:$0x1FC00] =	vst v63  }
0xc5: {  	_ =	swait.ge [sflag:s19], $0x4000  }
0xc6: {  	[sflag:s19] =	ssyncset.done $0x0  }
0xc7: {  	[sflag:s19] =	ssyncadd.s32 $0xFFFFC000  }
0xc8: {  	[spmem:s2] =	stream.indirect.scatter.add.f32 [tilespmem:s16], [sflag:$0x3], $0x80, s15, s15, $0xb8;
	[tilespmem:$0x1FC00] =	vst v63  }
0xc9: {  	_ =	swait.ge [sflag:s14], $0x4000  }
0xca: {  	[sflag:s14] =	ssyncset.done $0x0  }
0xcb: {  	[sflag:s14] =	ssyncadd.s32 $0xFFFFC000  }
0xcc: {  	[tilespmem:s16], [sflag:$0x1] =	stream.indirect.gather [hbm4b:s4+s15], $0x80, s29, s15, $0xb8;
	[tilespmem:$0x1FC00] =	vst v63  }
0xcd: {  	_ =	swait.ge [sflag:s21], $0x4000  }
0xce: {  	[sflag:s21] =	ssyncset.done $0x0  }
0xcf: {  	[sflag:s21] =	ssyncadd.s32 $0xFFFFC000  }
0xd0: {  	[spmem:s2] =	stream.indirect.scatter.add.f32 [tilespmem:s18], [sflag:$0x3], $0x80, s10, s15, $0xb8;
	[tilespmem:$0x1FC00] =	vst v63  }
0xd1: {  	_ =	swait.ge [sflag:s14], $0x4000  }
0xd2: {  	[sflag:s14] =	ssyncset.done $0x0  }
0xd3: {  	[sflag:s14] =	ssyncadd.s32 $0xFFFFC000  }
0xd4: {  	[tilespmem:s18], [sflag:$0x2] =	stream.indirect.gather [hbm4b:s4+s15], $0x80, s30, s15, $0xb8;
	[tilespmem:$0x1FC00] =	vst v63  }
0xd5: {  	_ =	swait.ge [sflag:s19], $0x4000  }
0xd6: {  	[sflag:s19] =	ssyncset.done $0x0  }
0xd7: {  	[sflag:s19] =	ssyncadd.s32 $0xFFFFC000  }
0xd8: {  	[spmem:s2] =	stream.indirect.scatter.add.f32 [tilespmem:s16], [sflag:$0x3], $0x80, s31, s15, $0xb8;
	[tilespmem:$0x1FC00] =	vst v63  }
0xd9: {  	_ =	swait.ge [sflag:s14], $0x4000  }
0xda: {  	[sflag:s14] =	ssyncset.done $0x0  }
0xdb: {  	[sflag:s14] =	ssyncadd.s32 $0xFFFFC000  }
0xdc: {  	[tilespmem:s16], [sflag:$0x1] =	stream.indirect.gather [hbm4b:s4+s15], $0x80, s12, s15, $0xb8;
	[tilespmem:$0x1FC00] =	vst v63  }
0xdd: {  	_ =	swait.ge [sflag:s21], $0x4000  }
0xde: {  	[sflag:s21] =	ssyncset.done $0x0  }
0xdf: {  	[sflag:s21] =	ssyncadd.s32 $0xFFFFC000  }
0xe0: {  	[spmem:s2] =	stream.indirect.scatter.add.f32 [tilespmem:s18], [sflag:$0x3], $0x80, s3, s15, $0xb8;
	[tilespmem:$0x1FC00] =	vst v63  }
0xe1: {  	_ =	swait.ge [sflag:s14], $0x4000  }
0xe2: {  	[sflag:s14] =	ssyncset.done $0x0  }
0xe3: {  	[sflag:s14] =	ssyncadd.s32 $0xFFFFC000  }
0xe4: {  	[tilespmem:s18], [sflag:$0x2] =	stream.indirect.gather [hbm4b:s4+s15], $0x80, s17, s15, $0xb8;
	[tilespmem:$0x1FC00] =	vst v63  }
0xe5: {  	_ =	swait.ge [sflag:s19], $0x4000  }
0xe6: {  	[sflag:s19] =	ssyncset.done $0x0  }
0xe7: {  	[sflag:s19] =	ssyncadd.s32 $0xFFFFC000  }
0xe8: {  	[spmem:s2] =	stream.indirect.scatter.add.f32 [tilespmem:s16], [sflag:$0x3], $0x80, s20, s15, $0xb8;
	[tilespmem:$0x1FC00] =	vst v63  }
0xe9: {  	_ =	swait.ge [sflag:s14], $0x4000  }
0xea: {  	[sflag:s14] =	ssyncset.done $0x0  }
0xeb: {  	[sflag:s14] =	ssyncadd.s32 $0xFFFFC000  }
0xec: {  	[tilespmem:s16], [sflag:$0x1] =	stream.indirect.gather [hbm4b:s4+s15], $0x80, s22, s15, $0xb8;
	[tilespmem:$0x1FC00] =	vst v63  }
0xed: {  	_ =	swait.ge [sflag:s21], $0x4000  }
0xee: {  	[sflag:s21] =	ssyncset.done $0x0  }
0xef: {  	[sflag:s21] =	ssyncadd.s32 $0xFFFFC000  }
0xf0: {  	[spmem:s2] =	stream.indirect.scatter.add.f32 [tilespmem:s18], [sflag:$0x3], $0x80, s23, s15, $0xb8;
	[tilespmem:$0x1FC00] =	vst v63  }
0xf1: {  	_ =	swait.ge [sflag:s14], $0x4000  }
0xf2: {  	[sflag:s14] =	ssyncset.done $0x0  }
0xf3: {  	s28 =	simm.s32 $0x700;
	[sflag:s14] =	ssyncadd.s32 $0xFFFFC000  }
0xf4: {  	[tilespmem:s18], [sflag:$0x2] =	stream.indirect.gather [hbm4b:s4+s15], $0x80, s28, s15, $0xb8;
	[tilespmem:$0x1FC00] =	vst v63  }
0xf5: {  	_ =	swait.ge [sflag:s19], $0x4000  }
0xf6: {  	[sflag:s19] =	ssyncset.done $0x0  }
0xf7: {  	[sflag:s19] =	ssyncadd.s32 $0xFFFFC000  }
0xf8: {  	[spmem:s2] =	stream.indirect.scatter.add.f32 [tilespmem:s16], [sflag:$0x3], $0x80, s11, s15, $0xb8;
	[tilespmem:$0x1FC00] =	vst v63  }
0xf9: {  	_ =	swait.ge [sflag:s14], $0x4000  }
0xfa: {  	[sflag:s14] =	ssyncset.done $0x0  }
0xfb: {  	s28 =	simm.s32 $0x800;
	[sflag:s14] =	ssyncadd.s32 $0xFFFFC000  }
0xfc: {  	[tilespmem:s16], [sflag:$0x1] =	stream.indirect.gather [hbm4b:s4+s15], $0x80, s28, s15, $0xb8;
	[tilespmem:$0x1FC00] =	vst v63  }
0xfd: {  	_ =	swait.ge [sflag:s21], $0x4000  }
0xfe: {  	[sflag:s21] =	ssyncset.done $0x0  }
0xff: {  	s28 =	simm.s32 $0x780;
	[sflag:s21] =	ssyncadd.s32 $0xFFFFC000  }
0x100: {  	[spmem:s2] =	stream.indirect.scatter.add.f32 [tilespmem:s18], [sflag:$0x3], $0x80, s28, s15, $0xb8;
	[tilespmem:$0x1FC00] =	vst v63  }
0x101: {  	_ =	swait.ge [sflag:s14], $0x4000  }
0x102: {  	[sflag:s14] =	ssyncset.done $0x0  }
0x103: {  	s28 =	simm.s32 $0x900;
	[sflag:s14] =	ssyncadd.s32 $0xFFFFC000  }
0x104: {  	[tilespmem:s18], [sflag:$0x2] =	stream.indirect.gather [hbm4b:s4+s15], $0x80, s28, s15, $0xb8;
	[tilespmem:$0x1FC00] =	vst v63  }
0x105: {  	_ =	swait.ge [sflag:s19], $0x4000  }
0x106: {  	[sflag:s19] =	ssyncset.done $0x0  }
0x107: {  	s28 =	simm.s32 $0x880;
	[sflag:s19] =	ssyncadd.s32 $0xFFFFC000  }
0x108: {  	[spmem:s2] =	stream.indirect.scatter.add.f32 [tilespmem:s16], [sflag:$0x3], $0x80, s28, s15, $0xb8;
	[tilespmem:$0x1FC00] =	vst v63  }
0x109: {  	_ =	swait.ge [sflag:s14], $0x4000  }
0x10a: {  	[sflag:s14] =	ssyncset.done $0x0  }
0x10b: {  	s28 =	simm.s32 $0xA00;
	[sflag:s14] =	ssyncadd.s32 $0xFFFFC000  }
0x10c: {  	[tilespmem:s16], [sflag:$0x1] =	stream.indirect.gather [hbm4b:s4+s15], $0x80, s28, s15, $0xb8;
	[tilespmem:$0x1FC00] =	vst v63  }
0x10d: {  	_ =	swait.ge [sflag:s21], $0x4000  }
0x10e: {  	[sflag:s21] =	ssyncset.done $0x0  }
0x10f: {  	s28 =	simm.s32 $0x980;
	[sflag:s21] =	ssyncadd.s32 $0xFFFFC000  }
0x110: {  	[spmem:s2] =	stream.indirect.scatter.add.f32 [tilespmem:s18], [sflag:$0x3], $0x80, s28, s15, $0xb8;
	[tilespmem:$0x1FC00] =	vst v63  }
0x111: {  	_ =	swait.ge [sflag:s14], $0x4000  }
0x112: {  	[sflag:s14] =	ssyncset.done $0x0  }
0x113: {  	s28 =	simm.s32 $0xB00;
	[sflag:s14] =	ssyncadd.s32 $0xFFFFC000  }
0x114: {  	[tilespmem:s18], [sflag:$0x2] =	stream.indirect.gather [hbm4b:s4+s15], $0x80, s28, s15, $0xb8;
	[tilespmem:$0x1FC00] =	vst v63  }
0x115: {  	_ =	swait.ge [sflag:s19], $0x4000  }
0x116: {  	[sflag:s19] =	ssyncset.done $0x0  }
0x117: {  	s28 =	simm.s32 $0xA80;
	[sflag:s19] =	ssyncadd.s32 $0xFFFFC000  }
0x118: {  	[spmem:s2] =	stream.indirect.scatter.add.f32 [tilespmem:s16], [sflag:$0x3], $0x80, s28, s15, $0xb8;
	[tilespmem:$0x1FC00] =	vst v63  }
0x119: {  	_ =	swait.ge [sflag:s14], $0x4000  }
0x11a: {  	[sflag:s14] =	ssyncset.done $0x0  }
0x11b: {  	s28 =	simm.s32 $0xC00;
	[sflag:s14] =	ssyncadd.s32 $0xFFFFC000  }
0x11c: {  	[tilespmem:s16], [sflag:$0x1] =	stream.indirect.gather [hbm4b:s4+s15], $0x80, s28, s15, $0xb8;
	[tilespmem:$0x1FC00] =	vst v63  }
0x11d: {  	_ =	swait.ge [sflag:s21], $0x4000  }
0x11e: {  	[sflag:s21] =	ssyncset.done $0x0  }
0x11f: {  	s28 =	simm.s32 $0xB80;
	[sflag:s21] =	ssyncadd.s32 $0xFFFFC000  }
0x120: {  	[spmem:s2] =	stream.indirect.scatter.add.f32 [tilespmem:s18], [sflag:$0x3], $0x80, s28, s15, $0xb8;
	[tilespmem:$0x1FC00] =	vst v63  }
0x121: {  	_ =	swait.ge [sflag:s14], $0x4000  }
0x122: {  	[sflag:s14] =	ssyncset.done $0x0  }
0x123: {  	s28 =	simm.s32 $0xD00;
	[sflag:s14] =	ssyncadd.s32 $0xFFFFC000  }
0x124: {  	[tilespmem:s18], [sflag:$0x2] =	stream.indirect.gather [hbm4b:s4+s15], $0x80, s28, s15, $0xb8;
	[tilespmem:$0x1FC00] =	vst v63  }
0x125: {  	_ =	swait.ge [sflag:s19], $0x4000  }
0x126: {  	[sflag:s19] =	ssyncset.done $0x0  }
0x127: {  	s28 =	simm.s32 $0xC80;
	[sflag:s19] =	ssyncadd.s32 $0xFFFFC000  }
0x128: {  	[spmem:s2] =	stream.indirect.scatter.add.f32 [tilespmem:s16], [sflag:$0x3], $0x80, s28, s15, $0xb8;
	[tilespmem:$0x1FC00] =	vst v63  }
0x129: {  	_ =	swait.ge [sflag:s14], $0x4000  }
0x12a: {  	[sflag:s14] =	ssyncset.done $0x0  }
0x12b: {  	s28 =	simm.s32 $0xE00;
	[sflag:s14] =	ssyncadd.s32 $0xFFFFC000  }
0x12c: {  	[tilespmem:s16], [sflag:$0x1] =	stream.indirect.gather [hbm4b:s4+s15], $0x80, s28, s15, $0xb8;
	[tilespmem:$0x1FC00] =	vst v63  }
0x12d: {  	_ =	swait.ge [sflag:s21], $0x4000  }
0x12e: {  	[sflag:s21] =	ssyncset.done $0x0  }
0x12f: {  	s28 =	simm.s32 $0xD80;
	[sflag:s21] =	ssyncadd.s32 $0xFFFFC000  }
0x130: {  	[spmem:s2] =	stream.indirect.scatter.add.f32 [tilespmem:s18], [sflag:$0x3], $0x80, s28, s15, $0xb8;
	[tilespmem:$0x1FC00] =	vst v63  }
0x131: {  	_ =	swait.ge [sflag:s14], $0x4000  }
0x132: {  	[sflag:s14] =	ssyncset.done $0x0  }
0x133: {  	s28 =	simm.s32 $0xF00;
	[sflag:s14] =	ssyncadd.s32 $0xFFFFC000  }
0x134: {  	[tilespmem:s18], [sflag:$0x2] =	stream.indirect.gather [hbm4b:s4+s15], $0x80, s28, s15, $0xb8;
	[tilespmem:$0x1FC00] =	vst v63  }
0x135: {  	_ =	swait.ge [sflag:s19], $0x4000  }
0x136: {  	[sflag:s19] =	ssyncset.done $0x0  }
0x137: {  	s28 =	simm.s32 $0xE80;
	[sflag:s19] =	ssyncadd.s32 $0xFFFFC000  }
0x138: {  	[spmem:s2] =	stream.indirect.scatter.add.f32 [tilespmem:s16], [sflag:$0x3], $0x80, s28, s15, $0xb8;
	[tilespmem:$0x1FC00] =	vst v63  }
0x139: {  	_ =	swait.ge [sflag:s14], $0x4000  }
0x13a: {  	[sflag:s14] =	ssyncset.done $0x0  }
0x13b: {  	s28 =	simm.s32 $0x1000;
	[sflag:s14] =	ssyncadd.s32 $0xFFFFC000  }
0x13c: {  	[tilespmem:s16], [sflag:$0x1] =	stream.indirect.gather [hbm4b:s4+s15], $0x80, s28, s15, $0xb8;
	[tilespmem:$0x1FC00] =	vst v63  }
0x13d: {  	_ =	swait.ge [sflag:s21], $0x4000  }
0x13e: {  	[sflag:s21] =	ssyncset.done $0x0  }
0x13f: {  	s28 =	simm.s32 $0xF80;
	[sflag:s21] =	ssyncadd.s32 $0xFFFFC000  }
0x140: {  	[spmem:s2] =	stream.indirect.scatter.add.f32 [tilespmem:s18], [sflag:$0x3], $0x80, s28, s15, $0xb8;
	[tilespmem:$0x1FC00] =	vst v63  }
0x141: {  	_ =	swait.ge [sflag:s14], $0x4000  }
0x142: {  	[sflag:s14] =	ssyncset.done $0x0  }
0x143: {  	s28 =	simm.s32 $0x1100;
	[sflag:s14] =	ssyncadd.s32 $0xFFFFC000  }
0x144: {  	[tilespmem:s18], [sflag:$0x2] =	stream.indirect.gather [hbm4b:s4+s15], $0x80, s28, s15, $0xb8;
	[tilespmem:$0x1FC00] =	vst v63  }
0x145: {  	_ =	swait.ge [sflag:s19], $0x4000  }
0x146: {  	[sflag:s19] =	ssyncset.done $0x0  }
0x147: {  	s28 =	simm.s32 $0x1080;
	[sflag:s19] =	ssyncadd.s32 $0xFFFFC000  }
0x148: {  	[spmem:s2] =	stream.indirect.scatter.add.f32 [tilespmem:s16], [sflag:$0x3], $0x80, s28, s15, $0xb8;
	[tilespmem:$0x1FC00] =	vst v63  }
0x149: {  	_ =	swait.ge [sflag:s14], $0x4000  }
0x14a: {  	[sflag:s14] =	ssyncset.done $0x0  }
0x14b: {  	s28 =	simm.s32 $0x1200;
	[sflag:s14] =	ssyncadd.s32 $0xFFFFC000  }
0x14c: {  	[tilespmem:s16], [sflag:$0x1] =	stream.indirect.gather [hbm4b:s4+s15], $0x80, s28, s15, $0xb8;
	[tilespmem:$0x1FC00] =	vst v63  }
0x14d: {  	_ =	swait.ge [sflag:s21], $0x4000  }
0x14e: {  	[sflag:s21] =	ssyncset.done $0x0  }
0x14f: {  	s28 =	simm.s32 $0x1180;
	[sflag:s21] =	ssyncadd.s32 $0xFFFFC000  }
0x150: {  	[spmem:s2] =	stream.indirect.scatter.add.f32 [tilespmem:s18], [sflag:$0x3], $0x80, s28, s15, $0xb8;
	[tilespmem:$0x1FC00] =	vst v63  }
0x151: {  	_ =	swait.ge [sflag:s14], $0x4000  }
0x152: {  	[sflag:s14] =	ssyncset.done $0x0  }
0x153: {  	s3 =	simm.s32 $0x0;
	[sflag:s14] =	ssyncadd.s32 $0xFFFFC000  }
.LBB2_9:
0x154: {  	[tilespmem:s18], [sflag:$0x2] =	stream.indirect.gather [hbm4b:s4+s15], $0x80, s25, s15, $0xb8;
	[tilespmem:$0x1FC00] =	vst v63  }
0x155: {  	_ =	swait.ge [sflag:s19], $0x4000  }
0x156: {  	[sflag:s19] =	ssyncset.done $0x0  }
0x157: {  	[sflag:s19] =	ssyncadd.s32 $0xFFFFC000  }
0x158: {  	[spmem:s2] =	stream.indirect.scatter.add.f32 [tilespmem:s16], [sflag:$0x3], $0x80, s26, s15, $0xb8;
	[tilespmem:$0x1FC00] =	vst v63  }
0x159: {  	_ =	swait.ge [sflag:s14], $0x4000  }
0x15a: {  	[sflag:s14] =	ssyncset.done $0x0  }
0x15b: {  	[sflag:s14] =	ssyncadd.s32 $0xFFFFC000  }
0x15c: {  	_ =	swait.ge [sflag:s21], $0x4000  }
0x15d: {  	[sflag:s21] =	ssyncset.done $0x0  }
0x15e: {  	[sflag:s21] =	ssyncadd.s32 $0xFFFFC000  }
0x15f: {  	[spmem:s2] =	stream.indirect.scatter.add.f32 [tilespmem:s18], [sflag:$0x3], $0x80, s8, s15, $0xb8;
	[tilespmem:$0x1FC00] =	vst v63  }
0x160: {  	_ =	swait.ge [sflag:s14], $0x4000  }
0x161: {  	s24 =	sadd.s32 $0x1, s24;
	[sflag:s14] =	ssyncset.done $0x0  }
0x162: {  	p1 =	sne.s32 s24, s1;
	[sflag:s14] =	ssyncadd.s32 $0xFFFFC000  }
.Ltmp1:
0x163: {  	[bflag:$0x0] =	sbarrier.arrive $0xFFFF;
	(pc) =	sbr.rel @!p1 .LBB2_10-.Ltmp1, $4  }
0x164: {  	[hbm:s0], [sflag:s6] =	dma.local [spmem:s7], $0x2800  }
0x165: {  	_ =	swait.ge [sflag:s14], $0x2800  }
0x166: {  	[sflag:s14] =	ssyncset.done $0x0  }
0x167: {  	[sflag:s14] =	ssyncadd.s32 $0xFFFFD800  }
.LBB2_1:
0x168: {  	[spmem:s7], [sflag:s6] =	dma.local [hbm:s5], $0x2800  }
.Ltmp2:
0x169: {  	_ =	swait.ge [sflag:s14], $0x2800;
	(pc) =	sbr.rel @p0 .LBB2_8-.Ltmp2, $3  }
0x16a: {  	[sflag:s14] =	ssyncset.done $0x0  }
0x16b: {  	[sflag:s14] =	ssyncadd.s32 $0xFFFFD800  }
0x16c: {  	[bflag:$0x0] =	sbarrier.arrive $0xFFFF;
	_ =	sdelay $0x1  }
0x16d: {  	s8 =	rddreg [dreg:$0x4]  }
0x16e: {  	[tilespmem:s3], [sflag:$0x3] =	stream.linear.gather [hbm4b:s8+s3], $0x3C00, $0x38;
	[tilespmem:$0x1FC00] =	vst v63  }
0x16f: {  	_ =	swait.ge [sflag:s14], $0x3C00  }
0x170: {  	[sflag:s14] =	ssyncset.done $0x0  }
0x171: {  	[sflag:s14] =	ssyncadd.s32 $0xFFFFC400  }
0x172: {  	[tilespmem:s16], [sflag:$0x1] =	stream.indirect.gather [hbm4b:s4+s15], $0x80, s3, s15, $0xb8;
	[tilespmem:$0x1FC00] =	vst v63  }
0x173: {  	s9 =	simm.s32 $0x100  }
0x174: {  	[tilespmem:s18], [sflag:$0x2] =	stream.indirect.gather [hbm4b:s4+s15], $0x80, s9, s15, $0xb8;
	[tilespmem:$0x1FC00] =	vst v63  }
0x175: {  	_ =	swait.ge [sflag:s19], $0x4000  }
0x176: {  	[sflag:s19] =	ssyncset.done $0x0  }
0x177: {  	s25 =	simm.s32 $0x80;
	[sflag:s19] =	ssyncadd.s32 $0xFFFFC000  }
0x178: {  	[spmem:s2] =	stream.indirect.scatter.add.f32 [tilespmem:s16], [sflag:$0x3], $0x80, s25, s15, $0xb8;
	[tilespmem:$0x1FC00] =	vst v63  }
0x179: {  	_ =	swait.ge [sflag:s14], $0x4000  }
0x17a: {  	[sflag:s14] =	ssyncset.done $0x0  }
0x17b: {  	s26 =	simm.s32 $0x200;
	[sflag:s14] =	ssyncadd.s32 $0xFFFFC000  }
0x17c: {  	[tilespmem:s16], [sflag:$0x1] =	stream.indirect.gather [hbm4b:s4+s15], $0x80, s26, s15, $0xb8;
	[tilespmem:$0x1FC00] =	vst v63  }
0x17d: {  	_ =	swait.ge [sflag:s21], $0x4000  }
0x17e: {  	[sflag:s21] =	ssyncset.done $0x0  }
0x17f: {  	s28 =	simm.s32 $0x180;
	[sflag:s21] =	ssyncadd.s32 $0xFFFFC000  }
0x180: {  	[spmem:s2] =	stream.indirect.scatter.add.f32 [tilespmem:s18], [sflag:$0x3], $0x80, s28, s15, $0xb8;
	[tilespmem:$0x1FC00] =	vst v63  }
0x181: {  	_ =	swait.ge [sflag:s14], $0x4000  }
0x182: {  	s8 =	simm.s32 $0xFFFFC800;
	s25 =	simm.s32 $0xFFFF2800;
	[sflag:s14] =	ssyncset.done $0x0  }
.LBB2_3:
0x183: {  	s26 =	sadd.s32 $0x3B00, s8  }
0x184: {  	[sflag:s14] =	ssyncadd.s32 $0xFFFFC000;
	s28 =	smov.u32 s25;
	s9 =	sadd.s32 $0x800, s25  }
0x185: {  	[tilespmem:s18], [sflag:$0x2] =	stream.indirect.gather [hbm4b:s4+s15], $0x80, s26, s15, $0xb8;
	[tilespmem:$0x1FC00] =	vst v63  }
0x186: {  	p1 =	sne.s32 s25, $0xFFFFF800;
	_ =	swait.ge [sflag:s19], $0x4000  }
0x187: {  	[sflag:s19] =	ssyncset.done $0x0  }
0x188: {  	s25 =	sadd.s32 $0x3A80, s8;
	[sflag:s19] =	ssyncadd.s32 $0xFFFFC000  }
0x189: {  	[spmem:s2] =	stream.indirect.scatter.add.f32 [tilespmem:s16], [sflag:$0x3], $0x80, s25, s15, $0xb8;
	[tilespmem:$0x1FC00] =	vst v63  }
0x18a: {  	_ =	swait.ge [sflag:s14], $0x4000  }
0x18b: {  	[sflag:s14] =	ssyncset.done $0x0  }
0x18c: {  	s25 =	sadd.s32 $0x3C00, s8;
	[sflag:s14] =	ssyncadd.s32 $0xFFFFC000  }
0x18d: {  	[tilespmem:s16], [sflag:$0x1] =	stream.indirect.gather [hbm4b:s4+s15], $0x80, s25, s15, $0xb8;
	[tilespmem:$0x1FC00] =	vst v63  }
0x18e: {  	_ =	swait.ge [sflag:s21], $0x4000  }
.Ltmp3:
0x18f: {  	[sflag:s21] =	ssyncset.done $0x0;
	(pc) =	sbr.rel @p1 .LBB2_3-.Ltmp3, $4  }
0x190: {  	s8 =	sadd.s32 $0x3B80, s8;
	[sflag:s21] =	ssyncadd.s32 $0xFFFFC000  }
0x191: {  	[spmem:s2] =	stream.indirect.scatter.add.f32 [tilespmem:s18], [sflag:$0x3], $0x80, s8, s15, $0xb8;
	[tilespmem:$0x1FC00] =	vst v63  }
0x192: {  	_ =	swait.ge [sflag:s14], $0x4000  }
0x193: {  	s25 =	smov.u32 s9;
	s8 =	sshra.s32 s28, $0x2;
	[sflag:s14] =	ssyncset.done $0x0  }
0x194: {  	s9 =	sadd.s32 $0x3B00, s8;
	[sflag:s14] =	ssyncadd.s32 $0xFFFFC000  }
0x195: {  	[tilespmem:s18], [sflag:$0x2] =	stream.indirect.gather [hbm4b:s4+s15], $0x80, s9, s15, $0xb8;
	[tilespmem:$0x1FC00] =	vst v63  }
0x196: {  	_ =	swait.ge [sflag:s19], $0x4000  }
0x197: {  	[sflag:s19] =	ssyncset.done $0x0  }
0x198: {  	s25 =	sadd.s32 $0x3A80, s8;
	[sflag:s19] =	ssyncadd.s32 $0xFFFFC000  }
0x199: {  	[spmem:s2] =	stream.indirect.scatter.add.f32 [tilespmem:s16], [sflag:$0x3], $0x80, s25, s15, $0xb8;
	[tilespmem:$0x1FC00] =	vst v63  }
0x19a: {  	_ =	swait.ge [sflag:s14], $0x4000  }
0x19b: {  	[sflag:s14] =	ssyncset.done $0x0  }
0x19c: {  	s26 =	sadd.s32 $0x3C00, s8;
	[sflag:s14] =	ssyncadd.s32 $0xFFFFC000  }
0x19d: {  	[tilespmem:s16], [sflag:$0x1] =	stream.indirect.gather [hbm4b:s4+s15], $0x80, s26, s15, $0xb8;
	[tilespmem:$0x1FC00] =	vst v63  }
0x19e: {  	_ =	swait.ge [sflag:s21], $0x4000  }
0x19f: {  	[sflag:s21] =	ssyncset.done $0x0  }
0x1a0: {  	s28 =	sadd.s32 $0x3B80, s8;
	[sflag:s21] =	ssyncadd.s32 $0xFFFFC000  }
0x1a1: {  	[spmem:s2] =	stream.indirect.scatter.add.f32 [tilespmem:s18], [sflag:$0x3], $0x80, s28, s15, $0xb8;
	[tilespmem:$0x1FC00] =	vst v63  }
0x1a2: {  	_ =	swait.ge [sflag:s14], $0x4000  }
0x1a3: {  	[sflag:s14] =	ssyncset.done $0x0  }
0x1a4: {  	s9 =	simm.s32 $0x3B00;
	[sflag:s14] =	ssyncadd.s32 $0xFFFFC000  }
0x1a5: {  	[tilespmem:s18], [sflag:$0x2] =	stream.indirect.gather [hbm4b:s4+s15], $0x80, s9, s15, $0xb8;
	[tilespmem:$0x1FC00] =	vst v63  }
0x1a6: {  	_ =	swait.ge [sflag:s19], $0x4000  }
0x1a7: {  	[sflag:s19] =	ssyncset.done $0x0  }
0x1a8: {  	s25 =	simm.s32 $0x3A80;
	[sflag:s19] =	ssyncadd.s32 $0xFFFFC000  }
0x1a9: {  	[spmem:s2] =	stream.indirect.scatter.add.f32 [tilespmem:s16], [sflag:$0x3], $0x80, s25, s15, $0xb8;
	[tilespmem:$0x1FC00] =	vst v63  }
0x1aa: {  	_ =	swait.ge [sflag:s14], $0x4000  }
0x1ab: {  	[sflag:s14] =	ssyncset.done $0x0  }
0x1ac: {  	[sflag:s14] =	ssyncadd.s32 $0xFFFFC000  }
0x1ad: {  	_ =	swait.ge [sflag:s21], $0x4000  }
0x1ae: {  	[sflag:s21] =	ssyncset.done $0x0  }
0x1af: {  	s26 =	simm.s32 $0x3B80;
	[sflag:s21] =	ssyncadd.s32 $0xFFFFC000  }
0x1b0: {  	[spmem:s2] =	stream.indirect.scatter.add.f32 [tilespmem:s18], [sflag:$0x3], $0x80, s26, s15, $0xb8;
	[tilespmem:$0x1FC00] =	vst v63  }
0x1b1: {  	_ =	swait.ge [sflag:s14], $0x4000  }
0x1b2: {  	[sflag:s14] =	ssyncset.done $0x0  }
0x1b3: {  	p2 =	por $0x0, $0x0;
	s28 =	rddreg [dreg:$0x5];
	[sflag:s14] =	ssyncadd.s32 $0xFFFFC000  }
0x1b4: {  	[tilespmem:s3], [sflag:$0x3] =	stream.linear.gather [hbm4b:s28+s3], $0x3C00, $0x38;
	[tilespmem:$0x1FC00] =	vst v63  }
.Ltmp4:
0x1b5: {  	_ = 	snop;
	(pc) =	sbr.rel @p2 .LBB2_7-.Ltmp4, $4  }
0x1b6: {  	_ =	swait.ge [sflag:s14], $0x3C00  }
0x1b7: {  	[sflag:s14] =	ssyncset.done $0x0  }
0x1b8: {  	s8 =	simm.s32 $0xFFFFC600;
	p1 =	por $0x0, $0x0;
	[sflag:s14] =	ssyncadd.s32 $0xFFFFC400  }
0x1b9: {  	[tilespmem:s16], [sflag:$0x1] =	stream.indirect.gather [hbm4b:s4+s15], $0x80, s3, s15, $0xb8;
	[tilespmem:$0x1FC00] =	vst v63  }
0x1ba: {  	s8 =	simm.s32 $0x100  }
0x1bb: {  	[tilespmem:s18], [sflag:$0x2] =	stream.indirect.gather [hbm4b:s4+s15], $0x80, s8, s15, $0xb8;
	[tilespmem:$0x1FC00] =	vst v63  }
0x1bc: {  	_ =	swait.ge [sflag:s19], $0x4000  }
0x1bd: {  	[sflag:s19] =	ssyncset.done $0x0  }
0x1be: {  	s25 =	simm.s32 $0x80;
	[sflag:s19] =	ssyncadd.s32 $0xFFFFC000  }
0x1bf: {  	[spmem:s2] =	stream.indirect.scatter.add.f32 [tilespmem:s16], [sflag:$0x3], $0x80, s25, s15, $0xb8;
	[tilespmem:$0x1FC00] =	vst v63  }
0x1c0: {  	_ =	swait.ge [sflag:s14], $0x4000  }
0x1c1: {  	[sflag:s14] =	ssyncset.done $0x0  }
0x1c2: {  	s26 =	simm.s32 $0x200;
	[sflag:s14] =	ssyncadd.s32 $0xFFFFC000  }
0x1c3: {  	[tilespmem:s16], [sflag:$0x1] =	stream.indirect.gather [hbm4b:s4+s15], $0x80, s26, s15, $0xb8;
	[tilespmem:$0x1FC00] =	vst v63  }
0x1c4: {  	p2 =	por $0x0, $0x0;
	_ =	swait.ge [sflag:s21], $0x4000  }
.Ltmp5:
0x1c5: {  	[sflag:s21] =	ssyncset.done $0x0;
	(pc) =	sbr.rel @p2 .LBB2_7-.Ltmp5, $4  }
0x1c6: {  	s28 =	simm.s32 $0x180;
	[sflag:s21] =	ssyncadd.s32 $0xFFFFC000  }
0x1c7: {  	[spmem:s2] =	stream.indirect.scatter.add.f32 [tilespmem:s18], [sflag:$0x3], $0x80, s28, s15, $0xb8;
	[tilespmem:$0x1FC00] =	vst v63  }
0x1c8: {  	p1 =	por $0x1, $0x1;
	_ =	swait.ge [sflag:s14], $0x4000  }
0x1c9: {  	s8 =	simm.s32 $0xFFFFC800;
	s25 =	simm.s32 $0xFFFF2800;
	[sflag:s14] =	ssyncset.done $0x0  }
.LBB2_6:
0x1ca: {  	s9 =	sadd.s32 $0x3B00, s8  }
0x1cb: {  	[sflag:s14] =	ssyncadd.s32 $0xFFFFC000;
	s26 =	smov.u32 s25;
	s28 =	sadd.s32 $0x800, s25  }
0x1cc: {  	[tilespmem:s18], [sflag:$0x2] =	stream.indirect.gather [hbm4b:s4+s15], $0x80, s9, s15, $0xb8;
	[tilespmem:$0x1FC00] =	vst v63  }
0x1cd: {  	p2 =	seq.s32 s25, $0xFFFFF800;
	_ =	swait.ge [sflag:s19], $0x4000  }
0x1ce: {  	[sflag:s19] =	ssyncset.done $0x0  }
0x1cf: {  	s9 =	sadd.s32 $0x3A80, s8;
	[sflag:s19] =	ssyncadd.s32 $0xFFFFC000  }
0x1d0: {  	[spmem:s2] =	stream.indirect.scatter.add.f32 [tilespmem:s16], [sflag:$0x3], $0x80, s9, s15, $0xb8;
	[tilespmem:$0x1FC00] =	vst v63  }
0x1d1: {  	_ =	swait.ge [sflag:s14], $0x4000  }
0x1d2: {  	[sflag:s14] =	ssyncset.done $0x0  }
0x1d3: {  	s9 =	sadd.s32 $0x3C00, s8;
	[sflag:s14] =	ssyncadd.s32 $0xFFFFC000  }
0x1d4: {  	[tilespmem:s16], [sflag:$0x1] =	stream.indirect.gather [hbm4b:s4+s15], $0x80, s9, s15, $0xb8;
	[tilespmem:$0x1FC00] =	vst v63  }
0x1d5: {  	_ =	swait.ge [sflag:s21], $0x4000  }
.Ltmp6:
0x1d6: {  	[sflag:s21] =	ssyncset.done $0x0;
	(pc) =	sbr.rel @!p2 .LBB2_6-.Ltmp6, $4  }
0x1d7: {  	s8 =	sadd.s32 $0x3B80, s8;
	[sflag:s21] =	ssyncadd.s32 $0xFFFFC000  }
0x1d8: {  	[spmem:s2] =	stream.indirect.scatter.add.f32 [tilespmem:s18], [sflag:$0x3], $0x80, s8, s15, $0xb8;
	[tilespmem:$0x1FC00] =	vst v63  }
0x1d9: {  	_ =	swait.ge [sflag:s14], $0x4000  }
0x1da: {  	s25 =	smov.u32 s28;
	s8 =	sshra.s32 s26, $0x2;
	[sflag:s14] =	ssyncset.done $0x0  }
.LBB2_7:
0x1db: {  	s9 =	sadd.s32 $0x3B00, s8;
	[sflag:s14] =	ssyncadd.s32 @p1 $0xFFFFC000  }
0x1dc: {  	[tilespmem:s18], [sflag:$0x2] =	stream.indirect.gather [hbm4b:s4+s15], $0x80, s9, s15, $0xb8;
	[tilespmem:$0x1FC00] =	vst v63  }
0x1dd: {  	_ =	swait.ge [sflag:s19], $0x4000  }
0x1de: {  	[sflag:s19] =	ssyncset.done $0x0  }
0x1df: {  	s25 =	sadd.s32 $0x3A80, s8;
	[sflag:s19] =	ssyncadd.s32 $0xFFFFC000  }
0x1e0: {  	[spmem:s2] =	stream.indirect.scatter.add.f32 [tilespmem:s16], [sflag:$0x3], $0x80, s25, s15, $0xb8;
	[tilespmem:$0x1FC00] =	vst v63  }
0x1e1: {  	_ =	swait.ge [sflag:s14], $0x4000  }
0x1e2: {  	[sflag:s14] =	ssyncset.done $0x0  }
0x1e3: {  	s26 =	sadd.s32 $0x3C00, s8;
	[sflag:s14] =	ssyncadd.s32 $0xFFFFC000  }
0x1e4: {  	[tilespmem:s16], [sflag:$0x1] =	stream.indirect.gather [hbm4b:s4+s15], $0x80, s26, s15, $0xb8;
	[tilespmem:$0x1FC00] =	vst v63  }
0x1e5: {  	_ =	swait.ge [sflag:s21], $0x4000  }
0x1e6: {  	[sflag:s21] =	ssyncset.done $0x0  }
.Ltmp7:
0x1e7: {  	s28 =	sadd.s32 $0x3B80, s8;
	[sflag:s21] =	ssyncadd.s32 $0xFFFFC000;
	(pc) =	sbr.rel .LBB2_9-.Ltmp7, $4  }
0x1e8: {  	[spmem:s2] =	stream.indirect.scatter.add.f32 [tilespmem:s18], [sflag:$0x3], $0x80, s28, s15, $0xb8;
	[tilespmem:$0x1FC00] =	vst v63  }
0x1e9: {  	_ =	swait.ge [sflag:s14], $0x4000  }
0x1ea: {  	s8 =	simm.s32 $0x3B80;
	[sflag:s14] =	ssyncset.done $0x0  }
0x1eb: {  	s25 =	simm.s32 $0x3B00;
	s26 =	simm.s32 $0x3A80;
	[sflag:s14] =	ssyncadd.s32 $0xFFFFC000  }
.LBB2_10:
0x1ec: {  	_ =	sfence.sel $0x180000  }
0x1ed: {  	[bflag:$0x0] =	sbarrier.arrive $0xFFFF  }
0x1ee: {  	_ =	strace $0x9000004D  }
0x1ef: {  	s0 =	stileid.u32;
	[bflag:$0x2] =	sbarrier.arrive $0xFFFF  }
0x1f0: {  	p0 =	sne.s32 s0, $0x0;
	s0 =	rddreg [dreg:$0x3]  }
0x1f1: {  	s0 =	sadd.s32 @!p0 $0x100000, s0  }
0x1f2: {  	[sflag:s0] =	ssyncadd.tile.s32 @!p0 $0x1;
	_ =	shalt  }
.Lfunc_end2:
_tile_overlayer_lowered:
.L_overlay_start_2:
0x1f3: {  	(tag) =	ssettag $0x2  }
0x1f4: {  	s0 =	rddreg [dreg:$0x0];
	s2 =	stileid.u32  }
0x1f5: {  	s1 =	rddreg [dreg:$0x1];
	p0 =	sne.s32 s2, $0x0  }
0x1f6: {  	s3 =	rddreg [dreg:$0x2];
	[bflag:$0x3] =	sbarrier.arrive $0xFFFF;
	s2 =	simm.s32 @!p0 $0x1C03  }
0x1f7: {  	[timem:s3], [sflag:s2] =	dma.local @!p0 [hbm:s0], s1  }
0x1f8: {  	s0 =	simm.s32 @!p0 $0x3  }
0x1f9: {  	_ =	swait.ge @!p0 [sflag:s0], s1  }
0x1fa: {  	s1 =	ssub.s32 @!p0 $0x0, s1;
	[sflag:s0] =	ssyncset.done @!p0 $0x0  }
0x1fb: {  	[sflag:s0] =	ssyncadd.s32 @!p0 s1  }
0x1fc: {  	[bflag:$0x3] =	sbarrier.arrive $0xFFFF  }
0x1fd: {  	_ =	shalt  }

// kernel: kernel.9.cloned.1.call-start
scs
__scs_entry_jumppad:
0x0: {  	(pc) =	sbr.rel $0x88, $3  }
0x1: {  	(tag) =	ssettag $0x0;
	lr =	simm.s32 $0x1  }
0x2: {  	[smem:$0x3F9B] =	sst lr;
	_ =	strace $0xD0000000  }
0x3: {  	_ = 	snop  }
0x4: {  	_ = 	snop  }
0x5: {  	_ = 	snop  }
0x6: {  	_ = 	snop  }
0x7: {  	_ = 	snop  }
__scs_overlays_trampoline_lowered:
0x8: {  	[smem:$0x3FAA] =	sst s0  }
0x9: {  	[smem:$0x3FAB] =	sst s1  }
0xa: {  	[smem:$0x3FAC] =	sst s2  }
0xb: {  	[smem:$0x3FAD] =	sst s3  }
0xc: {  	[smem:$0x3FAE] =	sst s4  }
0xd: {  	[smem:$0x3FAF] =	sst s5  }
0xe: {  	[smem:$0x3FB0] =	sst s6  }
0xf: {  	[smem:$0x3FB1] =	sst s7  }
0x10: {  	[smem:$0x3FB2] =	sst s8  }
0x11: {  	[smem:$0x3FB3] =	sst s9;
	s0 =	simm.s32 @!p0 $0x0  }
0x12: {  	s1 =	sld [smem:$0x3F99];
	s0 =	simm.s32 @p0 $0x1  }
0x13: {  	[smem:$0x3FB4] =	sst s0;
	s0 =	simm.s32 @!p1 $0x0  }
0x14: {  	s2 =	sld [smem:$0x3F98];
	s0 =	simm.s32 @p1 $0x1  }
0x15: {  	[smem:$0x3FB5] =	sst s0;
	s0 =	simm.s32 @!p2 $0x0  }
0x16: {  	s3 =	sld [smem:$0x3FDB];
	s0 =	simm.s32 @p2 $0x1  }
0x17: {  	s4 =	simm.s32 $0x1BF5;
	[smem:$0x3FB7] =	sst s0  }
0x18: {  	s0 =	sld [smem:$0x3F9A];
	_ =	swait.ge [sflag:s4], $0x0  }
0x19: {  	s7 =	sld [smem:$0x3F9B]  }
0x1a: {  	s8 =	sadd.s32 $0xFFFFE003, lr  }
0x1b: {  	s9 =	sadd.s32 $0xFFFFFEF7, lr;
	s5 =	simm.s32 $0xFFFFFFFF;
	p2 =	slt.u32 s8, $0xFFFFF086  }
0x1c: {  	p1 =	slt.u32 s9, $0xF7A;
	s5 =	simm.s32 @!p2 $0x0  }
0x1d: {  	s5 =	simm.s32 @p1 $0x1;
	p0 =	seq.s32 s7, s2  }
0x1e: {  	s7 =	smul.u32 @!p0 $0xF7A, s2;
	p2 =	seq.s32 @!p0 s5, $0x0  }
0x1f: {  	s9 =	smul.u32 $0xF7A, s1;
	s8 =	simm.s32 @!p0 $0x1BF5;
	p2 =	por !p2, p0  }
0x20: {  	[sflag:s8] =	ssyncset.s32 @!p0 $0xFFFFF086;
	s6 =	sadd.s32 @!p0 s3, s7;
	s7 =	simm.s32 @!p0 $0x108  }
0x21: {  	s3 =	sadd.s32 s3, s9;
	s6 =	sadd.s32 @!p0 $0x88, s6;
	s7 =	simm.s32 @p2 $0x1082  }
0x22: {  	[simem:s7], [sflag:s8] =	dma.local @!p0 [hbm:s6], $0xF7A  }
0x23: {  	s9 =	sor.u32 $0xD0000000, s2;
	s6 =	simm.s32 $0x108;
	_ =	swait.ge @!p0 [sflag:s8], $0x0  }
0x24: {  	s3 =	sadd.s32 $0x88, s3;
	s6 =	simm.s32 @!p1 $0x1082;
	[sflag:s4] =	ssyncset.s32 $0xFFFFF086  }
0x25: {  	[simem:s6], [sflag:s4] =	dma.local [hbm:s3], $0xF7A  }
0x26: {  	[smem:$0x3F9B] =	sst s1;
	(tag) =	ssettag s2;
	_ =	strace s9  }
0x27: {  	s1 =	sld [smem:$0x3FAB]  }
0x28: {  	s2 =	sld [smem:$0x3FAC]  }
0x29: {  	s4 =	sld [smem:$0x3FAE]  }
0x2a: {  	p0 =	seq.s32 s5, $0x0;
	s5 =	sld [smem:$0x3FAF]  }
0x2b: {  	s6 =	sld [smem:$0x3FB0]  }
0x2c: {  	s7 =	sld [smem:$0x3FB1]  }
0x2d: {  	s3 =	simm.s32 $0x108;
	s8 =	sld [smem:$0x3FB2]  }
0x2e: {  	s3 =	simm.s32 @!p0 $0x1082;
	s9 =	sld [smem:$0x3FB3]  }
0x2f: {  	lr =	sadd.s32 s0, s3;
	s0 =	sld [smem:$0x3FAA]  }
0x30: {  	s3 =	sld [smem:$0x3FAD]  }
0x31: {  	[smem:$0x3FB6] =	sst s10  }
0x32: {  	s10 =	sld [smem:$0x3FB4];
	_ =	sdelay $0x3  }
0x33: {  	p0 =	seq.s32 s10, $0x1;
	s10 =	sld [smem:$0x3FB6];
	_ =	sdelay $0x3  }
0x34: {  	[smem:$0x3FB6] =	sst s10  }
0x35: {  	s10 =	sld [smem:$0x3FB5];
	_ =	sdelay $0x3  }
0x36: {  	p1 =	seq.s32 s10, $0x1;
	s10 =	sld [smem:$0x3FB6];
	_ =	sdelay $0x3  }
0x37: {  	[smem:$0x3FB6] =	sst s10  }
0x38: {  	s10 =	sld [smem:$0x3FB7]  }
0x39: {  	_ = 	snop;
	(pc) =	sbr.ind lr, $3  }
0x3a: {  	_ = 	snop  }
0x3b: {  	_ = 	snop  }
0x3c: {  	p2 =	seq.s32 s10, $0x1;
	s10 =	sld [smem:$0x3FB6]  }
0x3d: {  	_ =	shalt  }
0x3e: {  	_ =	shalt  }
0x3f: {  	_ =	shalt  }
0x40: {  	_ =	shalt  }
0x41: {  	_ =	shalt  }
0x42: {  	_ =	shalt  }
0x43: {  	_ =	shalt  }
0x44: {  	_ =	shalt  }
0x45: {  	_ =	shalt  }
0x46: {  	_ =	shalt  }
0x47: {  	_ =	shalt  }
0x48: {  	_ =	shalt  }
0x49: {  	_ =	shalt  }
0x4a: {  	_ =	shalt  }
0x4b: {  	_ =	shalt  }
0x4c: {  	_ =	shalt  }
0x4d: {  	_ =	shalt  }
0x4e: {  	_ =	shalt  }
0x4f: {  	_ =	shalt  }
0x50: {  	_ =	shalt  }
0x51: {  	_ =	shalt  }
0x52: {  	_ =	shalt  }
0x53: {  	_ =	shalt  }
0x54: {  	_ =	shalt  }
0x55: {  	_ =	shalt  }
0x56: {  	_ =	shalt  }
0x57: {  	_ =	shalt  }
0x58: {  	_ =	shalt  }
0x59: {  	_ =	shalt  }
0x5a: {  	_ =	shalt  }
0x5b: {  	_ =	shalt  }
0x5c: {  	_ =	shalt  }
0x5d: {  	_ =	shalt  }
0x5e: {  	_ =	shalt  }
0x5f: {  	_ =	shalt  }
0x60: {  	_ =	shalt  }
0x61: {  	_ =	shalt  }
0x62: {  	_ =	shalt  }
0x63: {  	_ =	shalt  }
0x64: {  	_ =	shalt  }
0x65: {  	_ =	shalt  }
0x66: {  	_ =	shalt  }
0x67: {  	_ =	shalt  }
0x68: {  	_ =	shalt  }
0x69: {  	_ =	shalt  }
0x6a: {  	_ =	shalt  }
0x6b: {  	_ =	shalt  }
0x6c: {  	_ =	shalt  }
0x6d: {  	_ =	shalt  }
0x6e: {  	_ =	shalt  }
0x6f: {  	_ =	shalt  }
0x70: {  	_ =	shalt  }
0x71: {  	_ =	shalt  }
0x72: {  	_ =	shalt  }
0x73: {  	_ =	shalt  }
0x74: {  	_ =	shalt  }
0x75: {  	_ =	shalt  }
0x76: {  	_ =	shalt  }
0x77: {  	_ =	shalt  }
0x78: {  	_ =	shalt  }
0x79: {  	_ =	shalt  }
0x7a: {  	_ =	shalt  }
0x7b: {  	_ =	shalt  }
0x7c: {  	_ =	shalt  }
0x7d: {  	_ =	shalt  }
0x7e: {  	_ =	shalt  }
0x7f: {  	_ =	shalt  }
0x80: {  	_ =	shalt  }
0x81: {  	_ =	shalt  }
0x82: {  	_ =	shalt  }
0x83: {  	_ =	shalt  }
0x84: {  	_ =	shalt  }
0x85: {  	_ =	shalt  }
0x86: {  	_ =	shalt  }
0x87: {  	_ =	shalt  }
.Lfunc_end0:
.L_simem_size_0:
called_computation_lowered:
.L_overlay_start_0:
0x88: {  	s2 =	sld [smem:$0x3FD9]  }
0x89: {  	s3 =	sld [smem:$0x3FFE];
	_ =	sdelay $0x1  }
0x8a: {  	s1 =	srdreg.scid  }
0x8b: {  	s0 =	sand.u32 $0x1, s1  }
0x8c: {  	s16 =	sshll.u32 s0, $0xA;
	s2 =	sadd.s32 s3, s2  }
0x8d: {  	s2 =	sadd.s32 s2, s16  }
0x8e: {  	[smem:$0x3FC2] =	sst s2  }
0x8f: {  	_ = 	snop  }
0x90: {  	(tm) =	ssettm $0x1  }
0x91: {  	s17 =	sld [smem:$0x3FFB];
	_ =	sdelay $0x3  }
0x92: {  	_ =	strace s17  }
0x93: {  	s2 =	sld [smem:$0x3FFC];
	_ =	sdelay $0x3  }
0x94: {  	_ =	strace s2  }
0x95: {  	s2 =	sld [smem:$0x3FFD];
	_ =	sdelay $0x3  }
0x96: {  	_ =	strace s2  }
0x97: {  	_ =	strace $0x8FFFFFFF  }
0x98: {  	s18 =	sld [smem:$0x3FDB];
	_ =	sdelay $0x1  }
0x99: {  	s19 =	simm.s32 $_scs_section_size  }
0x9a: {  	s4 =	simm.s32 $_size__tile_overlayer_lowered;
	s5 =	simm.s32 $_tile_overlayer_lowered  }
0x9b: {  	s22 =	simm.s32 $0x1BFF;
	s21 =	sshll.u32 s5, $0x1;
	s2 =	sadd.s32 s19, s18  }
0x9c: {  	s6 =	simm.s32 $0x0;
	s20 =	sshll.u32 s4, $0x1;
	s4 =	sadd.s32 s21, s2  }
0x9d: {  	[timem:s6], [sflag:s22] =	dma.local [hbm:s4], s20  }
0x9e: {  	_ =	swait.ge [sflag:s22], s20  }
0x9f: {  	s3 =	ssub.s32 $0x0, s20;
	[sflag:s22] =	ssyncset.done $0x0  }
0xa0: {  	[sflag:s22] =	ssyncadd.s32 s3;
	_ =	sdelay $0x1  }
0xa1: {  	s23 =	simm.s32 $0x1B8B  }
0xa2: {  	_ =	swait.ge [sflag:s23], $0x1  }
0xa3: {  	[sflag:s23] =	ssyncset.done $0x0  }
0xa4: {  	s25 =	simm.s32 $0x1B8E;
	s24 =	sld [smem:$0x3FFE];
	[sflag:s23] =	ssyncadd.s32 $0xFFFFFFFF  }
0xa5: {  	s26 =	simm.s32 $execute0_lowered;
	[smem:$0x3FD2] =	sst s25  }
0xa6: {  	s4 =	sshll.u32 s26, $0x1;
	_ =	strace $0x80000046;
	[dreg:$0x1] =	wrdreg $0xFFFFFFFF  }
0xa7: {  	s28 =	simm.s32 $_size_execute0_lowered;
	s2 =	sadd.s32 s2, s4;
	[dreg:$0x0] =	wrdreg $0x0  }
0xa8: {  	s4 =	sshll.u32 s28, $0x1;
	[dreg:$0x2] =	wrdreg s2  }
0xa9: {  	[dreg:$0x3] =	wrdreg s4  }
0xaa: {  	[dreg:$0x4] =	wrdreg $0xC0  }
0xab: {  	_ =	task [dreg:s6], $0x5FFFF  }
0xac: {  	[dreg:$0x1] =	wrdreg $0xFFFFFFFF  }
0xad: {  	[dreg:$0x0] =	wrdreg $0x60  }
0xae: {  	[dreg:$0x2] =	wrdreg s24  }
0xaf: {  	[dreg:$0x3] =	wrdreg $0x68000  }
0xb0: {  	[dreg:$0x4] =	wrdreg $0x9  }
0xb1: {  	_ =	task.clear_ibuf [dreg:s6], $0x5FFFF;
	_ =	strace $0x90000046  }
0xb2: {  	s29 =	simm.s32 $0x9;
	_ =	strace $0x80000048  }
0xb3: {  	_ =	swait.ge [sflag:s29], $0x1  }
0xb4: {  	[sflag:s29] =	ssyncadd.s32 $0xFFFFFFFF  }
0xb5: {  	_ =	strace $0x90000048  }
0xb6: {  	_ =	sfence  }
0xb7: {  	s30 =	sld [smem:$0x0];
	_ =	sdelay $0x2  }
0xb8: {  	s31 =	sshll.u32 s1, $0xD;
	s1 =	sshrl.u32 s1, $0x2  }
0xb9: {  	s3 =	sand.u32 $0x4000, s31;
	s1 =	sadd.s32 s1, s30  }
0xba: {  	s0 =	sor.u32 s3, s0;
	s1 =	sshll.u32 s1, $0x11  }
0xbb: {  	s0 =	sor.u32 s1, s0  }
0xbc: {  	s0 =	sadd.s32 $0x8F2B, s0  }
0xbd: {  	[sflag:s0] =	ssyncadd.remote.s32 $0x1  }
0xbe: {  	_ =	sfence.sel $0xFFFF  }
0xbf: {  	[dreg:$0x0] =	wrdreg $0xFFFFFFFF;
	(pc) =	sbr.abs _section_cstart, $3  }
0xc0: {  	[dreg:$0x1] =	wrdreg $0xFFFFFFFF  }
0xc1: {  	_ =	task.clear_ibuf [dreg:s6], $0x2FFFF;
	_ =	strace $0x9FFFFFFF  }
0xc2: {  	(tm) =	ssettm $0x7FFFFFFF  }
0xc3: {  	_ =	shalt  }
tec
execute0_lowered:
.L_overlay_start_1:
0x0: {  	(tag) =	ssettag $0x1  }
0x1: {  	s5 =	rddreg [dreg:$0x0]  }
0x2: {  	s0 =	srdreg.scid;
	s2 =	rddreg [dreg:$0x1]  }
0x3: {  	s3 =	simm.s32 $0x0;
	s4 =	sand.u32 $0x1, s0;
	s0 =	stileid.u32  }
0x4: {  	s14 =	simm.s32 $0x1;
	s15 =	simm.s32 $0x0;
	s7 =	smul.u32 $0x14000, s0  }
0x5: {  	[smem:$0x7FF] =	sst s3;
	s1 =	sshll.u32 s4, $0x4;
	s8 =	smul.u32 $0x140000, s4  }
0x6: {  	s26 =	ssub.s32 $0x2, s4;
	s28 =	smul.u32 $0x50000, s0;
	s4 =	sadd.s32 $0xC400, s5  }
0x7: {  	s31 =	sshll.u32 s0, $0x6;
	s1 =	sor.u32 s0, s1;
	s29 =	sshrl.u32 s26, $0x1  }
0x8: {  	s6 =	smul.u32 $0x500, s1;
	s1 =	rddreg [dreg:$0x2];
	_ =	strace $0x80000047  }
0x9: {  	s9 =	sshrl.u32 s7, $0x3;
	s7 =	sadd.s32 s7, s8;
	s12 =	ssub.s32 s26, s29  }
0xa: {  	s30 =	sshrl.u32 s28, $0x2;
	s25 =	sadd.s32 s9, s5;
	s7 =	sshrl.u32 s7, $0x3  }
0xb: {  	s13 =	sadd.s32 s30, s2;
	s9 =	smax.u32 s12, $0x1;
	s12 =	simm.s32 $0x2800  }
0xc: {  	s10 =	sadd.s32 s6, s5;
	s11 =	sadd.s32 s7, s5;
	s5 =	sadd.s32 $0xCC00, s25  }
0xd: {  	s6 =	sor.u32 $0x1C02, s31;
	s7 =	sadd.s32 $0x2400, s10;
	s8 =	sadd.s32 $0x34C00, s11  }
0xe: {  	s10 =	sshrl.u32 s13, $0x3;
	s11 =	simm.s32 $0x2;
	s13 =	simm.s32 $0x80  }
.LBB2_1:
0xf: {  	[spmem:s10], [sflag:s6] =	dma.local [hbm:s5], $0x2800  }
0x10: {  	_ =	swait.ge [sflag:s11], $0x2800  }
0x11: {  	[sflag:s11] =	ssyncset.done $0x0  }
0x12: {  	[sflag:s11] =	ssyncadd.s32 $0xFFFFD800  }
0x13: {  	[tilespmem:s12], [sflag:$0x2] =	stream.linear.gather [hbm4b:s4+s3], $0x4000, $0x38;
	[tilespmem:$0x1A800] =	vst v63  }
0x14: {  	_ =	swait.ge [sflag:s11], $0x4000  }
0x15: {  	[sflag:s11] =	ssyncset.done $0x0  }
0x16: {  	[sflag:s11] =	ssyncadd.s32 $0xFFFFC000  }
0x17: {  	[tilespmem:s3], [sflag:$0x2] =	stream.linear.gather [hbm4b:s7+s3], $0x2800, $0x38;
	[tilespmem:$0x1A800] =	vst v63  }
0x18: {  	_ =	swait.ge [sflag:s11], $0x2800  }
0x19: {  	[sflag:s11] =	ssyncset.done $0x0  }
0x1a: {  	[sflag:s11] =	ssyncadd.s32 $0xFFFFD800  }
0x1b: {  	s16 =	simm.s32 $0x0;
	[bflag:$0x0] =	sbarrier.arrive $0xFFFF  }
0x1c: {  	[spmem:s2] =	stream.indirect.scatter.add.f32 [tilespmem:s12], [sflag:$0x1], $0x80, s16, s13, $0xb8;
	[tilespmem:$0x1A800] =	vst v63  }
0x1d: {  	s24 =	simm.s32 $0x80  }
0x1e: {  	[spmem:s2] =	stream.indirect.scatter.add.f32 [tilespmem:s12], [sflag:$0x1], $0x80, s24, s13, $0xb8;
	[tilespmem:$0x1A800] =	vst v63  }
0x1f: {  	s25 =	simm.s32 $0x100  }
0x20: {  	[spmem:s2] =	stream.indirect.scatter.add.f32 [tilespmem:s12], [sflag:$0x1], $0x80, s25, s13, $0xb8;
	[tilespmem:$0x1A800] =	vst v63  }
0x21: {  	s26 =	simm.s32 $0x180  }
0x22: {  	[spmem:s2] =	stream.indirect.scatter.add.f32 [tilespmem:s12], [sflag:$0x1], $0x80, s26, s13, $0xb8;
	[tilespmem:$0x1A800] =	vst v63  }
0x23: {  	s28 =	simm.s32 $0x200  }
0x24: {  	[spmem:s2] =	stream.indirect.scatter.add.f32 [tilespmem:s12], [sflag:$0x1], $0x80, s28, s13, $0xb8;
	[tilespmem:$0x1A800] =	vst v63  }
0x25: {  	s29 =	simm.s32 $0x280  }
0x26: {  	[spmem:s2] =	stream.indirect.scatter.add.f32 [tilespmem:s12], [sflag:$0x1], $0x80, s29, s13, $0xb8;
	[tilespmem:$0x1A800] =	vst v63  }
0x27: {  	s30 =	simm.s32 $0x300  }
0x28: {  	[spmem:s2] =	stream.indirect.scatter.add.f32 [tilespmem:s12], [sflag:$0x1], $0x80, s30, s13, $0xb8;
	[tilespmem:$0x1A800] =	vst v63  }
0x29: {  	s31 =	simm.s32 $0x380  }
0x2a: {  	[spmem:s2] =	stream.indirect.scatter.add.f32 [tilespmem:s12], [sflag:$0x1], $0x80, s31, s13, $0xb8;
	[tilespmem:$0x1A800] =	vst v63  }
0x2b: {  	_ =	swait.ge [sflag:s14], $0x4000  }
0x2c: {  	[sflag:s14] =	ssyncset.done $0x0  }
0x2d: {  	[sflag:s14] =	ssyncadd.s32 $0xFFFFC000  }
0x2e: {  	_ =	swait.ge [sflag:s14], $0x4000  }
0x2f: {  	[sflag:s14] =	ssyncset.done $0x0  }
0x30: {  	[sflag:s14] =	ssyncadd.s32 $0xFFFFC000  }
0x31: {  	_ =	swait.ge [sflag:s14], $0x4000  }
0x32: {  	[sflag:s14] =	ssyncset.done $0x0  }
0x33: {  	[sflag:s14] =	ssyncadd.s32 $0xFFFFC000  }
0x34: {  	_ =	swait.ge [sflag:s14], $0x4000  }
0x35: {  	[sflag:s14] =	ssyncset.done $0x0  }
0x36: {  	[sflag:s14] =	ssyncadd.s32 $0xFFFFC000  }
0x37: {  	_ =	swait.ge [sflag:s14], $0x4000  }
0x38: {  	[sflag:s14] =	ssyncset.done $0x0  }
0x39: {  	[sflag:s14] =	ssyncadd.s32 $0xFFFFC000  }
0x3a: {  	_ =	swait.ge [sflag:s14], $0x4000  }
0x3b: {  	[sflag:s14] =	ssyncset.done $0x0  }
0x3c: {  	[sflag:s14] =	ssyncadd.s32 $0xFFFFC000  }
0x3d: {  	_ =	swait.ge [sflag:s14], $0x4000  }
0x3e: {  	[sflag:s14] =	ssyncset.done $0x0  }
0x3f: {  	[sflag:s14] =	ssyncadd.s32 $0xFFFFC000  }
0x40: {  	_ =	swait.ge [sflag:s14], $0x4000  }
0x41: {  	s18 =	simm.s32 $0x2000;
	s16 =	simm.s32 $0x1000;
	[sflag:s14] =	ssyncset.done $0x0  }
.LBB2_2:
0x42: {  	s19 =	sshra.s32 s16, $0x2  }
0x43: {  	[sflag:s14] =	ssyncadd.s32 $0xFFFFC000;
	s16 =	smov.u32 s18;
	s17 =	sadd.s32 $0x1000, s18  }
0x44: {  	[spmem:s2] =	stream.indirect.scatter.add.f32 [tilespmem:s12], [sflag:$0x1], $0x80, s19, s13, $0xb8;
	[tilespmem:$0x1A800] =	vst v63  }
0x45: {  	p0 =	sne.s32 s18, $0x9000;
	s18 =	sadd.s32 $0x80, s19  }
0x46: {  	[spmem:s2] =	stream.indirect.scatter.add.f32 [tilespmem:s12], [sflag:$0x1], $0x80, s18, s13, $0xb8;
	[tilespmem:$0x1A800] =	vst v63  }
0x47: {  	s18 =	sadd.s32 $0x100, s19  }
0x48: {  	[spmem:s2] =	stream.indirect.scatter.add.f32 [tilespmem:s12], [sflag:$0x1], $0x80, s18, s13, $0xb8;
	[tilespmem:$0x1A800] =	vst v63  }
0x49: {  	s18 =	sadd.s32 $0x180, s19  }
0x4a: {  	[spmem:s2] =	stream.indirect.scatter.add.f32 [tilespmem:s12], [sflag:$0x1], $0x80, s18, s13, $0xb8;
	[tilespmem:$0x1A800] =	vst v63  }
0x4b: {  	s18 =	sadd.s32 $0x200, s19  }
0x4c: {  	[spmem:s2] =	stream.indirect.scatter.add.f32 [tilespmem:s12], [sflag:$0x1], $0x80, s18, s13, $0xb8;
	[tilespmem:$0x1A800] =	vst v63  }
0x4d: {  	s18 =	sadd.s32 $0x280, s19  }
0x4e: {  	[spmem:s2] =	stream.indirect.scatter.add.f32 [tilespmem:s12], [sflag:$0x1], $0x80, s18, s13, $0xb8;
	[tilespmem:$0x1A800] =	vst v63  }
0x4f: {  	s18 =	sadd.s32 $0x300, s19  }
0x50: {  	[spmem:s2] =	stream.indirect.scatter.add.f32 [tilespmem:s12], [sflag:$0x1], $0x80, s18, s13, $0xb8;
	[tilespmem:$0x1A800] =	vst v63  }
0x51: {  	s18 =	sadd.s32 $0x380, s19  }
0x52: {  	[spmem:s2] =	stream.indirect.scatter.add.f32 [tilespmem:s12], [sflag:$0x1], $0x80, s18, s13, $0xb8;
	[tilespmem:$0x1A800] =	vst v63  }
0x53: {  	_ =	swait.ge [sflag:s14], $0x4000  }
0x54: {  	[sflag:s14] =	ssyncset.done $0x0  }
0x55: {  	[sflag:s14] =	ssyncadd.s32 $0xFFFFC000  }
0x56: {  	_ =	swait.ge [sflag:s14], $0x4000  }
0x57: {  	[sflag:s14] =	ssyncset.done $0x0  }
0x58: {  	[sflag:s14] =	ssyncadd.s32 $0xFFFFC000  }
0x59: {  	_ =	swait.ge [sflag:s14], $0x4000  }
0x5a: {  	[sflag:s14] =	ssyncset.done $0x0  }
0x5b: {  	[sflag:s14] =	ssyncadd.s32 $0xFFFFC000  }
0x5c: {  	_ =	swait.ge [sflag:s14], $0x4000  }
0x5d: {  	[sflag:s14] =	ssyncset.done $0x0  }
0x5e: {  	[sflag:s14] =	ssyncadd.s32 $0xFFFFC000  }
0x5f: {  	_ =	swait.ge [sflag:s14], $0x4000  }
0x60: {  	[sflag:s14] =	ssyncset.done $0x0  }
0x61: {  	[sflag:s14] =	ssyncadd.s32 $0xFFFFC000  }
0x62: {  	_ =	swait.ge [sflag:s14], $0x4000  }
0x63: {  	[sflag:s14] =	ssyncset.done $0x0  }
0x64: {  	[sflag:s14] =	ssyncadd.s32 $0xFFFFC000  }
.Ltmp0:
0x65: {  	_ =	swait.ge [sflag:s14], $0x4000;
	(pc) =	sbr.rel @p0 .LBB2_2-.Ltmp0, $4  }
0x66: {  	[sflag:s14] =	ssyncset.done $0x0  }
0x67: {  	[sflag:s14] =	ssyncadd.s32 $0xFFFFC000  }
0x68: {  	_ =	swait.ge [sflag:s14], $0x4000  }
0x69: {  	s18 =	smov.u32 s17;
	[sflag:s14] =	ssyncset.done $0x0  }
0x6a: {  	s16 =	sshra.s32 s16, $0x2;
	[sflag:s14] =	ssyncadd.s32 $0xFFFFC000  }
0x6b: {  	[spmem:s2] =	stream.indirect.scatter.add.f32 [tilespmem:s12], [sflag:$0x1], $0x80, s16, s13, $0xb8;
	[tilespmem:$0x1A800] =	vst v63  }
0x6c: {  	s17 =	sadd.s32 $0x80, s16  }
0x6d: {  	[spmem:s2] =	stream.indirect.scatter.add.f32 [tilespmem:s12], [sflag:$0x1], $0x80, s17, s13, $0xb8;
	[tilespmem:$0x1A800] =	vst v63  }
0x6e: {  	s26 =	sadd.s32 $0x100, s16  }
0x6f: {  	[spmem:s2] =	stream.indirect.scatter.add.f32 [tilespmem:s12], [sflag:$0x1], $0x80, s26, s13, $0xb8;
	[tilespmem:$0x1A800] =	vst v63  }
0x70: {  	s28 =	sadd.s32 $0x180, s16  }
0x71: {  	[spmem:s2] =	stream.indirect.scatter.add.f32 [tilespmem:s12], [sflag:$0x1], $0x80, s28, s13, $0xb8;
	[tilespmem:$0x1A800] =	vst v63  }
0x72: {  	s29 =	sadd.s32 $0x200, s16  }
0x73: {  	[spmem:s2] =	stream.indirect.scatter.add.f32 [tilespmem:s12], [sflag:$0x1], $0x80, s29, s13, $0xb8;
	[tilespmem:$0x1A800] =	vst v63  }
0x74: {  	s30 =	sadd.s32 $0x280, s16  }
0x75: {  	[spmem:s2] =	stream.indirect.scatter.add.f32 [tilespmem:s12], [sflag:$0x1], $0x80, s30, s13, $0xb8;
	[tilespmem:$0x1A800] =	vst v63  }
0x76: {  	s31 =	sadd.s32 $0x300, s16  }
0x77: {  	[spmem:s2] =	stream.indirect.scatter.add.f32 [tilespmem:s12], [sflag:$0x1], $0x80, s31, s13, $0xb8;
	[tilespmem:$0x1A800] =	vst v63  }
0x78: {  	s16 =	sadd.s32 $0x380, s16  }
0x79: {  	[spmem:s2] =	stream.indirect.scatter.add.f32 [tilespmem:s12], [sflag:$0x1], $0x80, s16, s13, $0xb8;
	[tilespmem:$0x1A800] =	vst v63  }
0x7a: {  	_ =	swait.ge [sflag:s14], $0x4000  }
0x7b: {  	[sflag:s14] =	ssyncset.done $0x0  }
0x7c: {  	[sflag:s14] =	ssyncadd.s32 $0xFFFFC000  }
0x7d: {  	_ =	swait.ge [sflag:s14], $0x4000  }
0x7e: {  	[sflag:s14] =	ssyncset.done $0x0  }
0x7f: {  	[sflag:s14] =	ssyncadd.s32 $0xFFFFC000  }
0x80: {  	_ =	swait.ge [sflag:s14], $0x4000  }
0x81: {  	[sflag:s14] =	ssyncset.done $0x0  }
0x82: {  	[sflag:s14] =	ssyncadd.s32 $0xFFFFC000  }
0x83: {  	_ =	swait.ge [sflag:s14], $0x4000  }
0x84: {  	[sflag:s14] =	ssyncset.done $0x0  }
0x85: {  	[sflag:s14] =	ssyncadd.s32 $0xFFFFC000  }
0x86: {  	_ =	swait.ge [sflag:s14], $0x4000  }
0x87: {  	[sflag:s14] =	ssyncset.done $0x0  }
0x88: {  	[sflag:s14] =	ssyncadd.s32 $0xFFFFC000  }
0x89: {  	_ =	swait.ge [sflag:s14], $0x4000  }
0x8a: {  	[sflag:s14] =	ssyncset.done $0x0  }
0x8b: {  	[sflag:s14] =	ssyncadd.s32 $0xFFFFC000  }
0x8c: {  	_ =	swait.ge [sflag:s14], $0x4000  }
0x8d: {  	[sflag:s14] =	ssyncset.done $0x0  }
0x8e: {  	[sflag:s14] =	ssyncadd.s32 $0xFFFFC000  }
0x8f: {  	_ =	swait.ge [sflag:s14], $0x4000  }
0x90: {  	s15 =	sadd.s32 $0x1, s15;
	[sflag:s14] =	ssyncset.done $0x0  }
0x91: {  	p0 =	sne.s32 s15, s9;
	[sflag:s14] =	ssyncadd.s32 $0xFFFFC000  }
.Ltmp1:
0x92: {  	[bflag:$0x0] =	sbarrier.arrive $0xFFFF;
	(pc) =	sbr.rel @p0 .LBB2_1-.Ltmp1, $4  }
0x93: {  	[hbm:s8], [sflag:s6] =	dma.local [spmem:s10], $0x2800  }
0x94: {  	_ =	swait.ge [sflag:s11], $0x2800  }
0x95: {  	[sflag:s11] =	ssyncset.done $0x0  }
0x96: {  	[sflag:s11] =	ssyncadd.s32 $0xFFFFD800  }
0x97: {  	_ =	sfence.sel $0x180000  }
0x98: {  	[bflag:$0x0] =	sbarrier.arrive $0xFFFF  }
0x99: {  	p0 =	sne.s32 s0, $0x0;
	_ =	strace $0x90000047  }
0x9a: {  	s0 =	sadd.s32 @!p0 $0x100000, s1;
	[bflag:$0x2] =	sbarrier.arrive $0xFFFF  }
0x9b: {  	[sflag:s0] =	ssyncadd.tile.s32 @!p0 $0x1;
	_ =	shalt  }
.Lfunc_end2:
_tile_overlayer_lowered:
.L_overlay_start_2:
0x9c: {  	(tag) =	ssettag $0x2  }
0x9d: {  	s0 =	rddreg [dreg:$0x0];
	s2 =	stileid.u32  }
0x9e: {  	s1 =	rddreg [dreg:$0x1];
	p0 =	sne.s32 s2, $0x0  }
0x9f: {  	s3 =	rddreg [dreg:$0x2];
	[bflag:$0x3] =	sbarrier.arrive $0xFFFF;
	s2 =	simm.s32 @!p0 $0x1C02  }
0xa0: {  	[timem:s3], [sflag:s2] =	dma.local @!p0 [hbm:s0], s1  }
0xa1: {  	s0 =	simm.s32 @!p0 $0x2  }
0xa2: {  	_ =	swait.ge @!p0 [sflag:s0], s1  }
0xa3: {  	s1 =	ssub.s32 @!p0 $0x0, s1;
	[sflag:s0] =	ssyncset.done @!p0 $0x0  }
0xa4: {  	[sflag:s0] =	ssyncadd.s32 @!p0 s1  }
0xa5: {  	[bflag:$0x3] =	sbarrier.arrive $0xFFFF  }
0xa6: {  	_ =	shalt  }

</sc_bundles>
